<compile_context>
chip_gen: v7x
topology: tpu7x:2x2x1
jax: 0.10.2.dev20260603
libtpu: 0.0.44.dev20260713+nightly
codegen_flags: <defaults>
</compile_context>

<pallas_src>
import jax
import jax.numpy as jnp
from jax import lax
from jax.experimental import pallas as pl
from jax.experimental.pallas import tpu as pltpu
from jax.experimental.pallas import tpu_sc as plsc

_C = 128
_NC, _NS = 2, 16
_NW = _NC * _NS
_CHUNK = 64
_NBUF = 8
_PF = 4


def _row_pass(buf, const_regs, r):
    xs = [buf[r, pl.ds(j * 16, 16)] for j in range(8)]
    m = xs[0]
    for j in range(1, 8):
        m = jnp.maximum(m, xs[j])
    n_le = plsc.all_reduce_population_count(m <= 1.0)
    n_eq = plsc.all_reduce_population_count(m == 1.0)
    keep16 = jnp.logical_and(n_le == 16, n_eq > 0)
    for j in range(8):
        buf[r, pl.ds(j * 16, 16)] = jnp.where(keep16, xs[j], const_regs[j])


def _sc_body(cube_hbm, const_hbm, out_hbm, bufs, constv, in_sems, out_sems):
    wid = lax.axis_index("s") * _NC + lax.axis_index("c")
    rows_per_w = out_hbm.shape[0] // _NW
    base = wid * rows_per_w
    nchunk = rows_per_w // _CHUNK
    pltpu.sync_copy(const_hbm, constv)
    const_regs = [constv[pl.ds(j * 16, 16)] for j in range(8)]

    def in_slice(idx):
        return cube_hbm.at[pl.ds(base + idx * _CHUNK, _CHUNK), :]

    def out_slice(idx):
        return out_hbm.at[pl.ds(base + idx * _CHUNK, _CHUNK), :]

    for b in range(_PF):
        pltpu.async_copy(in_slice(b), bufs[b], in_sems[b])

    def super_body(i):
        for b in range(_NBUF):
            idx = i + b
            pf = idx + _PF
            bpf = (b + _PF) % _NBUF

            @pl.when(pf >= _NBUF)
            def _():
                pltpu.make_async_copy(
                    bufs[bpf], out_slice(0), out_sems[bpf]).wait()

            @pl.when(pf < nchunk)
            def _():
                pltpu.async_copy(in_slice(pf), bufs[bpf], in_sems[bpf])

            pltpu.make_async_copy(in_slice(0), bufs[b], in_sems[b]).wait()
            plsc.parallel_loop(0, _CHUNK, 1, unroll=4)(
                lambda r: _row_pass(bufs[b], const_regs, r))
            pltpu.async_copy(bufs[b], out_slice(idx), out_sems[b])

    pl.loop(0, nchunk, step=_NBUF)(super_body)
    for b in range(_NBUF - _PF, _NBUF):
        pltpu.make_async_copy(bufs[b], out_slice(0), out_sems[b]).wait()


def kernel(cayley_cube, constant_distribution):
    b, n, _, c = cayley_cube.shape
    rows = b * n * n
    flat = cayley_cube.reshape(rows, c)
    mesh = plsc.VectorSubcoreMesh(
        core_axis_name="c", subcore_axis_name="s",
        num_cores=_NC, num_subcores=_NS,
    )
    out = pl.kernel(
        _sc_body,
        out_type=jax.ShapeDtypeStruct((rows, c), jnp.float32),
        mesh=mesh,
        compiler_params=pltpu.CompilerParams(needs_layout_passes=False),
        scratch_types=[
            [pltpu.VMEM((_CHUNK, c), jnp.float32) for _ in range(_NBUF)],
            pltpu.VMEM((c,), jnp.float32),
            [pltpu.SemaphoreType.DMA for _ in range(_NBUF)],
            [pltpu.SemaphoreType.DMA for _ in range(_NBUF)],
        ],
    )(flat, constant_distribution)
    return out.reshape(b, n, n, c)

# --- scband reference (transcript-rebuilt; emitter-appended) ---
"""Pipeline reference for scband-constant-baseline-48017734369587 (READ-ONLY COPY).

The authoritative reference and input builder live on the scoring server;
editing this copy changes nothing except your own understanding.
"""

import jax, jax.numpy as jnp
import numpy as np

CARDINALITY = 128
FILL_IN_WITH = 0


def setup_inputs(seed: int = 0) -> dict:
    key = jax.random.key(seed)
    k1, _ = jax.random.split(key)
    cayley_cube = jax.random.normal(k1, (64, 64, 64, CARDINALITY), dtype=jnp.float32)
    constant_distribution = jnp.zeros((CARDINALITY,), dtype=jnp.float32).at[FILL_IN_WITH].set(1.0)
    return {"cayley_cube": cayley_cube, "constant_distribution": constant_distribution}


def reference(cayley_cube, constant_distribution):
    # result = cayley_cube.clone(); result[cayley_cube.max(3).values != 1.0] = constant_distribution
    mask = jnp.max(cayley_cube, axis=3) != 1.0  # [B, n, n]
    result = jnp.where(mask[..., None], constant_distribution, cayley_cube)
    return result

if __name__ == "__main__":
    import jax
    _d = setup_inputs()
    print(jax.jit(kernel)(*tuple(_d.values())))

</pallas_src>

<mosaic_0001>
#map = affine_map<(d0, d1) -> (0, 0)>
#map1 = affine_map<(d0, d1) -> (0)>
module attributes {stable_mosaic.version = 14 : i64} {
  func.func @_sc_body(%arg0: i32, %arg1: i32, %arg2: memref<262144x128xf32, #tpu.memory_space<hbm>>, %arg3: memref<128xf32, #tpu.memory_space<hbm>>, %arg4: memref<262144x128xf32, #tpu.memory_space<hbm>>, %arg5: memref<64x128xf32, #tpu.memory_space<vmem>>, %arg6: memref<64x128xf32, #tpu.memory_space<vmem>>, %arg7: memref<64x128xf32, #tpu.memory_space<vmem>>, %arg8: memref<64x128xf32, #tpu.memory_space<vmem>>, %arg9: memref<64x128xf32, #tpu.memory_space<vmem>>, %arg10: memref<64x128xf32, #tpu.memory_space<vmem>>, %arg11: memref<64x128xf32, #tpu.memory_space<vmem>>, %arg12: memref<64x128xf32, #tpu.memory_space<vmem>>, %arg13: memref<128xf32, #tpu.memory_space<vmem>>, %arg14: memref<!tpu.dma_semaphore, #tpu.memory_space<semaphore_mem>>, %arg15: memref<!tpu.dma_semaphore, #tpu.memory_space<semaphore_mem>>, %arg16: memref<!tpu.dma_semaphore, #tpu.memory_space<semaphore_mem>>, %arg17: memref<!tpu.dma_semaphore, #tpu.memory_space<semaphore_mem>>, %arg18: memref<!tpu.dma_semaphore, #tpu.memory_space<semaphore_mem>>, %arg19: memref<!tpu.dma_semaphore, #tpu.memory_space<semaphore_mem>>, %arg20: memref<!tpu.dma_semaphore, #tpu.memory_space<semaphore_mem>>, %arg21: memref<!tpu.dma_semaphore, #tpu.memory_space<semaphore_mem>>, %arg22: memref<!tpu.dma_semaphore, #tpu.memory_space<semaphore_mem>>, %arg23: memref<!tpu.dma_semaphore, #tpu.memory_space<semaphore_mem>>, %arg24: memref<!tpu.dma_semaphore, #tpu.memory_space<semaphore_mem>>, %arg25: memref<!tpu.dma_semaphore, #tpu.memory_space<semaphore_mem>>, %arg26: memref<!tpu.dma_semaphore, #tpu.memory_space<semaphore_mem>>, %arg27: memref<!tpu.dma_semaphore, #tpu.memory_space<semaphore_mem>>, %arg28: memref<!tpu.dma_semaphore, #tpu.memory_space<semaphore_mem>>, %arg29: memref<!tpu.dma_semaphore, #tpu.memory_space<semaphore_mem>>) attributes {dimension_semantics = [#tpu.dimension_semantics<core_parallel>, #tpu.dimension_semantics<subcore_parallel>], iteration_bounds = array<i64: 2, 16>, scalar_prefetch = 0 : i64, scratch_operands = 25 : i64, tpu.core_type = #tpu.core_type<sc_vector_subcore>, window_params = [{transform_indices = #map}, {transform_indices = #map1}, {transform_indices = #map}]} {
    %mul3A = arith.constant 2 : i32
    %mul3A_0 = arith.muli %arg1, %mul3A : i32
    %add3A = arith.addi %mul3A_0, %arg0 : i32
    %mul3A_1 = arith.constant 8192 : i32
    %mul3A_2 = arith.muli %add3A, %mul3A_1 : i32
    "tpu.region"() ({
      %run_scoped3A = tpu.sem_alloc : memref<!tpu.dma_semaphore, #tpu.memory_space<semaphore_mem>>
      tpu.enqueue_dma source(%arg3 : memref<128xf32, #tpu.memory_space<hbm>>) target(%arg13 : memref<128xf32, #tpu.memory_space<vmem>>) target_semaphore(%run_scoped3A : memref<!tpu.dma_semaphore, #tpu.memory_space<semaphore_mem>>)
      tpu.wait_dma2 semaphore(%run_scoped3A : memref<!tpu.dma_semaphore, #tpu.memory_space<semaphore_mem>>) src(%arg3 : memref<128xf32, #tpu.memory_space<hbm>>) dst(%arg13 : memref<128xf32, #tpu.memory_space<vmem>>)
      tpu.yield
    }) : () -> ()
    %get3A = arith.constant 0 : index
    %get3A_3 = tpu.vector_load %arg13[%get3A] {strides = array<i32>} : memref<128xf32, #tpu.memory_space<vmem>>, vector<16xf32>,
    %get3A_4 = arith.constant 16 : index
    %get3A_5 = tpu.vector_load %arg13[%get3A_4] {strides = array<i32>} : memref<128xf32, #tpu.memory_space<vmem>>, vector<16xf32>,
    %get3A_6 = arith.constant 32 : index
    %get3A_7 = tpu.vector_load %arg13[%get3A_6] {strides = array<i32>} : memref<128xf32, #tpu.memory_space<vmem>>, vector<16xf32>,
    %get3A_8 = arith.constant 48 : index
    %get3A_9 = tpu.vector_load %arg13[%get3A_8] {strides = array<i32>} : memref<128xf32, #tpu.memory_space<vmem>>, vector<16xf32>,
    %get3A_10 = arith.constant 64 : index
    %get3A_11 = tpu.vector_load %arg13[%get3A_10] {strides = array<i32>} : memref<128xf32, #tpu.memory_space<vmem>>, vector<16xf32>,
    %get3A_12 = arith.constant 80 : index
    %get3A_13 = tpu.vector_load %arg13[%get3A_12] {strides = array<i32>} : memref<128xf32, #tpu.memory_space<vmem>>, vector<16xf32>,
    %get3A_14 = arith.constant 96 : index
    %get3A_15 = tpu.vector_load %arg13[%get3A_14] {strides = array<i32>} : memref<128xf32, #tpu.memory_space<vmem>>, vector<16xf32>,
    %get3A_16 = arith.constant 112 : index
    %get3A_17 = tpu.vector_load %arg13[%get3A_16] {strides = array<i32>} : memref<128xf32, #tpu.memory_space<vmem>>, vector<16xf32>,
    %add3A_18 = arith.constant 0 : i32
    %add3A_19 = arith.addi %mul3A_2, %add3A_18 : i32
    %dma_start3A = arith.constant 0 : i32
    %dma_start3A_20 = tpu.memref_slice %arg2[%add3A_19, %dma_start3A] : memref<262144x128xf32, #tpu.memory_space<hbm>> -> memref<64x128xf32, #tpu.memory_space<hbm>>
    %dma_start3A_21 = arith.constant 0 : i32
    %dma_start3A_22 = tpu.memref_slice %arg2[%add3A_19, %dma_start3A_21] : memref<262144x128xf32, #tpu.memory_space<hbm>> -> memref<64x128xf32, #tpu.memory_space<hbm>>
    tpu.enqueue_dma source(%dma_start3A_22 : memref<64x128xf32, #tpu.memory_space<hbm>>) target(%arg5 : memref<64x128xf32, #tpu.memory_space<vmem>>) target_semaphore(%arg14 : memref<!tpu.dma_semaphore, #tpu.memory_space<semaphore_mem>>)
    %add3A_23 = arith.constant 64 : i32
    %add3A_24 = arith.addi %mul3A_2, %add3A_23 : i32
    %dma_start3A_25 = arith.constant 0 : i32
    %dma_start3A_26 = tpu.memref_slice %arg2[%add3A_24, %dma_start3A_25] : memref<262144x128xf32, #tpu.memory_space<hbm>> -> memref<64x128xf32, #tpu.memory_space<hbm>>
    %dma_start3A_27 = arith.constant 0 : i32
    %dma_start3A_28 = tpu.memref_slice %arg2[%add3A_24, %dma_start3A_27] : memref<262144x128xf32, #tpu.memory_space<hbm>> -> memref<64x128xf32, #tpu.memory_space<hbm>>
    tpu.enqueue_dma source(%dma_start3A_28 : memref<64x128xf32, #tpu.memory_space<hbm>>) target(%arg6 : memref<64x128xf32, #tpu.memory_space<vmem>>) target_semaphore(%arg15 : memref<!tpu.dma_semaphore, #tpu.memory_space<semaphore_mem>>)
    %add3A_29 = arith.constant 128 : i32
    %add3A_30 = arith.addi %mul3A_2, %add3A_29 : i32
    %dma_start3A_31 = arith.constant 0 : i32
    %dma_start3A_32 = tpu.memref_slice %arg2[%add3A_30, %dma_start3A_31] : memref<262144x128xf32, #tpu.memory_space<hbm>> -> memref<64x128xf32, #tpu.memory_space<hbm>>
    %dma_start3A_33 = arith.constant 0 : i32
    %dma_start3A_34 = tpu.memref_slice %arg2[%add3A_30, %dma_start3A_33] : memref<262144x128xf32, #tpu.memory_space<hbm>> -> memref<64x128xf32, #tpu.memory_space<hbm>>
    tpu.enqueue_dma source(%dma_start3A_34 : memref<64x128xf32, #tpu.memory_space<hbm>>) target(%arg7 : memref<64x128xf32, #tpu.memory_space<vmem>>) target_semaphore(%arg16 : memref<!tpu.dma_semaphore, #tpu.memory_space<semaphore_mem>>)
    %add3A_35 = arith.constant 192 : i32
    %add3A_36 = arith.addi %mul3A_2, %add3A_35 : i32
    %dma_start3A_37 = arith.constant 0 : i32
    %dma_start3A_38 = tpu.memref_slice %arg2[%add3A_36, %dma_start3A_37] : memref<262144x128xf32, #tpu.memory_space<hbm>> -> memref<64x128xf32, #tpu.memory_space<hbm>>
    %dma_start3A_39 = arith.constant 0 : i32
    %dma_start3A_40 = tpu.memref_slice %arg2[%add3A_36, %dma_start3A_39] : memref<262144x128xf32, #tpu.memory_space<hbm>> -> memref<64x128xf32, #tpu.memory_space<hbm>>
    tpu.enqueue_dma source(%dma_start3A_40 : memref<64x128xf32, #tpu.memory_space<hbm>>) target(%arg8 : memref<64x128xf32, #tpu.memory_space<vmem>>) target_semaphore(%arg17 : memref<!tpu.dma_semaphore, #tpu.memory_space<semaphore_mem>>)
    %scan3A = arith.constant 0 : i32
    %scan3A_41 = arith.constant 16 : i32
    %scan3A_42 = arith.addi %scan3A, %scan3A_41 : i32
    %scan3A_43 = arith.constant 1 : i32
    scf.for %scan3A_68 = %scan3A to %scan3A_42 step %scan3A_43  : i32 {
      %mul3A_69 = arith.constant 8 : i32
      %mul3A_70 = arith.muli %scan3A_68, %mul3A_69 : i32
      %add3A_71 = arith.constant 0 : i32
      %add3A_72 = arith.addi %add3A_71, %mul3A_70 : i32
      %add3A_73 = arith.constant 0 : i32
      %add3A_74 = arith.addi %add3A_72, %add3A_73 : i32
      %add3A_75 = arith.constant 4 : i32
      %add3A_76 = arith.addi %add3A_74, %add3A_75 : i32
      %ge3A = arith.constant 8 : i32
      %ge3A_77 = arith.cmpi sge, %add3A_76, %ge3A : i32
      %convert_element_type3A = arith.extui %ge3A_77 : i1 to i32
      %cond3A = arith.constant 0 : i32
      %cond3A_78 = arith.cmpi ne, %convert_element_type3A, %cond3A : i32
      scf.if %cond3A_78 {
        %add3A_308 = arith.constant 0 : i32
        %add3A_309 = arith.addi %mul3A_2, %add3A_308 : i32
        %dma_wait3A_310 = arith.constant 0 : i32
        %dma_wait3A_311 = tpu.memref_slice %arg4[%add3A_309, %dma_wait3A_310] : memref<262144x128xf32, #tpu.memory_space<hbm>> -> memref<64x128xf32, #tpu.memory_space<hbm>>
        %dma_wait3A_312 = arith.constant 0 : i32
        %dma_wait3A_313 = tpu.memref_slice %arg4[%add3A_309, %dma_wait3A_312] : memref<262144x128xf32, #tpu.memory_space<hbm>> -> memref<64x128xf32, #tpu.memory_space<hbm>>
        tpu.wait_dma2 semaphore(%arg26 : memref<!tpu.dma_semaphore, #tpu.memory_space<semaphore_mem>>) src(%arg9 : memref<64x128xf32, #tpu.memory_space<vmem>>) dst(%dma_wait3A_313 : memref<64x128xf32, #tpu.memory_space<hbm>>)
      } else {
      }
      %lt3A = arith.constant 128 : i32
      %lt3A_79 = arith.cmpi slt, %add3A_76, %lt3A : i32
      %convert_element_type3A_80 = arith.extui %lt3A_79 : i1 to i32
      %cond3A_81 = arith.constant 0 : i32
      %cond3A_82 = arith.cmpi ne, %convert_element_type3A_80, %cond3A_81 : i32
      scf.if %cond3A_82 {
        %mul3A_308 = arith.constant 64 : i32
        %mul3A_309 = arith.muli %add3A_76, %mul3A_308 : i32
        %add3A_310 = arith.addi %mul3A_2, %mul3A_309 : i32
        %dma_start3A_311 = arith.constant 0 : i32
        %dma_start3A_312 = tpu.memref_slice %arg2[%add3A_310, %dma_start3A_311] : memref<262144x128xf32, #tpu.memory_space<hbm>> -> memref<64x128xf32, #tpu.memory_space<hbm>>
        %dma_start3A_313 = arith.constant 0 : i32
        %dma_start3A_314 = tpu.memref_slice %arg2[%add3A_310, %dma_start3A_313] : memref<262144x128xf32, #tpu.memory_space<hbm>> -> memref<64x128xf32, #tpu.memory_space<hbm>>
        tpu.enqueue_dma source(%dma_start3A_314 : memref<64x128xf32, #tpu.memory_space<hbm>>) target(%arg9 : memref<64x128xf32, #tpu.memory_space<vmem>>) target_semaphore(%arg18 : memref<!tpu.dma_semaphore, #tpu.memory_space<semaphore_mem>>)
      } else {
      }
      %add3A_83 = arith.constant 0 : i32
      %add3A_84 = arith.addi %mul3A_2, %add3A_83 : i32
      %dma_wait3A_85 = arith.constant 0 : i32
      %dma_wait3A_86 = tpu.memref_slice %arg2[%add3A_84, %dma_wait3A_85] : memref<262144x128xf32, #tpu.memory_space<hbm>> -> memref<64x128xf32, #tpu.memory_space<hbm>>
      %dma_wait3A_87 = arith.constant 0 : i32
      %dma_wait3A_88 = tpu.memref_slice %arg2[%add3A_84, %dma_wait3A_87] : memref<262144x128xf32, #tpu.memory_space<hbm>> -> memref<64x128xf32, #tpu.memory_space<hbm>>
      tpu.wait_dma2 semaphore(%arg14 : memref<!tpu.dma_semaphore, #tpu.memory_space<semaphore_mem>>) src(%dma_wait3A_88 : memref<64x128xf32, #tpu.memory_space<hbm>>) dst(%arg5 : memref<64x128xf32, #tpu.memory_space<vmem>>)
      %parallel_loop3A = arith.constant 0 : i32
      %parallel_loop3A_89 = arith.constant 64 : i32
      %parallel_loop3A_90 = arith.constant 1 : i32
      scf.for %parallel_loop3A_308 = %parallel_loop3A to %parallel_loop3A_89 step %parallel_loop3A_90  : i32 {
        %parallel_loop3A_309 = arith.index_cast %parallel_loop3A_308 : i32 to index
        %parallel_loop3A_310 = arith.constant 0 : index
        %parallel_loop3A_311 = tpu.vector_load %arg5[%parallel_loop3A_309, %parallel_loop3A_310] {strides = array<i32>} : memref<64x128xf32, #tpu.memory_space<vmem>>, vector<16xf32>,
        %parallel_loop3A_312 = arith.index_cast %parallel_loop3A_308 : i32 to index
        %parallel_loop3A_313 = arith.constant 16 : index
        %parallel_loop3A_314 = tpu.vector_load %arg5[%parallel_loop3A_312, %parallel_loop3A_313] {strides = array<i32>} : memref<64x128xf32, #tpu.memory_space<vmem>>, vector<16xf32>,
        %parallel_loop3A_315 = arith.index_cast %parallel_loop3A_308 : i32 to index
        %parallel_loop3A_316 = arith.constant 32 : index
        %parallel_loop3A_317 = tpu.vector_load %arg5[%parallel_loop3A_315, %parallel_loop3A_316] {strides = array<i32>} : memref<64x128xf32, #tpu.memory_space<vmem>>, vector<16xf32>,
        %parallel_loop3A_318 = arith.index_cast %parallel_loop3A_308 : i32 to index
        %parallel_loop3A_319 = arith.constant 48 : index
        %parallel_loop3A_320 = tpu.vector_load %arg5[%parallel_loop3A_318, %parallel_loop3A_319] {strides = array<i32>} : memref<64x128xf32, #tpu.memory_space<vmem>>, vector<16xf32>,
        %parallel_loop3A_321 = arith.index_cast %parallel_loop3A_308 : i32 to index
        %parallel_loop3A_322 = arith.constant 64 : index
        %parallel_loop3A_323 = tpu.vector_load %arg5[%parallel_loop3A_321, %parallel_loop3A_322] {strides = array<i32>} : memref<64x128xf32, #tpu.memory_space<vmem>>, vector<16xf32>,
        %parallel_loop3A_324 = arith.index_cast %parallel_loop3A_308 : i32 to index
        %parallel_loop3A_325 = arith.constant 80 : index
        %parallel_loop3A_326 = tpu.vector_load %arg5[%parallel_loop3A_324, %parallel_loop3A_325] {strides = array<i32>} : memref<64x128xf32, #tpu.memory_space<vmem>>, vector<16xf32>,
        %parallel_loop3A_327 = arith.index_cast %parallel_loop3A_308 : i32 to index
        %parallel_loop3A_328 = arith.constant 96 : index
        %parallel_loop3A_329 = tpu.vector_load %arg5[%parallel_loop3A_327, %parallel_loop3A_328] {strides = array<i32>} : memref<64x128xf32, #tpu.memory_space<vmem>>, vector<16xf32>,
        %parallel_loop3A_330 = arith.index_cast %parallel_loop3A_308 : i32 to index
        %parallel_loop3A_331 = arith.constant 112 : index
        %parallel_loop3A_332 = tpu.vector_load %arg5[%parallel_loop3A_330, %parallel_loop3A_331] {strides = array<i32>} : memref<64x128xf32, #tpu.memory_space<vmem>>, vector<16xf32>,
        %parallel_loop3A_333 = arith.maximumf %parallel_loop3A_311, %parallel_loop3A_314 : vector<16xf32>
        %parallel_loop3A_334 = arith.maximumf %parallel_loop3A_333, %parallel_loop3A_317 : vector<16xf32>
        %parallel_loop3A_335 = arith.maximumf %parallel_loop3A_334, %parallel_loop3A_320 : vector<16xf32>
        %parallel_loop3A_336 = arith.maximumf %parallel_loop3A_335, %parallel_loop3A_323 : vector<16xf32>
        %parallel_loop3A_337 = arith.maximumf %parallel_loop3A_336, %parallel_loop3A_326 : vector<16xf32>
        %parallel_loop3A_338 = arith.maximumf %parallel_loop3A_337, %parallel_loop3A_329 : vector<16xf32>
        %parallel_loop3A_339 = arith.maximumf %parallel_loop3A_338, %parallel_loop3A_332 : vector<16xf32>
        %parallel_loop3A_340 = arith.constant 1.000000e+00 : f32
        %parallel_loop3A_341 = vector.broadcast %parallel_loop3A_340 : f32 to vector<16xf32>
        %parallel_loop3A_342 = arith.cmpf ole, %parallel_loop3A_339, %parallel_loop3A_341 : vector<16xf32>
        %parallel_loop3A_343 = tpu.all_reduce %parallel_loop3A_342 {dim = 0 : i64, kind = #tpu.reduction_kind<sum>} : vector<16xi1> -> vector<16xi32>
        %parallel_loop3A_344 = arith.constant 1.000000e+00 : f32
        %parallel_loop3A_345 = vector.broadcast %parallel_loop3A_344 : f32 to vector<16xf32>
        %parallel_loop3A_346 = arith.cmpf oeq, %parallel_loop3A_339, %parallel_loop3A_345 : vector<16xf32>
        %parallel_loop3A_347 = tpu.all_reduce %parallel_loop3A_346 {dim = 0 : i64, kind = #tpu.reduction_kind<sum>} : vector<16xi1> -> vector<16xi32>
        %parallel_loop3A_348 = arith.constant 16 : i32
        %parallel_loop3A_349 = vector.broadcast %parallel_loop3A_348 : i32 to vector<16xi32>
        %parallel_loop3A_350 = arith.cmpi eq, %parallel_loop3A_343, %parallel_loop3A_349 : vector<16xi32>
        %parallel_loop3A_351 = arith.constant 0 : i32
        %parallel_loop3A_352 = vector.broadcast %parallel_loop3A_351 : i32 to vector<16xi32>
        %parallel_loop3A_353 = arith.cmpi sgt, %parallel_loop3A_347, %parallel_loop3A_352 : vector<16xi32>
        %parallel_loop3A_354 = arith.andi %parallel_loop3A_350, %parallel_loop3A_353 : vector<16xi1>
        %parallel_loop3A_355 = arith.select %parallel_loop3A_354, %parallel_loop3A_311, %get3A_3 : vector<16xi1>, vector<16xf32>
        %parallel_loop3A_356 = arith.index_cast %parallel_loop3A_308 : i32 to index
        %parallel_loop3A_357 = arith.constant 0 : index
        %parallel_loop3A_358 = tpu.vector_load %arg5[%parallel_loop3A_356, %parallel_loop3A_357] {strides = array<i32>} : memref<64x128xf32, #tpu.memory_space<vmem>>, vector<16xf32>,
        tpu.vector_store %arg5[%parallel_loop3A_356, %parallel_loop3A_357], %parallel_loop3A_355 {strides = array<i32>} : memref<64x128xf32, #tpu.memory_space<vmem>>, vector<16xf32>,
        %parallel_loop3A_359 = arith.select %parallel_loop3A_354, %parallel_loop3A_314, %get3A_5 : vector<16xi1>, vector<16xf32>
        %parallel_loop3A_360 = arith.index_cast %parallel_loop3A_308 : i32 to index
        %parallel_loop3A_361 = arith.constant 16 : index
        %parallel_loop3A_362 = tpu.vector_load %arg5[%parallel_loop3A_360, %parallel_loop3A_361] {strides = array<i32>} : memref<64x128xf32, #tpu.memory_space<vmem>>, vector<16xf32>,
        tpu.vector_store %arg5[%parallel_loop3A_360, %parallel_loop3A_361], %parallel_loop3A_359 {strides = array<i32>} : memref<64x128xf32, #tpu.memory_space<vmem>>, vector<16xf32>,
        %parallel_loop3A_363 = arith.select %parallel_loop3A_354, %parallel_loop3A_317, %get3A_7 : vector<16xi1>, vector<16xf32>
        %parallel_loop3A_364 = arith.index_cast %parallel_loop3A_308 : i32 to index
        %parallel_loop3A_365 = arith.constant 32 : index
        %parallel_loop3A_366 = tpu.vector_load %arg5[%parallel_loop3A_364, %parallel_loop3A_365] {strides = array<i32>} : memref<64x128xf32, #tpu.memory_space<vmem>>, vector<16xf32>,
        tpu.vector_store %arg5[%parallel_loop3A_364, %parallel_loop3A_365], %parallel_loop3A_363 {strides = array<i32>} : memref<64x128xf32, #tpu.memory_space<vmem>>, vector<16xf32>,
        %parallel_loop3A_367 = arith.select %parallel_loop3A_354, %parallel_loop3A_320, %get3A_9 : vector<16xi1>, vector<16xf32>
        %parallel_loop3A_368 = arith.index_cast %parallel_loop3A_308 : i32 to index
        %parallel_loop3A_369 = arith.constant 48 : index
        %parallel_loop3A_370 = tpu.vector_load %arg5[%parallel_loop3A_368, %parallel_loop3A_369] {strides = array<i32>} : memref<64x128xf32, #tpu.memory_space<vmem>>, vector<16xf32>,
        tpu.vector_store %arg5[%parallel_loop3A_368, %parallel_loop3A_369], %parallel_loop3A_367 {strides = array<i32>} : memref<64x128xf32, #tpu.memory_space<vmem>>, vector<16xf32>,
        %parallel_loop3A_371 = arith.select %parallel_loop3A_354, %parallel_loop3A_323, %get3A_11 : vector<16xi1>, vector<16xf32>
        %parallel_loop3A_372 = arith.index_cast %parallel_loop3A_308 : i32 to index
        %parallel_loop3A_373 = arith.constant 64 : index
        %parallel_loop3A_374 = tpu.vector_load %arg5[%parallel_loop3A_372, %parallel_loop3A_373] {strides = array<i32>} : memref<64x128xf32, #tpu.memory_space<vmem>>, vector<16xf32>,
        tpu.vector_store %arg5[%parallel_loop3A_372, %parallel_loop3A_373], %parallel_loop3A_371 {strides = array<i32>} : memref<64x128xf32, #tpu.memory_space<vmem>>, vector<16xf32>,
        %parallel_loop3A_375 = arith.select %parallel_loop3A_354, %parallel_loop3A_326, %get3A_13 : vector<16xi1>, vector<16xf32>
        %parallel_loop3A_376 = arith.index_cast %parallel_loop3A_308 : i32 to index
        %parallel_loop3A_377 = arith.constant 80 : index
        %parallel_loop3A_378 = tpu.vector_load %arg5[%parallel_loop3A_376, %parallel_loop3A_377] {strides = array<i32>} : memref<64x128xf32, #tpu.memory_space<vmem>>, vector<16xf32>,
        tpu.vector_store %arg5[%parallel_loop3A_376, %parallel_loop3A_377], %parallel_loop3A_375 {strides = array<i32>} : memref<64x128xf32, #tpu.memory_space<vmem>>, vector<16xf32>,
        %parallel_loop3A_379 = arith.select %parallel_loop3A_354, %parallel_loop3A_329, %get3A_15 : vector<16xi1>, vector<16xf32>
        %parallel_loop3A_380 = arith.index_cast %parallel_loop3A_308 : i32 to index
        %parallel_loop3A_381 = arith.constant 96 : index
        %parallel_loop3A_382 = tpu.vector_load %arg5[%parallel_loop3A_380, %parallel_loop3A_381] {strides = array<i32>} : memref<64x128xf32, #tpu.memory_space<vmem>>, vector<16xf32>,
        tpu.vector_store %arg5[%parallel_loop3A_380, %parallel_loop3A_381], %parallel_loop3A_379 {strides = array<i32>} : memref<64x128xf32, #tpu.memory_space<vmem>>, vector<16xf32>,
        %parallel_loop3A_383 = arith.select %parallel_loop3A_354, %parallel_loop3A_332, %get3A_17 : vector<16xi1>, vector<16xf32>
        %parallel_loop3A_384 = arith.index_cast %parallel_loop3A_308 : i32 to index
        %parallel_loop3A_385 = arith.constant 112 : index
        %parallel_loop3A_386 = tpu.vector_load %arg5[%parallel_loop3A_384, %parallel_loop3A_385] {strides = array<i32>} : memref<64x128xf32, #tpu.memory_space<vmem>>, vector<16xf32>,
        tpu.vector_store %arg5[%parallel_loop3A_384, %parallel_loop3A_385], %parallel_loop3A_383 {strides = array<i32>} : memref<64x128xf32, #tpu.memory_space<vmem>>, vector<16xf32>,
      } {sc.loop_unroll_factor = 4 : i64, sc.parallel_access}
      %mul3A_91 = arith.constant 64 : i32
      %mul3A_92 = arith.muli %add3A_74, %mul3A_91 : i32
      %add3A_93 = arith.addi %mul3A_2, %mul3A_92 : i32
      %dma_start3A_94 = arith.constant 0 : i32
      %dma_start3A_95 = tpu.memref_slice %arg4[%add3A_93, %dma_start3A_94] : memref<262144x128xf32, #tpu.memory_space<hbm>> -> memref<64x128xf32, #tpu.memory_space<hbm>>
      %dma_start3A_96 = arith.constant 0 : i32
      %dma_start3A_97 = tpu.memref_slice %arg4[%add3A_93, %dma_start3A_96] : memref<262144x128xf32, #tpu.memory_space<hbm>> -> memref<64x128xf32, #tpu.memory_space<hbm>>
      tpu.enqueue_dma source(%arg5 : memref<64x128xf32, #tpu.memory_space<vmem>>) target(%dma_start3A_97 : memref<64x128xf32, #tpu.memory_space<hbm>>) target_semaphore(%arg22 : memref<!tpu.dma_semaphore, #tpu.memory_space<semaphore_mem>>)
      %add3A_98 = arith.constant 1 : i32
      %add3A_99 = arith.addi %add3A_72, %add3A_98 : i32
      %add3A_100 = arith.constant 4 : i32
      %add3A_101 = arith.addi %add3A_99, %add3A_100 : i32
      %ge3A_102 = arith.constant 8 : i32
      %ge3A_103 = arith.cmpi sge, %add3A_101, %ge3A_102 : i32
      %convert_element_type3A_104 = arith.extui %ge3A_103 : i1 to i32
      %cond3A_105 = arith.constant 0 : i32
      %cond3A_106 = arith.cmpi ne, %convert_element_type3A_104, %cond3A_105 : i32
      scf.if %cond3A_106 {
        %add3A_308 = arith.constant 0 : i32
        %add3A_309 = arith.addi %mul3A_2, %add3A_308 : i32
        %dma_wait3A_310 = arith.constant 0 : i32
        %dma_wait3A_311 = tpu.memref_slice %arg4[%add3A_309, %dma_wait3A_310] : memref<262144x128xf32, #tpu.memory_space<hbm>> -> memref<64x128xf32, #tpu.memory_space<hbm>>
        %dma_wait3A_312 = arith.constant 0 : i32
        %dma_wait3A_313 = tpu.memref_slice %arg4[%add3A_309, %dma_wait3A_312] : memref<262144x128xf32, #tpu.memory_space<hbm>> -> memref<64x128xf32, #tpu.memory_space<hbm>>
        tpu.wait_dma2 semaphore(%arg27 : memref<!tpu.dma_semaphore, #tpu.memory_space<semaphore_mem>>) src(%arg10 : memref<64x128xf32, #tpu.memory_space<vmem>>) dst(%dma_wait3A_313 : memref<64x128xf32, #tpu.memory_space<hbm>>)
      } else {
      }
      %lt3A_107 = arith.constant 128 : i32
      %lt3A_108 = arith.cmpi slt, %add3A_101, %lt3A_107 : i32
      %convert_element_type3A_109 = arith.extui %lt3A_108 : i1 to i32
      %cond3A_110 = arith.constant 0 : i32
      %cond3A_111 = arith.cmpi ne, %convert_element_type3A_109, %cond3A_110 : i32
      scf.if %cond3A_111 {
        %mul3A_308 = arith.constant 64 : i32
        %mul3A_309 = arith.muli %add3A_101, %mul3A_308 : i32
        %add3A_310 = arith.addi %mul3A_2, %mul3A_309 : i32
        %dma_start3A_311 = arith.constant 0 : i32
        %dma_start3A_312 = tpu.memref_slice %arg2[%add3A_310, %dma_start3A_311] : memref<262144x128xf32, #tpu.memory_space<hbm>> -> memref<64x128xf32, #tpu.memory_space<hbm>>
        %dma_start3A_313 = arith.constant 0 : i32
        %dma_start3A_314 = tpu.memref_slice %arg2[%add3A_310, %dma_start3A_313] : memref<262144x128xf32, #tpu.memory_space<hbm>> -> memref<64x128xf32, #tpu.memory_space<hbm>>
        tpu.enqueue_dma source(%dma_start3A_314 : memref<64x128xf32, #tpu.memory_space<hbm>>) target(%arg10 : memref<64x128xf32, #tpu.memory_space<vmem>>) target_semaphore(%arg19 : memref<!tpu.dma_semaphore, #tpu.memory_space<semaphore_mem>>)
      } else {
      }
      %add3A_112 = arith.constant 0 : i32
      %add3A_113 = arith.addi %mul3A_2, %add3A_112 : i32
      %dma_wait3A_114 = arith.constant 0 : i32
      %dma_wait3A_115 = tpu.memref_slice %arg2[%add3A_113, %dma_wait3A_114] : memref<262144x128xf32, #tpu.memory_space<hbm>> -> memref<64x128xf32, #tpu.memory_space<hbm>>
      %dma_wait3A_116 = arith.constant 0 : i32
      %dma_wait3A_117 = tpu.memref_slice %arg2[%add3A_113, %dma_wait3A_116] : memref<262144x128xf32, #tpu.memory_space<hbm>> -> memref<64x128xf32, #tpu.memory_space<hbm>>
      tpu.wait_dma2 semaphore(%arg15 : memref<!tpu.dma_semaphore, #tpu.memory_space<semaphore_mem>>) src(%dma_wait3A_117 : memref<64x128xf32, #tpu.memory_space<hbm>>) dst(%arg6 : memref<64x128xf32, #tpu.memory_space<vmem>>)
      %parallel_loop3A_118 = arith.constant 0 : i32
      %parallel_loop3A_119 = arith.constant 64 : i32
      %parallel_loop3A_120 = arith.constant 1 : i32
      scf.for %parallel_loop3A_308 = %parallel_loop3A_118 to %parallel_loop3A_119 step %parallel_loop3A_120  : i32 {
        %parallel_loop3A_309 = arith.index_cast %parallel_loop3A_308 : i32 to index
        %parallel_loop3A_310 = arith.constant 0 : index
        %parallel_loop3A_311 = tpu.vector_load %arg6[%parallel_loop3A_309, %parallel_loop3A_310] {strides = array<i32>} : memref<64x128xf32, #tpu.memory_space<vmem>>, vector<16xf32>,
        %parallel_loop3A_312 = arith.index_cast %parallel_loop3A_308 : i32 to index
        %parallel_loop3A_313 = arith.constant 16 : index
        %parallel_loop3A_314 = tpu.vector_load %arg6[%parallel_loop3A_312, %parallel_loop3A_313] {strides = array<i32>} : memref<64x128xf32, #tpu.memory_space<vmem>>, vector<16xf32>,
        %parallel_loop3A_315 = arith.index_cast %parallel_loop3A_308 : i32 to index
        %parallel_loop3A_316 = arith.constant 32 : index
        %parallel_loop3A_317 = tpu.vector_load %arg6[%parallel_loop3A_315, %parallel_loop3A_316] {strides = array<i32>} : memref<64x128xf32, #tpu.memory_space<vmem>>, vector<16xf32>,
        %parallel_loop3A_318 = arith.index_cast %parallel_loop3A_308 : i32 to index
        %parallel_loop3A_319 = arith.constant 48 : index
        %parallel_loop3A_320 = tpu.vector_load %arg6[%parallel_loop3A_318, %parallel_loop3A_319] {strides = array<i32>} : memref<64x128xf32, #tpu.memory_space<vmem>>, vector<16xf32>,
        %parallel_loop3A_321 = arith.index_cast %parallel_loop3A_308 : i32 to index
        %parallel_loop3A_322 = arith.constant 64 : index
        %parallel_loop3A_323 = tpu.vector_load %arg6[%parallel_loop3A_321, %parallel_loop3A_322] {strides = array<i32>} : memref<64x128xf32, #tpu.memory_space<vmem>>, vector<16xf32>,
        %parallel_loop3A_324 = arith.index_cast %parallel_loop3A_308 : i32 to index
        %parallel_loop3A_325 = arith.constant 80 : index
        %parallel_loop3A_326 = tpu.vector_load %arg6[%parallel_loop3A_324, %parallel_loop3A_325] {strides = array<i32>} : memref<64x128xf32, #tpu.memory_space<vmem>>, vector<16xf32>,
        %parallel_loop3A_327 = arith.index_cast %parallel_loop3A_308 : i32 to index
        %parallel_loop3A_328 = arith.constant 96 : index
        %parallel_loop3A_329 = tpu.vector_load %arg6[%parallel_loop3A_327, %parallel_loop3A_328] {strides = array<i32>} : memref<64x128xf32, #tpu.memory_space<vmem>>, vector<16xf32>,
        %parallel_loop3A_330 = arith.index_cast %parallel_loop3A_308 : i32 to index
        %parallel_loop3A_331 = arith.constant 112 : index
        %parallel_loop3A_332 = tpu.vector_load %arg6[%parallel_loop3A_330, %parallel_loop3A_331] {strides = array<i32>} : memref<64x128xf32, #tpu.memory_space<vmem>>, vector<16xf32>,
        %parallel_loop3A_333 = arith.maximumf %parallel_loop3A_311, %parallel_loop3A_314 : vector<16xf32>
        %parallel_loop3A_334 = arith.maximumf %parallel_loop3A_333, %parallel_loop3A_317 : vector<16xf32>
        %parallel_loop3A_335 = arith.maximumf %parallel_loop3A_334, %parallel_loop3A_320 : vector<16xf32>
        %parallel_loop3A_336 = arith.maximumf %parallel_loop3A_335, %parallel_loop3A_323 : vector<16xf32>
        %parallel_loop3A_337 = arith.maximumf %parallel_loop3A_336, %parallel_loop3A_326 : vector<16xf32>
        %parallel_loop3A_338 = arith.maximumf %parallel_loop3A_337, %parallel_loop3A_329 : vector<16xf32>
        %parallel_loop3A_339 = arith.maximumf %parallel_loop3A_338, %parallel_loop3A_332 : vector<16xf32>
        %parallel_loop3A_340 = arith.constant 1.000000e+00 : f32
        %parallel_loop3A_341 = vector.broadcast %parallel_loop3A_340 : f32 to vector<16xf32>
        %parallel_loop3A_342 = arith.cmpf ole, %parallel_loop3A_339, %parallel_loop3A_341 : vector<16xf32>
        %parallel_loop3A_343 = tpu.all_reduce %parallel_loop3A_342 {dim = 0 : i64, kind = #tpu.reduction_kind<sum>} : vector<16xi1> -> vector<16xi32>
        %parallel_loop3A_344 = arith.constant 1.000000e+00 : f32
        %parallel_loop3A_345 = vector.broadcast %parallel_loop3A_344 : f32 to vector<16xf32>
        %parallel_loop3A_346 = arith.cmpf oeq, %parallel_loop3A_339, %parallel_loop3A_345 : vector<16xf32>
        %parallel_loop3A_347 = tpu.all_reduce %parallel_loop3A_346 {dim = 0 : i64, kind = #tpu.reduction_kind<sum>} : vector<16xi1> -> vector<16xi32>
        %parallel_loop3A_348 = arith.constant 16 : i32
        %parallel_loop3A_349 = vector.broadcast %parallel_loop3A_348 : i32 to vector<16xi32>
        %parallel_loop3A_350 = arith.cmpi eq, %parallel_loop3A_343, %parallel_loop3A_349 : vector<16xi32>
        %parallel_loop3A_351 = arith.constant 0 : i32
        %parallel_loop3A_352 = vector.broadcast %parallel_loop3A_351 : i32 to vector<16xi32>
        %parallel_loop3A_353 = arith.cmpi sgt, %parallel_loop3A_347, %parallel_loop3A_352 : vector<16xi32>
        %parallel_loop3A_354 = arith.andi %parallel_loop3A_350, %parallel_loop3A_353 : vector<16xi1>
        %parallel_loop3A_355 = arith.select %parallel_loop3A_354, %parallel_loop3A_311, %get3A_3 : vector<16xi1>, vector<16xf32>
        %parallel_loop3A_356 = arith.index_cast %parallel_loop3A_308 : i32 to index
        %parallel_loop3A_357 = arith.constant 0 : index
        %parallel_loop3A_358 = tpu.vector_load %arg6[%parallel_loop3A_356, %parallel_loop3A_357] {strides = array<i32>} : memref<64x128xf32, #tpu.memory_space<vmem>>, vector<16xf32>,
        tpu.vector_store %arg6[%parallel_loop3A_356, %parallel_loop3A_357], %parallel_loop3A_355 {strides = array<i32>} : memref<64x128xf32, #tpu.memory_space<vmem>>, vector<16xf32>,
        %parallel_loop3A_359 = arith.select %parallel_loop3A_354, %parallel_loop3A_314, %get3A_5 : vector<16xi1>, vector<16xf32>
        %parallel_loop3A_360 = arith.index_cast %parallel_loop3A_308 : i32 to index
        %parallel_loop3A_361 = arith.constant 16 : index
        %parallel_loop3A_362 = tpu.vector_load %arg6[%parallel_loop3A_360, %parallel_loop3A_361] {strides = array<i32>} : memref<64x128xf32, #tpu.memory_space<vmem>>, vector<16xf32>,
        tpu.vector_store %arg6[%parallel_loop3A_360, %parallel_loop3A_361], %parallel_loop3A_359 {strides = array<i32>} : memref<64x128xf32, #tpu.memory_space<vmem>>, vector<16xf32>,
        %parallel_loop3A_363 = arith.select %parallel_loop3A_354, %parallel_loop3A_317, %get3A_7 : vector<16xi1>, vector<16xf32>
        %parallel_loop3A_364 = arith.index_cast %parallel_loop3A_308 : i32 to index
        %parallel_loop3A_365 = arith.constant 32 : index
        %parallel_loop3A_366 = tpu.vector_load %arg6[%parallel_loop3A_364, %parallel_loop3A_365] {strides = array<i32>} : memref<64x128xf32, #tpu.memory_space<vmem>>, vector<16xf32>,
        tpu.vector_store %arg6[%parallel_loop3A_364, %parallel_loop3A_365], %parallel_loop3A_363 {strides = array<i32>} : memref<64x128xf32, #tpu.memory_space<vmem>>, vector<16xf32>,
        %parallel_loop3A_367 = arith.select %parallel_loop3A_354, %parallel_loop3A_320, %get3A_9 : vector<16xi1>, vector<16xf32>
        %parallel_loop3A_368 = arith.index_cast %parallel_loop3A_308 : i32 to index
        %parallel_loop3A_369 = arith.constant 48 : index
        %parallel_loop3A_370 = tpu.vector_load %arg6[%parallel_loop3A_368, %parallel_loop3A_369] {strides = array<i32>} : memref<64x128xf32, #tpu.memory_space<vmem>>, vector<16xf32>,
        tpu.vector_store %arg6[%parallel_loop3A_368, %parallel_loop3A_369], %parallel_loop3A_367 {strides = array<i32>} : memref<64x128xf32, #tpu.memory_space<vmem>>, vector<16xf32>,
        %parallel_loop3A_371 = arith.select %parallel_loop3A_354, %parallel_loop3A_323, %get3A_11 : vector<16xi1>, vector<16xf32>
        %parallel_loop3A_372 = arith.index_cast %parallel_loop3A_308 : i32 to index
        %parallel_loop3A_373 = arith.constant 64 : index
        %parallel_loop3A_374 = tpu.vector_load %arg6[%parallel_loop3A_372, %parallel_loop3A_373] {strides = array<i32>} : memref<64x128xf32, #tpu.memory_space<vmem>>, vector<16xf32>,
        tpu.vector_store %arg6[%parallel_loop3A_372, %parallel_loop3A_373], %parallel_loop3A_371 {strides = array<i32>} : memref<64x128xf32, #tpu.memory_space<vmem>>, vector<16xf32>,
        %parallel_loop3A_375 = arith.select %parallel_loop3A_354, %parallel_loop3A_326, %get3A_13 : vector<16xi1>, vector<16xf32>
        %parallel_loop3A_376 = arith.index_cast %parallel_loop3A_308 : i32 to index
        %parallel_loop3A_377 = arith.constant 80 : index
        %parallel_loop3A_378 = tpu.vector_load %arg6[%parallel_loop3A_376, %parallel_loop3A_377] {strides = array<i32>} : memref<64x128xf32, #tpu.memory_space<vmem>>, vector<16xf32>,
        tpu.vector_store %arg6[%parallel_loop3A_376, %parallel_loop3A_377], %parallel_loop3A_375 {strides = array<i32>} : memref<64x128xf32, #tpu.memory_space<vmem>>, vector<16xf32>,
        %parallel_loop3A_379 = arith.select %parallel_loop3A_354, %parallel_loop3A_329, %get3A_15 : vector<16xi1>, vector<16xf32>
        %parallel_loop3A_380 = arith.index_cast %parallel_loop3A_308 : i32 to index
        %parallel_loop3A_381 = arith.constant 96 : index
        %parallel_loop3A_382 = tpu.vector_load %arg6[%parallel_loop3A_380, %parallel_loop3A_381] {strides = array<i32>} : memref<64x128xf32, #tpu.memory_space<vmem>>, vector<16xf32>,
        tpu.vector_store %arg6[%parallel_loop3A_380, %parallel_loop3A_381], %parallel_loop3A_379 {strides = array<i32>} : memref<64x128xf32, #tpu.memory_space<vmem>>, vector<16xf32>,
        %parallel_loop3A_383 = arith.select %parallel_loop3A_354, %parallel_loop3A_332, %get3A_17 : vector<16xi1>, vector<16xf32>
        %parallel_loop3A_384 = arith.index_cast %parallel_loop3A_308 : i32 to index
        %parallel_loop3A_385 = arith.constant 112 : index
        %parallel_loop3A_386 = tpu.vector_load %arg6[%parallel_loop3A_384, %parallel_loop3A_385] {strides = array<i32>} : memref<64x128xf32, #tpu.memory_space<vmem>>, vector<16xf32>,
        tpu.vector_store %arg6[%parallel_loop3A_384, %parallel_loop3A_385], %parallel_loop3A_383 {strides = array<i32>} : memref<64x128xf32, #tpu.memory_space<vmem>>, vector<16xf32>,
      } {sc.loop_unroll_factor = 4 : i64, sc.parallel_access}
      %mul3A_121 = arith.constant 64 : i32
      %mul3A_122 = arith.muli %add3A_99, %mul3A_121 : i32
      %add3A_123 = arith.addi %mul3A_2, %mul3A_122 : i32
      %dma_start3A_124 = arith.constant 0 : i32
      %dma_start3A_125 = tpu.memref_slice %arg4[%add3A_123, %dma_start3A_124] : memref<262144x128xf32, #tpu.memory_space<hbm>> -> memref<64x128xf32, #tpu.memory_space<hbm>>
      %dma_start3A_126 = arith.constant 0 : i32
      %dma_start3A_127 = tpu.memref_slice %arg4[%add3A_123, %dma_start3A_126] : memref<262144x128xf32, #tpu.memory_space<hbm>> -> memref<64x128xf32, #tpu.memory_space<hbm>>
      tpu.enqueue_dma source(%arg6 : memref<64x128xf32, #tpu.memory_space<vmem>>) target(%dma_start3A_127 : memref<64x128xf32, #tpu.memory_space<hbm>>) target_semaphore(%arg23 : memref<!tpu.dma_semaphore, #tpu.memory_space<semaphore_mem>>)
      %add3A_128 = arith.constant 2 : i32
      %add3A_129 = arith.addi %add3A_72, %add3A_128 : i32
      %add3A_130 = arith.constant 4 : i32
      %add3A_131 = arith.addi %add3A_129, %add3A_130 : i32
      %ge3A_132 = arith.constant 8 : i32
      %ge3A_133 = arith.cmpi sge, %add3A_131, %ge3A_132 : i32
      %convert_element_type3A_134 = arith.extui %ge3A_133 : i1 to i32
      %cond3A_135 = arith.constant 0 : i32
      %cond3A_136 = arith.cmpi ne, %convert_element_type3A_134, %cond3A_135 : i32
      scf.if %cond3A_136 {
        %add3A_308 = arith.constant 0 : i32
        %add3A_309 = arith.addi %mul3A_2, %add3A_308 : i32
        %dma_wait3A_310 = arith.constant 0 : i32
        %dma_wait3A_311 = tpu.memref_slice %arg4[%add3A_309, %dma_wait3A_310] : memref<262144x128xf32, #tpu.memory_space<hbm>> -> memref<64x128xf32, #tpu.memory_space<hbm>>
        %dma_wait3A_312 = arith.constant 0 : i32
        %dma_wait3A_313 = tpu.memref_slice %arg4[%add3A_309, %dma_wait3A_312] : memref<262144x128xf32, #tpu.memory_space<hbm>> -> memref<64x128xf32, #tpu.memory_space<hbm>>
        tpu.wait_dma2 semaphore(%arg28 : memref<!tpu.dma_semaphore, #tpu.memory_space<semaphore_mem>>) src(%arg11 : memref<64x128xf32, #tpu.memory_space<vmem>>) dst(%dma_wait3A_313 : memref<64x128xf32, #tpu.memory_space<hbm>>)
      } else {
      }
      %lt3A_137 = arith.constant 128 : i32
      %lt3A_138 = arith.cmpi slt, %add3A_131, %lt3A_137 : i32
      %convert_element_type3A_139 = arith.extui %lt3A_138 : i1 to i32
      %cond3A_140 = arith.constant 0 : i32
      %cond3A_141 = arith.cmpi ne, %convert_element_type3A_139, %cond3A_140 : i32
      scf.if %cond3A_141 {
        %mul3A_308 = arith.constant 64 : i32
        %mul3A_309 = arith.muli %add3A_131, %mul3A_308 : i32
        %add3A_310 = arith.addi %mul3A_2, %mul3A_309 : i32
        %dma_start3A_311 = arith.constant 0 : i32
        %dma_start3A_312 = tpu.memref_slice %arg2[%add3A_310, %dma_start3A_311] : memref<262144x128xf32, #tpu.memory_space<hbm>> -> memref<64x128xf32, #tpu.memory_space<hbm>>
        %dma_start3A_313 = arith.constant 0 : i32
        %dma_start3A_314 = tpu.memref_slice %arg2[%add3A_310, %dma_start3A_313] : memref<262144x128xf32, #tpu.memory_space<hbm>> -> memref<64x128xf32, #tpu.memory_space<hbm>>
        tpu.enqueue_dma source(%dma_start3A_314 : memref<64x128xf32, #tpu.memory_space<hbm>>) target(%arg11 : memref<64x128xf32, #tpu.memory_space<vmem>>) target_semaphore(%arg20 : memref<!tpu.dma_semaphore, #tpu.memory_space<semaphore_mem>>)
      } else {
      }
      %add3A_142 = arith.constant 0 : i32
      %add3A_143 = arith.addi %mul3A_2, %add3A_142 : i32
      %dma_wait3A_144 = arith.constant 0 : i32
      %dma_wait3A_145 = tpu.memref_slice %arg2[%add3A_143, %dma_wait3A_144] : memref<262144x128xf32, #tpu.memory_space<hbm>> -> memref<64x128xf32, #tpu.memory_space<hbm>>
      %dma_wait3A_146 = arith.constant 0 : i32
      %dma_wait3A_147 = tpu.memref_slice %arg2[%add3A_143, %dma_wait3A_146] : memref<262144x128xf32, #tpu.memory_space<hbm>> -> memref<64x128xf32, #tpu.memory_space<hbm>>
      tpu.wait_dma2 semaphore(%arg16 : memref<!tpu.dma_semaphore, #tpu.memory_space<semaphore_mem>>) src(%dma_wait3A_147 : memref<64x128xf32, #tpu.memory_space<hbm>>) dst(%arg7 : memref<64x128xf32, #tpu.memory_space<vmem>>)
      %parallel_loop3A_148 = arith.constant 0 : i32
      %parallel_loop3A_149 = arith.constant 64 : i32
      %parallel_loop3A_150 = arith.constant 1 : i32
      scf.for %parallel_loop3A_308 = %parallel_loop3A_148 to %parallel_loop3A_149 step %parallel_loop3A_150  : i32 {
        %parallel_loop3A_309 = arith.index_cast %parallel_loop3A_308 : i32 to index
        %parallel_loop3A_310 = arith.constant 0 : index
        %parallel_loop3A_311 = tpu.vector_load %arg7[%parallel_loop3A_309, %parallel_loop3A_310] {strides = array<i32>} : memref<64x128xf32, #tpu.memory_space<vmem>>, vector<16xf32>,
        %parallel_loop3A_312 = arith.index_cast %parallel_loop3A_308 : i32 to index
        %parallel_loop3A_313 = arith.constant 16 : index
        %parallel_loop3A_314 = tpu.vector_load %arg7[%parallel_loop3A_312, %parallel_loop3A_313] {strides = array<i32>} : memref<64x128xf32, #tpu.memory_space<vmem>>, vector<16xf32>,
        %parallel_loop3A_315 = arith.index_cast %parallel_loop3A_308 : i32 to index
        %parallel_loop3A_316 = arith.constant 32 : index
        %parallel_loop3A_317 = tpu.vector_load %arg7[%parallel_loop3A_315, %parallel_loop3A_316] {strides = array<i32>} : memref<64x128xf32, #tpu.memory_space<vmem>>, vector<16xf32>,
        %parallel_loop3A_318 = arith.index_cast %parallel_loop3A_308 : i32 to index
        %parallel_loop3A_319 = arith.constant 48 : index
        %parallel_loop3A_320 = tpu.vector_load %arg7[%parallel_loop3A_318, %parallel_loop3A_319] {strides = array<i32>} : memref<64x128xf32, #tpu.memory_space<vmem>>, vector<16xf32>,
        %parallel_loop3A_321 = arith.index_cast %parallel_loop3A_308 : i32 to index
        %parallel_loop3A_322 = arith.constant 64 : index
        %parallel_loop3A_323 = tpu.vector_load %arg7[%parallel_loop3A_321, %parallel_loop3A_322] {strides = array<i32>} : memref<64x128xf32, #tpu.memory_space<vmem>>, vector<16xf32>,
        %parallel_loop3A_324 = arith.index_cast %parallel_loop3A_308 : i32 to index
        %parallel_loop3A_325 = arith.constant 80 : index
        %parallel_loop3A_326 = tpu.vector_load %arg7[%parallel_loop3A_324, %parallel_loop3A_325] {strides = array<i32>} : memref<64x128xf32, #tpu.memory_space<vmem>>, vector<16xf32>,
        %parallel_loop3A_327 = arith.index_cast %parallel_loop3A_308 : i32 to index
        %parallel_loop3A_328 = arith.constant 96 : index
        %parallel_loop3A_329 = tpu.vector_load %arg7[%parallel_loop3A_327, %parallel_loop3A_328] {strides = array<i32>} : memref<64x128xf32, #tpu.memory_space<vmem>>, vector<16xf32>,
        %parallel_loop3A_330 = arith.index_cast %parallel_loop3A_308 : i32 to index
        %parallel_loop3A_331 = arith.constant 112 : index
        %parallel_loop3A_332 = tpu.vector_load %arg7[%parallel_loop3A_330, %parallel_loop3A_331] {strides = array<i32>} : memref<64x128xf32, #tpu.memory_space<vmem>>, vector<16xf32>,
        %parallel_loop3A_333 = arith.maximumf %parallel_loop3A_311, %parallel_loop3A_314 : vector<16xf32>
        %parallel_loop3A_334 = arith.maximumf %parallel_loop3A_333, %parallel_loop3A_317 : vector<16xf32>
        %parallel_loop3A_335 = arith.maximumf %parallel_loop3A_334, %parallel_loop3A_320 : vector<16xf32>
        %parallel_loop3A_336 = arith.maximumf %parallel_loop3A_335, %parallel_loop3A_323 : vector<16xf32>
        %parallel_loop3A_337 = arith.maximumf %parallel_loop3A_336, %parallel_loop3A_326 : vector<16xf32>
        %parallel_loop3A_338 = arith.maximumf %parallel_loop3A_337, %parallel_loop3A_329 : vector<16xf32>
        %parallel_loop3A_339 = arith.maximumf %parallel_loop3A_338, %parallel_loop3A_332 : vector<16xf32>
        %parallel_loop3A_340 = arith.constant 1.000000e+00 : f32
        %parallel_loop3A_341 = vector.broadcast %parallel_loop3A_340 : f32 to vector<16xf32>
        %parallel_loop3A_342 = arith.cmpf ole, %parallel_loop3A_339, %parallel_loop3A_341 : vector<16xf32>
        %parallel_loop3A_343 = tpu.all_reduce %parallel_loop3A_342 {dim = 0 : i64, kind = #tpu.reduction_kind<sum>} : vector<16xi1> -> vector<16xi32>
        %parallel_loop3A_344 = arith.constant 1.000000e+00 : f32
        %parallel_loop3A_345 = vector.broadcast %parallel_loop3A_344 : f32 to vector<16xf32>
        %parallel_loop3A_346 = arith.cmpf oeq, %parallel_loop3A_339, %parallel_loop3A_345 : vector<16xf32>
        %parallel_loop3A_347 = tpu.all_reduce %parallel_loop3A_346 {dim = 0 : i64, kind = #tpu.reduction_kind<sum>} : vector<16xi1> -> vector<16xi32>
        %parallel_loop3A_348 = arith.constant 16 : i32
        %parallel_loop3A_349 = vector.broadcast %parallel_loop3A_348 : i32 to vector<16xi32>
        %parallel_loop3A_350 = arith.cmpi eq, %parallel_loop3A_343, %parallel_loop3A_349 : vector<16xi32>
        %parallel_loop3A_351 = arith.constant 0 : i32
        %parallel_loop3A_352 = vector.broadcast %parallel_loop3A_351 : i32 to vector<16xi32>
        %parallel_loop3A_353 = arith.cmpi sgt, %parallel_loop3A_347, %parallel_loop3A_352 : vector<16xi32>
        %parallel_loop3A_354 = arith.andi %parallel_loop3A_350, %parallel_loop3A_353 : vector<16xi1>
        %parallel_loop3A_355 = arith.select %parallel_loop3A_354, %parallel_loop3A_311, %get3A_3 : vector<16xi1>, vector<16xf32>
        %parallel_loop3A_356 = arith.index_cast %parallel_loop3A_308 : i32 to index
        %parallel_loop3A_357 = arith.constant 0 : index
        %parallel_loop3A_358 = tpu.vector_load %arg7[%parallel_loop3A_356, %parallel_loop3A_357] {strides = array<i32>} : memref<64x128xf32, #tpu.memory_space<vmem>>, vector<16xf32>,
        tpu.vector_store %arg7[%parallel_loop3A_356, %parallel_loop3A_357], %parallel_loop3A_355 {strides = array<i32>} : memref<64x128xf32, #tpu.memory_space<vmem>>, vector<16xf32>,
        %parallel_loop3A_359 = arith.select %parallel_loop3A_354, %parallel_loop3A_314, %get3A_5 : vector<16xi1>, vector<16xf32>
        %parallel_loop3A_360 = arith.index_cast %parallel_loop3A_308 : i32 to index
        %parallel_loop3A_361 = arith.constant 16 : index
        %parallel_loop3A_362 = tpu.vector_load %arg7[%parallel_loop3A_360, %parallel_loop3A_361] {strides = array<i32>} : memref<64x128xf32, #tpu.memory_space<vmem>>, vector<16xf32>,
        tpu.vector_store %arg7[%parallel_loop3A_360, %parallel_loop3A_361], %parallel_loop3A_359 {strides = array<i32>} : memref<64x128xf32, #tpu.memory_space<vmem>>, vector<16xf32>,
        %parallel_loop3A_363 = arith.select %parallel_loop3A_354, %parallel_loop3A_317, %get3A_7 : vector<16xi1>, vector<16xf32>
        %parallel_loop3A_364 = arith.index_cast %parallel_loop3A_308 : i32 to index
        %parallel_loop3A_365 = arith.constant 32 : index
        %parallel_loop3A_366 = tpu.vector_load %arg7[%parallel_loop3A_364, %parallel_loop3A_365] {strides = array<i32>} : memref<64x128xf32, #tpu.memory_space<vmem>>, vector<16xf32>,
        tpu.vector_store %arg7[%parallel_loop3A_364, %parallel_loop3A_365], %parallel_loop3A_363 {strides = array<i32>} : memref<64x128xf32, #tpu.memory_space<vmem>>, vector<16xf32>,
        %parallel_loop3A_367 = arith.select %parallel_loop3A_354, %parallel_loop3A_320, %get3A_9 : vector<16xi1>, vector<16xf32>
        %parallel_loop3A_368 = arith.index_cast %parallel_loop3A_308 : i32 to index
        %parallel_loop3A_369 = arith.constant 48 : index
        %parallel_loop3A_370 = tpu.vector_load %arg7[%parallel_loop3A_368, %parallel_loop3A_369] {strides = array<i32>} : memref<64x128xf32, #tpu.memory_space<vmem>>, vector<16xf32>,
        tpu.vector_store %arg7[%parallel_loop3A_368, %parallel_loop3A_369], %parallel_loop3A_367 {strides = array<i32>} : memref<64x128xf32, #tpu.memory_space<vmem>>, vector<16xf32>,
        %parallel_loop3A_371 = arith.select %parallel_loop3A_354, %parallel_loop3A_323, %get3A_11 : vector<16xi1>, vector<16xf32>
        %parallel_loop3A_372 = arith.index_cast %parallel_loop3A_308 : i32 to index
        %parallel_loop3A_373 = arith.constant 64 : index
        %parallel_loop3A_374 = tpu.vector_load %arg7[%parallel_loop3A_372, %parallel_loop3A_373] {strides = array<i32>} : memref<64x128xf32, #tpu.memory_space<vmem>>, vector<16xf32>,
        tpu.vector_store %arg7[%parallel_loop3A_372, %parallel_loop3A_373], %parallel_loop3A_371 {strides = array<i32>} : memref<64x128xf32, #tpu.memory_space<vmem>>, vector<16xf32>,
        %parallel_loop3A_375 = arith.select %parallel_loop3A_354, %parallel_loop3A_326, %get3A_13 : vector<16xi1>, vector<16xf32>
        %parallel_loop3A_376 = arith.index_cast %parallel_loop3A_308 : i32 to index
        %parallel_loop3A_377 = arith.constant 80 : index
        %parallel_loop3A_378 = tpu.vector_load %arg7[%parallel_loop3A_376, %parallel_loop3A_377] {strides = array<i32>} : memref<64x128xf32, #tpu.memory_space<vmem>>, vector<16xf32>,
        tpu.vector_store %arg7[%parallel_loop3A_376, %parallel_loop3A_377], %parallel_loop3A_375 {strides = array<i32>} : memref<64x128xf32, #tpu.memory_space<vmem>>, vector<16xf32>,
        %parallel_loop3A_379 = arith.select %parallel_loop3A_354, %parallel_loop3A_329, %get3A_15 : vector<16xi1>, vector<16xf32>
        %parallel_loop3A_380 = arith.index_cast %parallel_loop3A_308 : i32 to index
        %parallel_loop3A_381 = arith.constant 96 : index
        %parallel_loop3A_382 = tpu.vector_load %arg7[%parallel_loop3A_380, %parallel_loop3A_381] {strides = array<i32>} : memref<64x128xf32, #tpu.memory_space<vmem>>, vector<16xf32>,
        tpu.vector_store %arg7[%parallel_loop3A_380, %parallel_loop3A_381], %parallel_loop3A_379 {strides = array<i32>} : memref<64x128xf32, #tpu.memory_space<vmem>>, vector<16xf32>,
        %parallel_loop3A_383 = arith.select %parallel_loop3A_354, %parallel_loop3A_332, %get3A_17 : vector<16xi1>, vector<16xf32>
        %parallel_loop3A_384 = arith.index_cast %parallel_loop3A_308 : i32 to index
        %parallel_loop3A_385 = arith.constant 112 : index
        %parallel_loop3A_386 = tpu.vector_load %arg7[%parallel_loop3A_384, %parallel_loop3A_385] {strides = array<i32>} : memref<64x128xf32, #tpu.memory_space<vmem>>, vector<16xf32>,
        tpu.vector_store %arg7[%parallel_loop3A_384, %parallel_loop3A_385], %parallel_loop3A_383 {strides = array<i32>} : memref<64x128xf32, #tpu.memory_space<vmem>>, vector<16xf32>,
      } {sc.loop_unroll_factor = 4 : i64, sc.parallel_access}
      %mul3A_151 = arith.constant 64 : i32
      %mul3A_152 = arith.muli %add3A_129, %mul3A_151 : i32
      %add3A_153 = arith.addi %mul3A_2, %mul3A_152 : i32
      %dma_start3A_154 = arith.constant 0 : i32
      %dma_start3A_155 = tpu.memref_slice %arg4[%add3A_153, %dma_start3A_154] : memref<262144x128xf32, #tpu.memory_space<hbm>> -> memref<64x128xf32, #tpu.memory_space<hbm>>
      %dma_start3A_156 = arith.constant 0 : i32
      %dma_start3A_157 = tpu.memref_slice %arg4[%add3A_153, %dma_start3A_156] : memref<262144x128xf32, #tpu.memory_space<hbm>> -> memref<64x128xf32, #tpu.memory_space<hbm>>
      tpu.enqueue_dma source(%arg7 : memref<64x128xf32, #tpu.memory_space<vmem>>) target(%dma_start3A_157 : memref<64x128xf32, #tpu.memory_space<hbm>>) target_semaphore(%arg24 : memref<!tpu.dma_semaphore, #tpu.memory_space<semaphore_mem>>)
      %add3A_158 = arith.constant 3 : i32
      %add3A_159 = arith.addi %add3A_72, %add3A_158 : i32
      %add3A_160 = arith.constant 4 : i32
      %add3A_161 = arith.addi %add3A_159, %add3A_160 : i32
      %ge3A_162 = arith.constant 8 : i32
      %ge3A_163 = arith.cmpi sge, %add3A_161, %ge3A_162 : i32
      %convert_element_type3A_164 = arith.extui %ge3A_163 : i1 to i32
      %cond3A_165 = arith.constant 0 : i32
      %cond3A_166 = arith.cmpi ne, %convert_element_type3A_164, %cond3A_165 : i32
      scf.if %cond3A_166 {
        %add3A_308 = arith.constant 0 : i32
        %add3A_309 = arith.addi %mul3A_2, %add3A_308 : i32
        %dma_wait3A_310 = arith.constant 0 : i32
        %dma_wait3A_311 = tpu.memref_slice %arg4[%add3A_309, %dma_wait3A_310] : memref<262144x128xf32, #tpu.memory_space<hbm>> -> memref<64x128xf32, #tpu.memory_space<hbm>>
        %dma_wait3A_312 = arith.constant 0 : i32
        %dma_wait3A_313 = tpu.memref_slice %arg4[%add3A_309, %dma_wait3A_312] : memref<262144x128xf32, #tpu.memory_space<hbm>> -> memref<64x128xf32, #tpu.memory_space<hbm>>
        tpu.wait_dma2 semaphore(%arg29 : memref<!tpu.dma_semaphore, #tpu.memory_space<semaphore_mem>>) src(%arg12 : memref<64x128xf32, #tpu.memory_space<vmem>>) dst(%dma_wait3A_313 : memref<64x128xf32, #tpu.memory_space<hbm>>)
      } else {
      }
      %lt3A_167 = arith.constant 128 : i32
      %lt3A_168 = arith.cmpi slt, %add3A_161, %lt3A_167 : i32
      %convert_element_type3A_169 = arith.extui %lt3A_168 : i1 to i32
      %cond3A_170 = arith.constant 0 : i32
      %cond3A_171 = arith.cmpi ne, %convert_element_type3A_169, %cond3A_170 : i32
      scf.if %cond3A_171 {
        %mul3A_308 = arith.constant 64 : i32
        %mul3A_309 = arith.muli %add3A_161, %mul3A_308 : i32
        %add3A_310 = arith.addi %mul3A_2, %mul3A_309 : i32
        %dma_start3A_311 = arith.constant 0 : i32
        %dma_start3A_312 = tpu.memref_slice %arg2[%add3A_310, %dma_start3A_311] : memref<262144x128xf32, #tpu.memory_space<hbm>> -> memref<64x128xf32, #tpu.memory_space<hbm>>
        %dma_start3A_313 = arith.constant 0 : i32
        %dma_start3A_314 = tpu.memref_slice %arg2[%add3A_310, %dma_start3A_313] : memref<262144x128xf32, #tpu.memory_space<hbm>> -> memref<64x128xf32, #tpu.memory_space<hbm>>
        tpu.enqueue_dma source(%dma_start3A_314 : memref<64x128xf32, #tpu.memory_space<hbm>>) target(%arg12 : memref<64x128xf32, #tpu.memory_space<vmem>>) target_semaphore(%arg21 : memref<!tpu.dma_semaphore, #tpu.memory_space<semaphore_mem>>)
      } else {
      }
      %add3A_172 = arith.constant 0 : i32
      %add3A_173 = arith.addi %mul3A_2, %add3A_172 : i32
      %dma_wait3A_174 = arith.constant 0 : i32
      %dma_wait3A_175 = tpu.memref_slice %arg2[%add3A_173, %dma_wait3A_174] : memref<262144x128xf32, #tpu.memory_space<hbm>> -> memref<64x128xf32, #tpu.memory_space<hbm>>
      %dma_wait3A_176 = arith.constant 0 : i32
      %dma_wait3A_177 = tpu.memref_slice %arg2[%add3A_173, %dma_wait3A_176] : memref<262144x128xf32, #tpu.memory_space<hbm>> -> memref<64x128xf32, #tpu.memory_space<hbm>>
      tpu.wait_dma2 semaphore(%arg17 : memref<!tpu.dma_semaphore, #tpu.memory_space<semaphore_mem>>) src(%dma_wait3A_177 : memref<64x128xf32, #tpu.memory_space<hbm>>) dst(%arg8 : memref<64x128xf32, #tpu.memory_space<vmem>>)
      %parallel_loop3A_178 = arith.constant 0 : i32
      %parallel_loop3A_179 = arith.constant 64 : i32
      %parallel_loop3A_180 = arith.constant 1 : i32
      scf.for %parallel_loop3A_308 = %parallel_loop3A_178 to %parallel_loop3A_179 step %parallel_loop3A_180  : i32 {
        %parallel_loop3A_309 = arith.index_cast %parallel_loop3A_308 : i32 to index
        %parallel_loop3A_310 = arith.constant 0 : index
        %parallel_loop3A_311 = tpu.vector_load %arg8[%parallel_loop3A_309, %parallel_loop3A_310] {strides = array<i32>} : memref<64x128xf32, #tpu.memory_space<vmem>>, vector<16xf32>,
        %parallel_loop3A_312 = arith.index_cast %parallel_loop3A_308 : i32 to index
        %parallel_loop3A_313 = arith.constant 16 : index
        %parallel_loop3A_314 = tpu.vector_load %arg8[%parallel_loop3A_312, %parallel_loop3A_313] {strides = array<i32>} : memref<64x128xf32, #tpu.memory_space<vmem>>, vector<16xf32>,
        %parallel_loop3A_315 = arith.index_cast %parallel_loop3A_308 : i32 to index
        %parallel_loop3A_316 = arith.constant 32 : index
        %parallel_loop3A_317 = tpu.vector_load %arg8[%parallel_loop3A_315, %parallel_loop3A_316] {strides = array<i32>} : memref<64x128xf32, #tpu.memory_space<vmem>>, vector<16xf32>,
        %parallel_loop3A_318 = arith.index_cast %parallel_loop3A_308 : i32 to index
        %parallel_loop3A_319 = arith.constant 48 : index
        %parallel_loop3A_320 = tpu.vector_load %arg8[%parallel_loop3A_318, %parallel_loop3A_319] {strides = array<i32>} : memref<64x128xf32, #tpu.memory_space<vmem>>, vector<16xf32>,
        %parallel_loop3A_321 = arith.index_cast %parallel_loop3A_308 : i32 to index
        %parallel_loop3A_322 = arith.constant 64 : index
        %parallel_loop3A_323 = tpu.vector_load %arg8[%parallel_loop3A_321, %parallel_loop3A_322] {strides = array<i32>} : memref<64x128xf32, #tpu.memory_space<vmem>>, vector<16xf32>,
        %parallel_loop3A_324 = arith.index_cast %parallel_loop3A_308 : i32 to index
        %parallel_loop3A_325 = arith.constant 80 : index
        %parallel_loop3A_326 = tpu.vector_load %arg8[%parallel_loop3A_324, %parallel_loop3A_325] {strides = array<i32>} : memref<64x128xf32, #tpu.memory_space<vmem>>, vector<16xf32>,
        %parallel_loop3A_327 = arith.index_cast %parallel_loop3A_308 : i32 to index
        %parallel_loop3A_328 = arith.constant 96 : index
        %parallel_loop3A_329 = tpu.vector_load %arg8[%parallel_loop3A_327, %parallel_loop3A_328] {strides = array<i32>} : memref<64x128xf32, #tpu.memory_space<vmem>>, vector<16xf32>,
        %parallel_loop3A_330 = arith.index_cast %parallel_loop3A_308 : i32 to index
        %parallel_loop3A_331 = arith.constant 112 : index
        %parallel_loop3A_332 = tpu.vector_load %arg8[%parallel_loop3A_330, %parallel_loop3A_331] {strides = array<i32>} : memref<64x128xf32, #tpu.memory_space<vmem>>, vector<16xf32>,
        %parallel_loop3A_333 = arith.maximumf %parallel_loop3A_311, %parallel_loop3A_314 : vector<16xf32>
        %parallel_loop3A_334 = arith.maximumf %parallel_loop3A_333, %parallel_loop3A_317 : vector<16xf32>
        %parallel_loop3A_335 = arith.maximumf %parallel_loop3A_334, %parallel_loop3A_320 : vector<16xf32>
        %parallel_loop3A_336 = arith.maximumf %parallel_loop3A_335, %parallel_loop3A_323 : vector<16xf32>
        %parallel_loop3A_337 = arith.maximumf %parallel_loop3A_336, %parallel_loop3A_326 : vector<16xf32>
        %parallel_loop3A_338 = arith.maximumf %parallel_loop3A_337, %parallel_loop3A_329 : vector<16xf32>
        %parallel_loop3A_339 = arith.maximumf %parallel_loop3A_338, %parallel_loop3A_332 : vector<16xf32>
        %parallel_loop3A_340 = arith.constant 1.000000e+00 : f32
        %parallel_loop3A_341 = vector.broadcast %parallel_loop3A_340 : f32 to vector<16xf32>
        %parallel_loop3A_342 = arith.cmpf ole, %parallel_loop3A_339, %parallel_loop3A_341 : vector<16xf32>
        %parallel_loop3A_343 = tpu.all_reduce %parallel_loop3A_342 {dim = 0 : i64, kind = #tpu.reduction_kind<sum>} : vector<16xi1> -> vector<16xi32>
        %parallel_loop3A_344 = arith.constant 1.000000e+00 : f32
        %parallel_loop3A_345 = vector.broadcast %parallel_loop3A_344 : f32 to vector<16xf32>
        %parallel_loop3A_346 = arith.cmpf oeq, %parallel_loop3A_339, %parallel_loop3A_345 : vector<16xf32>
        %parallel_loop3A_347 = tpu.all_reduce %parallel_loop3A_346 {dim = 0 : i64, kind = #tpu.reduction_kind<sum>} : vector<16xi1> -> vector<16xi32>
        %parallel_loop3A_348 = arith.constant 16 : i32
        %parallel_loop3A_349 = vector.broadcast %parallel_loop3A_348 : i32 to vector<16xi32>
        %parallel_loop3A_350 = arith.cmpi eq, %parallel_loop3A_343, %parallel_loop3A_349 : vector<16xi32>
        %parallel_loop3A_351 = arith.constant 0 : i32
        %parallel_loop3A_352 = vector.broadcast %parallel_loop3A_351 : i32 to vector<16xi32>
        %parallel_loop3A_353 = arith.cmpi sgt, %parallel_loop3A_347, %parallel_loop3A_352 : vector<16xi32>
        %parallel_loop3A_354 = arith.andi %parallel_loop3A_350, %parallel_loop3A_353 : vector<16xi1>
        %parallel_loop3A_355 = arith.select %parallel_loop3A_354, %parallel_loop3A_311, %get3A_3 : vector<16xi1>, vector<16xf32>
        %parallel_loop3A_356 = arith.index_cast %parallel_loop3A_308 : i32 to index
        %parallel_loop3A_357 = arith.constant 0 : index
        %parallel_loop3A_358 = tpu.vector_load %arg8[%parallel_loop3A_356, %parallel_loop3A_357] {strides = array<i32>} : memref<64x128xf32, #tpu.memory_space<vmem>>, vector<16xf32>,
        tpu.vector_store %arg8[%parallel_loop3A_356, %parallel_loop3A_357], %parallel_loop3A_355 {strides = array<i32>} : memref<64x128xf32, #tpu.memory_space<vmem>>, vector<16xf32>,
        %parallel_loop3A_359 = arith.select %parallel_loop3A_354, %parallel_loop3A_314, %get3A_5 : vector<16xi1>, vector<16xf32>
        %parallel_loop3A_360 = arith.index_cast %parallel_loop3A_308 : i32 to index
        %parallel_loop3A_361 = arith.constant 16 : index
        %parallel_loop3A_362 = tpu.vector_load %arg8[%parallel_loop3A_360, %parallel_loop3A_361] {strides = array<i32>} : memref<64x128xf32, #tpu.memory_space<vmem>>, vector<16xf32>,
        tpu.vector_store %arg8[%parallel_loop3A_360, %parallel_loop3A_361], %parallel_loop3A_359 {strides = array<i32>} : memref<64x128xf32, #tpu.memory_space<vmem>>, vector<16xf32>,
        %parallel_loop3A_363 = arith.select %parallel_loop3A_354, %parallel_loop3A_317, %get3A_7 : vector<16xi1>, vector<16xf32>
        %parallel_loop3A_364 = arith.index_cast %parallel_loop3A_308 : i32 to index
        %parallel_loop3A_365 = arith.constant 32 : index
        %parallel_loop3A_366 = tpu.vector_load %arg8[%parallel_loop3A_364, %parallel_loop3A_365] {strides = array<i32>} : memref<64x128xf32, #tpu.memory_space<vmem>>, vector<16xf32>,
        tpu.vector_store %arg8[%parallel_loop3A_364, %parallel_loop3A_365], %parallel_loop3A_363 {strides = array<i32>} : memref<64x128xf32, #tpu.memory_space<vmem>>, vector<16xf32>,
        %parallel_loop3A_367 = arith.select %parallel_loop3A_354, %parallel_loop3A_320, %get3A_9 : vector<16xi1>, vector<16xf32>
        %parallel_loop3A_368 = arith.index_cast %parallel_loop3A_308 : i32 to index
        %parallel_loop3A_369 = arith.constant 48 : index
        %parallel_loop3A_370 = tpu.vector_load %arg8[%parallel_loop3A_368, %parallel_loop3A_369] {strides = array<i32>} : memref<64x128xf32, #tpu.memory_space<vmem>>, vector<16xf32>,
        tpu.vector_store %arg8[%parallel_loop3A_368, %parallel_loop3A_369], %parallel_loop3A_367 {strides = array<i32>} : memref<64x128xf32, #tpu.memory_space<vmem>>, vector<16xf32>,
        %parallel_loop3A_371 = arith.select %parallel_loop3A_354, %parallel_loop3A_323, %get3A_11 : vector<16xi1>, vector<16xf32>
        %parallel_loop3A_372 = arith.index_cast %parallel_loop3A_308 : i32 to index
        %parallel_loop3A_373 = arith.constant 64 : index
        %parallel_loop3A_374 = tpu.vector_load %arg8[%parallel_loop3A_372, %parallel_loop3A_373] {strides = array<i32>} : memref<64x128xf32, #tpu.memory_space<vmem>>, vector<16xf32>,
        tpu.vector_store %arg8[%parallel_loop3A_372, %parallel_loop3A_373], %parallel_loop3A_371 {strides = array<i32>} : memref<64x128xf32, #tpu.memory_space<vmem>>, vector<16xf32>,
        %parallel_loop3A_375 = arith.select %parallel_loop3A_354, %parallel_loop3A_326, %get3A_13 : vector<16xi1>, vector<16xf32>
        %parallel_loop3A_376 = arith.index_cast %parallel_loop3A_308 : i32 to index
        %parallel_loop3A_377 = arith.constant 80 : index
        %parallel_loop3A_378 = tpu.vector_load %arg8[%parallel_loop3A_376, %parallel_loop3A_377] {strides = array<i32>} : memref<64x128xf32, #tpu.memory_space<vmem>>, vector<16xf32>,
        tpu.vector_store %arg8[%parallel_loop3A_376, %parallel_loop3A_377], %parallel_loop3A_375 {strides = array<i32>} : memref<64x128xf32, #tpu.memory_space<vmem>>, vector<16xf32>,
        %parallel_loop3A_379 = arith.select %parallel_loop3A_354, %parallel_loop3A_329, %get3A_15 : vector<16xi1>, vector<16xf32>
        %parallel_loop3A_380 = arith.index_cast %parallel_loop3A_308 : i32 to index
        %parallel_loop3A_381 = arith.constant 96 : index
        %parallel_loop3A_382 = tpu.vector_load %arg8[%parallel_loop3A_380, %parallel_loop3A_381] {strides = array<i32>} : memref<64x128xf32, #tpu.memory_space<vmem>>, vector<16xf32>,
        tpu.vector_store %arg8[%parallel_loop3A_380, %parallel_loop3A_381], %parallel_loop3A_379 {strides = array<i32>} : memref<64x128xf32, #tpu.memory_space<vmem>>, vector<16xf32>,
        %parallel_loop3A_383 = arith.select %parallel_loop3A_354, %parallel_loop3A_332, %get3A_17 : vector<16xi1>, vector<16xf32>
        %parallel_loop3A_384 = arith.index_cast %parallel_loop3A_308 : i32 to index
        %parallel_loop3A_385 = arith.constant 112 : index
        %parallel_loop3A_386 = tpu.vector_load %arg8[%parallel_loop3A_384, %parallel_loop3A_385] {strides = array<i32>} : memref<64x128xf32, #tpu.memory_space<vmem>>, vector<16xf32>,
        tpu.vector_store %arg8[%parallel_loop3A_384, %parallel_loop3A_385], %parallel_loop3A_383 {strides = array<i32>} : memref<64x128xf32, #tpu.memory_space<vmem>>, vector<16xf32>,
      } {sc.loop_unroll_factor = 4 : i64, sc.parallel_access}
      %mul3A_181 = arith.constant 64 : i32
      %mul3A_182 = arith.muli %add3A_159, %mul3A_181 : i32
      %add3A_183 = arith.addi %mul3A_2, %mul3A_182 : i32
      %dma_start3A_184 = arith.constant 0 : i32
      %dma_start3A_185 = tpu.memref_slice %arg4[%add3A_183, %dma_start3A_184] : memref<262144x128xf32, #tpu.memory_space<hbm>> -> memref<64x128xf32, #tpu.memory_space<hbm>>
      %dma_start3A_186 = arith.constant 0 : i32
      %dma_start3A_187 = tpu.memref_slice %arg4[%add3A_183, %dma_start3A_186] : memref<262144x128xf32, #tpu.memory_space<hbm>> -> memref<64x128xf32, #tpu.memory_space<hbm>>
      tpu.enqueue_dma source(%arg8 : memref<64x128xf32, #tpu.memory_space<vmem>>) target(%dma_start3A_187 : memref<64x128xf32, #tpu.memory_space<hbm>>) target_semaphore(%arg25 : memref<!tpu.dma_semaphore, #tpu.memory_space<semaphore_mem>>)
      %add3A_188 = arith.constant 4 : i32
      %add3A_189 = arith.addi %add3A_72, %add3A_188 : i32
      %add3A_190 = arith.constant 4 : i32
      %add3A_191 = arith.addi %add3A_189, %add3A_190 : i32
      %ge3A_192 = arith.constant 8 : i32
      %ge3A_193 = arith.cmpi sge, %add3A_191, %ge3A_192 : i32
      %convert_element_type3A_194 = arith.extui %ge3A_193 : i1 to i32
      %cond3A_195 = arith.constant 0 : i32
      %cond3A_196 = arith.cmpi ne, %convert_element_type3A_194, %cond3A_195 : i32
      scf.if %cond3A_196 {
        %add3A_308 = arith.constant 0 : i32
        %add3A_309 = arith.addi %mul3A_2, %add3A_308 : i32
        %dma_wait3A_310 = arith.constant 0 : i32
        %dma_wait3A_311 = tpu.memref_slice %arg4[%add3A_309, %dma_wait3A_310] : memref<262144x128xf32, #tpu.memory_space<hbm>> -> memref<64x128xf32, #tpu.memory_space<hbm>>
        %dma_wait3A_312 = arith.constant 0 : i32
        %dma_wait3A_313 = tpu.memref_slice %arg4[%add3A_309, %dma_wait3A_312] : memref<262144x128xf32, #tpu.memory_space<hbm>> -> memref<64x128xf32, #tpu.memory_space<hbm>>
        tpu.wait_dma2 semaphore(%arg22 : memref<!tpu.dma_semaphore, #tpu.memory_space<semaphore_mem>>) src(%arg5 : memref<64x128xf32, #tpu.memory_space<vmem>>) dst(%dma_wait3A_313 : memref<64x128xf32, #tpu.memory_space<hbm>>)
      } else {
      }
      %lt3A_197 = arith.constant 128 : i32
      %lt3A_198 = arith.cmpi slt, %add3A_191, %lt3A_197 : i32
      %convert_element_type3A_199 = arith.extui %lt3A_198 : i1 to i32
      %cond3A_200 = arith.constant 0 : i32
      %cond3A_201 = arith.cmpi ne, %convert_element_type3A_199, %cond3A_200 : i32
      scf.if %cond3A_201 {
        %mul3A_308 = arith.constant 64 : i32
        %mul3A_309 = arith.muli %add3A_191, %mul3A_308 : i32
        %add3A_310 = arith.addi %mul3A_2, %mul3A_309 : i32
        %dma_start3A_311 = arith.constant 0 : i32
        %dma_start3A_312 = tpu.memref_slice %arg2[%add3A_310, %dma_start3A_311] : memref<262144x128xf32, #tpu.memory_space<hbm>> -> memref<64x128xf32, #tpu.memory_space<hbm>>
        %dma_start3A_313 = arith.constant 0 : i32
        %dma_start3A_314 = tpu.memref_slice %arg2[%add3A_310, %dma_start3A_313] : memref<262144x128xf32, #tpu.memory_space<hbm>> -> memref<64x128xf32, #tpu.memory_space<hbm>>
        tpu.enqueue_dma source(%dma_start3A_314 : memref<64x128xf32, #tpu.memory_space<hbm>>) target(%arg5 : memref<64x128xf32, #tpu.memory_space<vmem>>) target_semaphore(%arg14 : memref<!tpu.dma_semaphore, #tpu.memory_space<semaphore_mem>>)
      } else {
      }
      %add3A_202 = arith.constant 0 : i32
      %add3A_203 = arith.addi %mul3A_2, %add3A_202 : i32
      %dma_wait3A_204 = arith.constant 0 : i32
      %dma_wait3A_205 = tpu.memref_slice %arg2[%add3A_203, %dma_wait3A_204] : memref<262144x128xf32, #tpu.memory_space<hbm>> -> memref<64x128xf32, #tpu.memory_space<hbm>>
      %dma_wait3A_206 = arith.constant 0 : i32
      %dma_wait3A_207 = tpu.memref_slice %arg2[%add3A_203, %dma_wait3A_206] : memref<262144x128xf32, #tpu.memory_space<hbm>> -> memref<64x128xf32, #tpu.memory_space<hbm>>
      tpu.wait_dma2 semaphore(%arg18 : memref<!tpu.dma_semaphore, #tpu.memory_space<semaphore_mem>>) src(%dma_wait3A_207 : memref<64x128xf32, #tpu.memory_space<hbm>>) dst(%arg9 : memref<64x128xf32, #tpu.memory_space<vmem>>)
      %parallel_loop3A_208 = arith.constant 0 : i32
      %parallel_loop3A_209 = arith.constant 64 : i32
      %parallel_loop3A_210 = arith.constant 1 : i32
      scf.for %parallel_loop3A_308 = %parallel_loop3A_208 to %parallel_loop3A_209 step %parallel_loop3A_210  : i32 {
        %parallel_loop3A_309 = arith.index_cast %parallel_loop3A_308 : i32 to index
        %parallel_loop3A_310 = arith.constant 0 : index
        %parallel_loop3A_311 = tpu.vector_load %arg9[%parallel_loop3A_309, %parallel_loop3A_310] {strides = array<i32>} : memref<64x128xf32, #tpu.memory_space<vmem>>, vector<16xf32>,
        %parallel_loop3A_312 = arith.index_cast %parallel_loop3A_308 : i32 to index
        %parallel_loop3A_313 = arith.constant 16 : index
        %parallel_loop3A_314 = tpu.vector_load %arg9[%parallel_loop3A_312, %parallel_loop3A_313] {strides = array<i32>} : memref<64x128xf32, #tpu.memory_space<vmem>>, vector<16xf32>,
        %parallel_loop3A_315 = arith.index_cast %parallel_loop3A_308 : i32 to index
        %parallel_loop3A_316 = arith.constant 32 : index
        %parallel_loop3A_317 = tpu.vector_load %arg9[%parallel_loop3A_315, %parallel_loop3A_316] {strides = array<i32>} : memref<64x128xf32, #tpu.memory_space<vmem>>, vector<16xf32>,
        %parallel_loop3A_318 = arith.index_cast %parallel_loop3A_308 : i32 to index
        %parallel_loop3A_319 = arith.constant 48 : index
        %parallel_loop3A_320 = tpu.vector_load %arg9[%parallel_loop3A_318, %parallel_loop3A_319] {strides = array<i32>} : memref<64x128xf32, #tpu.memory_space<vmem>>, vector<16xf32>,
        %parallel_loop3A_321 = arith.index_cast %parallel_loop3A_308 : i32 to index
        %parallel_loop3A_322 = arith.constant 64 : index
        %parallel_loop3A_323 = tpu.vector_load %arg9[%parallel_loop3A_321, %parallel_loop3A_322] {strides = array<i32>} : memref<64x128xf32, #tpu.memory_space<vmem>>, vector<16xf32>,
        %parallel_loop3A_324 = arith.index_cast %parallel_loop3A_308 : i32 to index
        %parallel_loop3A_325 = arith.constant 80 : index
        %parallel_loop3A_326 = tpu.vector_load %arg9[%parallel_loop3A_324, %parallel_loop3A_325] {strides = array<i32>} : memref<64x128xf32, #tpu.memory_space<vmem>>, vector<16xf32>,
        %parallel_loop3A_327 = arith.index_cast %parallel_loop3A_308 : i32 to index
        %parallel_loop3A_328 = arith.constant 96 : index
        %parallel_loop3A_329 = tpu.vector_load %arg9[%parallel_loop3A_327, %parallel_loop3A_328] {strides = array<i32>} : memref<64x128xf32, #tpu.memory_space<vmem>>, vector<16xf32>,
        %parallel_loop3A_330 = arith.index_cast %parallel_loop3A_308 : i32 to index
        %parallel_loop3A_331 = arith.constant 112 : index
        %parallel_loop3A_332 = tpu.vector_load %arg9[%parallel_loop3A_330, %parallel_loop3A_331] {strides = array<i32>} : memref<64x128xf32, #tpu.memory_space<vmem>>, vector<16xf32>,
        %parallel_loop3A_333 = arith.maximumf %parallel_loop3A_311, %parallel_loop3A_314 : vector<16xf32>
        %parallel_loop3A_334 = arith.maximumf %parallel_loop3A_333, %parallel_loop3A_317 : vector<16xf32>
        %parallel_loop3A_335 = arith.maximumf %parallel_loop3A_334, %parallel_loop3A_320 : vector<16xf32>
        %parallel_loop3A_336 = arith.maximumf %parallel_loop3A_335, %parallel_loop3A_323 : vector<16xf32>
        %parallel_loop3A_337 = arith.maximumf %parallel_loop3A_336, %parallel_loop3A_326 : vector<16xf32>
        %parallel_loop3A_338 = arith.maximumf %parallel_loop3A_337, %parallel_loop3A_329 : vector<16xf32>
        %parallel_loop3A_339 = arith.maximumf %parallel_loop3A_338, %parallel_loop3A_332 : vector<16xf32>
        %parallel_loop3A_340 = arith.constant 1.000000e+00 : f32
        %parallel_loop3A_341 = vector.broadcast %parallel_loop3A_340 : f32 to vector<16xf32>
        %parallel_loop3A_342 = arith.cmpf ole, %parallel_loop3A_339, %parallel_loop3A_341 : vector<16xf32>
        %parallel_loop3A_343 = tpu.all_reduce %parallel_loop3A_342 {dim = 0 : i64, kind = #tpu.reduction_kind<sum>} : vector<16xi1> -> vector<16xi32>
        %parallel_loop3A_344 = arith.constant 1.000000e+00 : f32
        %parallel_loop3A_345 = vector.broadcast %parallel_loop3A_344 : f32 to vector<16xf32>
        %parallel_loop3A_346 = arith.cmpf oeq, %parallel_loop3A_339, %parallel_loop3A_345 : vector<16xf32>
        %parallel_loop3A_347 = tpu.all_reduce %parallel_loop3A_346 {dim = 0 : i64, kind = #tpu.reduction_kind<sum>} : vector<16xi1> -> vector<16xi32>
        %parallel_loop3A_348 = arith.constant 16 : i32
        %parallel_loop3A_349 = vector.broadcast %parallel_loop3A_348 : i32 to vector<16xi32>
        %parallel_loop3A_350 = arith.cmpi eq, %parallel_loop3A_343, %parallel_loop3A_349 : vector<16xi32>
        %parallel_loop3A_351 = arith.constant 0 : i32
        %parallel_loop3A_352 = vector.broadcast %parallel_loop3A_351 : i32 to vector<16xi32>
        %parallel_loop3A_353 = arith.cmpi sgt, %parallel_loop3A_347, %parallel_loop3A_352 : vector<16xi32>
        %parallel_loop3A_354 = arith.andi %parallel_loop3A_350, %parallel_loop3A_353 : vector<16xi1>
        %parallel_loop3A_355 = arith.select %parallel_loop3A_354, %parallel_loop3A_311, %get3A_3 : vector<16xi1>, vector<16xf32>
        %parallel_loop3A_356 = arith.index_cast %parallel_loop3A_308 : i32 to index
        %parallel_loop3A_357 = arith.constant 0 : index
        %parallel_loop3A_358 = tpu.vector_load %arg9[%parallel_loop3A_356, %parallel_loop3A_357] {strides = array<i32>} : memref<64x128xf32, #tpu.memory_space<vmem>>, vector<16xf32>,
        tpu.vector_store %arg9[%parallel_loop3A_356, %parallel_loop3A_357], %parallel_loop3A_355 {strides = array<i32>} : memref<64x128xf32, #tpu.memory_space<vmem>>, vector<16xf32>,
        %parallel_loop3A_359 = arith.select %parallel_loop3A_354, %parallel_loop3A_314, %get3A_5 : vector<16xi1>, vector<16xf32>
        %parallel_loop3A_360 = arith.index_cast %parallel_loop3A_308 : i32 to index
        %parallel_loop3A_361 = arith.constant 16 : index
        %parallel_loop3A_362 = tpu.vector_load %arg9[%parallel_loop3A_360, %parallel_loop3A_361] {strides = array<i32>} : memref<64x128xf32, #tpu.memory_space<vmem>>, vector<16xf32>,
        tpu.vector_store %arg9[%parallel_loop3A_360, %parallel_loop3A_361], %parallel_loop3A_359 {strides = array<i32>} : memref<64x128xf32, #tpu.memory_space<vmem>>, vector<16xf32>,
        %parallel_loop3A_363 = arith.select %parallel_loop3A_354, %parallel_loop3A_317, %get3A_7 : vector<16xi1>, vector<16xf32>
        %parallel_loop3A_364 = arith.index_cast %parallel_loop3A_308 : i32 to index
        %parallel_loop3A_365 = arith.constant 32 : index
        %parallel_loop3A_366 = tpu.vector_load %arg9[%parallel_loop3A_364, %parallel_loop3A_365] {strides = array<i32>} : memref<64x128xf32, #tpu.memory_space<vmem>>, vector<16xf32>,
        tpu.vector_store %arg9[%parallel_loop3A_364, %parallel_loop3A_365], %parallel_loop3A_363 {strides = array<i32>} : memref<64x128xf32, #tpu.memory_space<vmem>>, vector<16xf32>,
        %parallel_loop3A_367 = arith.select %parallel_loop3A_354, %parallel_loop3A_320, %get3A_9 : vector<16xi1>, vector<16xf32>
        %parallel_loop3A_368 = arith.index_cast %parallel_loop3A_308 : i32 to index
        %parallel_loop3A_369 = arith.constant 48 : index
        %parallel_loop3A_370 = tpu.vector_load %arg9[%parallel_loop3A_368, %parallel_loop3A_369] {strides = array<i32>} : memref<64x128xf32, #tpu.memory_space<vmem>>, vector<16xf32>,
        tpu.vector_store %arg9[%parallel_loop3A_368, %parallel_loop3A_369], %parallel_loop3A_367 {strides = array<i32>} : memref<64x128xf32, #tpu.memory_space<vmem>>, vector<16xf32>,
        %parallel_loop3A_371 = arith.select %parallel_loop3A_354, %parallel_loop3A_323, %get3A_11 : vector<16xi1>, vector<16xf32>
        %parallel_loop3A_372 = arith.index_cast %parallel_loop3A_308 : i32 to index
        %parallel_loop3A_373 = arith.constant 64 : index
        %parallel_loop3A_374 = tpu.vector_load %arg9[%parallel_loop3A_372, %parallel_loop3A_373] {strides = array<i32>} : memref<64x128xf32, #tpu.memory_space<vmem>>, vector<16xf32>,
        tpu.vector_store %arg9[%parallel_loop3A_372, %parallel_loop3A_373], %parallel_loop3A_371 {strides = array<i32>} : memref<64x128xf32, #tpu.memory_space<vmem>>, vector<16xf32>,
        %parallel_loop3A_375 = arith.select %parallel_loop3A_354, %parallel_loop3A_326, %get3A_13 : vector<16xi1>, vector<16xf32>
        %parallel_loop3A_376 = arith.index_cast %parallel_loop3A_308 : i32 to index
        %parallel_loop3A_377 = arith.constant 80 : index
        %parallel_loop3A_378 = tpu.vector_load %arg9[%parallel_loop3A_376, %parallel_loop3A_377] {strides = array<i32>} : memref<64x128xf32, #tpu.memory_space<vmem>>, vector<16xf32>,
        tpu.vector_store %arg9[%parallel_loop3A_376, %parallel_loop3A_377], %parallel_loop3A_375 {strides = array<i32>} : memref<64x128xf32, #tpu.memory_space<vmem>>, vector<16xf32>,
        %parallel_loop3A_379 = arith.select %parallel_loop3A_354, %parallel_loop3A_329, %get3A_15 : vector<16xi1>, vector<16xf32>
        %parallel_loop3A_380 = arith.index_cast %parallel_loop3A_308 : i32 to index
        %parallel_loop3A_381 = arith.constant 96 : index
        %parallel_loop3A_382 = tpu.vector_load %arg9[%parallel_loop3A_380, %parallel_loop3A_381] {strides = array<i32>} : memref<64x128xf32, #tpu.memory_space<vmem>>, vector<16xf32>,
        tpu.vector_store %arg9[%parallel_loop3A_380, %parallel_loop3A_381], %parallel_loop3A_379 {strides = array<i32>} : memref<64x128xf32, #tpu.memory_space<vmem>>, vector<16xf32>,
        %parallel_loop3A_383 = arith.select %parallel_loop3A_354, %parallel_loop3A_332, %get3A_17 : vector<16xi1>, vector<16xf32>
        %parallel_loop3A_384 = arith.index_cast %parallel_loop3A_308 : i32 to index
        %parallel_loop3A_385 = arith.constant 112 : index
        %parallel_loop3A_386 = tpu.vector_load %arg9[%parallel_loop3A_384, %parallel_loop3A_385] {strides = array<i32>} : memref<64x128xf32, #tpu.memory_space<vmem>>, vector<16xf32>,
        tpu.vector_store %arg9[%parallel_loop3A_384, %parallel_loop3A_385], %parallel_loop3A_383 {strides = array<i32>} : memref<64x128xf32, #tpu.memory_space<vmem>>, vector<16xf32>,
      } {sc.loop_unroll_factor = 4 : i64, sc.parallel_access}
      %mul3A_211 = arith.constant 64 : i32
      %mul3A_212 = arith.muli %add3A_189, %mul3A_211 : i32
      %add3A_213 = arith.addi %mul3A_2, %mul3A_212 : i32
      %dma_start3A_214 = arith.constant 0 : i32
      %dma_start3A_215 = tpu.memref_slice %arg4[%add3A_213, %dma_start3A_214] : memref<262144x128xf32, #tpu.memory_space<hbm>> -> memref<64x128xf32, #tpu.memory_space<hbm>>
      %dma_start3A_216 = arith.constant 0 : i32
      %dma_start3A_217 = tpu.memref_slice %arg4[%add3A_213, %dma_start3A_216] : memref<262144x128xf32, #tpu.memory_space<hbm>> -> memref<64x128xf32, #tpu.memory_space<hbm>>
      tpu.enqueue_dma source(%arg9 : memref<64x128xf32, #tpu.memory_space<vmem>>) target(%dma_start3A_217 : memref<64x128xf32, #tpu.memory_space<hbm>>) target_semaphore(%arg26 : memref<!tpu.dma_semaphore, #tpu.memory_space<semaphore_mem>>)
      %add3A_218 = arith.constant 5 : i32
      %add3A_219 = arith.addi %add3A_72, %add3A_218 : i32
      %add3A_220 = arith.constant 4 : i32
      %add3A_221 = arith.addi %add3A_219, %add3A_220 : i32
      %ge3A_222 = arith.constant 8 : i32
      %ge3A_223 = arith.cmpi sge, %add3A_221, %ge3A_222 : i32
      %convert_element_type3A_224 = arith.extui %ge3A_223 : i1 to i32
      %cond3A_225 = arith.constant 0 : i32
      %cond3A_226 = arith.cmpi ne, %convert_element_type3A_224, %cond3A_225 : i32
      scf.if %cond3A_226 {
        %add3A_308 = arith.constant 0 : i32
        %add3A_309 = arith.addi %mul3A_2, %add3A_308 : i32
        %dma_wait3A_310 = arith.constant 0 : i32
        %dma_wait3A_311 = tpu.memref_slice %arg4[%add3A_309, %dma_wait3A_310] : memref<262144x128xf32, #tpu.memory_space<hbm>> -> memref<64x128xf32, #tpu.memory_space<hbm>>
        %dma_wait3A_312 = arith.constant 0 : i32
        %dma_wait3A_313 = tpu.memref_slice %arg4[%add3A_309, %dma_wait3A_312] : memref<262144x128xf32, #tpu.memory_space<hbm>> -> memref<64x128xf32, #tpu.memory_space<hbm>>
        tpu.wait_dma2 semaphore(%arg23 : memref<!tpu.dma_semaphore, #tpu.memory_space<semaphore_mem>>) src(%arg6 : memref<64x128xf32, #tpu.memory_space<vmem>>) dst(%dma_wait3A_313 : memref<64x128xf32, #tpu.memory_space<hbm>>)
      } else {
      }
      %lt3A_227 = arith.constant 128 : i32
      %lt3A_228 = arith.cmpi slt, %add3A_221, %lt3A_227 : i32
      %convert_element_type3A_229 = arith.extui %lt3A_228 : i1 to i32
      %cond3A_230 = arith.constant 0 : i32
      %cond3A_231 = arith.cmpi ne, %convert_element_type3A_229, %cond3A_230 : i32
      scf.if %cond3A_231 {
        %mul3A_308 = arith.constant 64 : i32
        %mul3A_309 = arith.muli %add3A_221, %mul3A_308 : i32
        %add3A_310 = arith.addi %mul3A_2, %mul3A_309 : i32
        %dma_start3A_311 = arith.constant 0 : i32
        %dma_start3A_312 = tpu.memref_slice %arg2[%add3A_310, %dma_start3A_311] : memref<262144x128xf32, #tpu.memory_space<hbm>> -> memref<64x128xf32, #tpu.memory_space<hbm>>
        %dma_start3A_313 = arith.constant 0 : i32
        %dma_start3A_314 = tpu.memref_slice %arg2[%add3A_310, %dma_start3A_313] : memref<262144x128xf32, #tpu.memory_space<hbm>> -> memref<64x128xf32, #tpu.memory_space<hbm>>
        tpu.enqueue_dma source(%dma_start3A_314 : memref<64x128xf32, #tpu.memory_space<hbm>>) target(%arg6 : memref<64x128xf32, #tpu.memory_space<vmem>>) target_semaphore(%arg15 : memref<!tpu.dma_semaphore, #tpu.memory_space<semaphore_mem>>)
      } else {
      }
      %add3A_232 = arith.constant 0 : i32
      %add3A_233 = arith.addi %mul3A_2, %add3A_232 : i32
      %dma_wait3A_234 = arith.constant 0 : i32
      %dma_wait3A_235 = tpu.memref_slice %arg2[%add3A_233, %dma_wait3A_234] : memref<262144x128xf32, #tpu.memory_space<hbm>> -> memref<64x128xf32, #tpu.memory_space<hbm>>
      %dma_wait3A_236 = arith.constant 0 : i32
      %dma_wait3A_237 = tpu.memref_slice %arg2[%add3A_233, %dma_wait3A_236] : memref<262144x128xf32, #tpu.memory_space<hbm>> -> memref<64x128xf32, #tpu.memory_space<hbm>>
      tpu.wait_dma2 semaphore(%arg19 : memref<!tpu.dma_semaphore, #tpu.memory_space<semaphore_mem>>) src(%dma_wait3A_237 : memref<64x128xf32, #tpu.memory_space<hbm>>) dst(%arg10 : memref<64x128xf32, #tpu.memory_space<vmem>>)
      %parallel_loop3A_238 = arith.constant 0 : i32
      %parallel_loop3A_239 = arith.constant 64 : i32
      %parallel_loop3A_240 = arith.constant 1 : i32
      scf.for %parallel_loop3A_308 = %parallel_loop3A_238 to %parallel_loop3A_239 step %parallel_loop3A_240  : i32 {
        %parallel_loop3A_309 = arith.index_cast %parallel_loop3A_308 : i32 to index
        %parallel_loop3A_310 = arith.constant 0 : index
        %parallel_loop3A_311 = tpu.vector_load %arg10[%parallel_loop3A_309, %parallel_loop3A_310] {strides = array<i32>} : memref<64x128xf32, #tpu.memory_space<vmem>>, vector<16xf32>,
        %parallel_loop3A_312 = arith.index_cast %parallel_loop3A_308 : i32 to index
        %parallel_loop3A_313 = arith.constant 16 : index
        %parallel_loop3A_314 = tpu.vector_load %arg10[%parallel_loop3A_312, %parallel_loop3A_313] {strides = array<i32>} : memref<64x128xf32, #tpu.memory_space<vmem>>, vector<16xf32>,
        %parallel_loop3A_315 = arith.index_cast %parallel_loop3A_308 : i32 to index
        %parallel_loop3A_316 = arith.constant 32 : index
        %parallel_loop3A_317 = tpu.vector_load %arg10[%parallel_loop3A_315, %parallel_loop3A_316] {strides = array<i32>} : memref<64x128xf32, #tpu.memory_space<vmem>>, vector<16xf32>,
        %parallel_loop3A_318 = arith.index_cast %parallel_loop3A_308 : i32 to index
        %parallel_loop3A_319 = arith.constant 48 : index
        %parallel_loop3A_320 = tpu.vector_load %arg10[%parallel_loop3A_318, %parallel_loop3A_319] {strides = array<i32>} : memref<64x128xf32, #tpu.memory_space<vmem>>, vector<16xf32>,
        %parallel_loop3A_321 = arith.index_cast %parallel_loop3A_308 : i32 to index
        %parallel_loop3A_322 = arith.constant 64 : index
        %parallel_loop3A_323 = tpu.vector_load %arg10[%parallel_loop3A_321, %parallel_loop3A_322] {strides = array<i32>} : memref<64x128xf32, #tpu.memory_space<vmem>>, vector<16xf32>,
        %parallel_loop3A_324 = arith.index_cast %parallel_loop3A_308 : i32 to index
        %parallel_loop3A_325 = arith.constant 80 : index
        %parallel_loop3A_326 = tpu.vector_load %arg10[%parallel_loop3A_324, %parallel_loop3A_325] {strides = array<i32>} : memref<64x128xf32, #tpu.memory_space<vmem>>, vector<16xf32>,
        %parallel_loop3A_327 = arith.index_cast %parallel_loop3A_308 : i32 to index
        %parallel_loop3A_328 = arith.constant 96 : index
        %parallel_loop3A_329 = tpu.vector_load %arg10[%parallel_loop3A_327, %parallel_loop3A_328] {strides = array<i32>} : memref<64x128xf32, #tpu.memory_space<vmem>>, vector<16xf32>,
        %parallel_loop3A_330 = arith.index_cast %parallel_loop3A_308 : i32 to index
        %parallel_loop3A_331 = arith.constant 112 : index
        %parallel_loop3A_332 = tpu.vector_load %arg10[%parallel_loop3A_330, %parallel_loop3A_331] {strides = array<i32>} : memref<64x128xf32, #tpu.memory_space<vmem>>, vector<16xf32>,
        %parallel_loop3A_333 = arith.maximumf %parallel_loop3A_311, %parallel_loop3A_314 : vector<16xf32>
        %parallel_loop3A_334 = arith.maximumf %parallel_loop3A_333, %parallel_loop3A_317 : vector<16xf32>
        %parallel_loop3A_335 = arith.maximumf %parallel_loop3A_334, %parallel_loop3A_320 : vector<16xf32>
        %parallel_loop3A_336 = arith.maximumf %parallel_loop3A_335, %parallel_loop3A_323 : vector<16xf32>
        %parallel_loop3A_337 = arith.maximumf %parallel_loop3A_336, %parallel_loop3A_326 : vector<16xf32>
        %parallel_loop3A_338 = arith.maximumf %parallel_loop3A_337, %parallel_loop3A_329 : vector<16xf32>
        %parallel_loop3A_339 = arith.maximumf %parallel_loop3A_338, %parallel_loop3A_332 : vector<16xf32>
        %parallel_loop3A_340 = arith.constant 1.000000e+00 : f32
        %parallel_loop3A_341 = vector.broadcast %parallel_loop3A_340 : f32 to vector<16xf32>
        %parallel_loop3A_342 = arith.cmpf ole, %parallel_loop3A_339, %parallel_loop3A_341 : vector<16xf32>
        %parallel_loop3A_343 = tpu.all_reduce %parallel_loop3A_342 {dim = 0 : i64, kind = #tpu.reduction_kind<sum>} : vector<16xi1> -> vector<16xi32>
        %parallel_loop3A_344 = arith.constant 1.000000e+00 : f32
        %parallel_loop3A_345 = vector.broadcast %parallel_loop3A_344 : f32 to vector<16xf32>
        %parallel_loop3A_346 = arith.cmpf oeq, %parallel_loop3A_339, %parallel_loop3A_345 : vector<16xf32>
        %parallel_loop3A_347 = tpu.all_reduce %parallel_loop3A_346 {dim = 0 : i64, kind = #tpu.reduction_kind<sum>} : vector<16xi1> -> vector<16xi32>
        %parallel_loop3A_348 = arith.constant 16 : i32
        %parallel_loop3A_349 = vector.broadcast %parallel_loop3A_348 : i32 to vector<16xi32>
        %parallel_loop3A_350 = arith.cmpi eq, %parallel_loop3A_343, %parallel_loop3A_349 : vector<16xi32>
        %parallel_loop3A_351 = arith.constant 0 : i32
        %parallel_loop3A_352 = vector.broadcast %parallel_loop3A_351 : i32 to vector<16xi32>
        %parallel_loop3A_353 = arith.cmpi sgt, %parallel_loop3A_347, %parallel_loop3A_352 : vector<16xi32>
        %parallel_loop3A_354 = arith.andi %parallel_loop3A_350, %parallel_loop3A_353 : vector<16xi1>
        %parallel_loop3A_355 = arith.select %parallel_loop3A_354, %parallel_loop3A_311, %get3A_3 : vector<16xi1>, vector<16xf32>
        %parallel_loop3A_356 = arith.index_cast %parallel_loop3A_308 : i32 to index
        %parallel_loop3A_357 = arith.constant 0 : index
        %parallel_loop3A_358 = tpu.vector_load %arg10[%parallel_loop3A_356, %parallel_loop3A_357] {strides = array<i32>} : memref<64x128xf32, #tpu.memory_space<vmem>>, vector<16xf32>,
        tpu.vector_store %arg10[%parallel_loop3A_356, %parallel_loop3A_357], %parallel_loop3A_355 {strides = array<i32>} : memref<64x128xf32, #tpu.memory_space<vmem>>, vector<16xf32>,
        %parallel_loop3A_359 = arith.select %parallel_loop3A_354, %parallel_loop3A_314, %get3A_5 : vector<16xi1>, vector<16xf32>
        %parallel_loop3A_360 = arith.index_cast %parallel_loop3A_308 : i32 to index
        %parallel_loop3A_361 = arith.constant 16 : index
        %parallel_loop3A_362 = tpu.vector_load %arg10[%parallel_loop3A_360, %parallel_loop3A_361] {strides = array<i32>} : memref<64x128xf32, #tpu.memory_space<vmem>>, vector<16xf32>,
        tpu.vector_store %arg10[%parallel_loop3A_360, %parallel_loop3A_361], %parallel_loop3A_359 {strides = array<i32>} : memref<64x128xf32, #tpu.memory_space<vmem>>, vector<16xf32>,
        %parallel_loop3A_363 = arith.select %parallel_loop3A_354, %parallel_loop3A_317, %get3A_7 : vector<16xi1>, vector<16xf32>
        %parallel_loop3A_364 = arith.index_cast %parallel_loop3A_308 : i32 to index
        %parallel_loop3A_365 = arith.constant 32 : index
        %parallel_loop3A_366 = tpu.vector_load %arg10[%parallel_loop3A_364, %parallel_loop3A_365] {strides = array<i32>} : memref<64x128xf32, #tpu.memory_space<vmem>>, vector<16xf32>,
        tpu.vector_store %arg10[%parallel_loop3A_364, %parallel_loop3A_365], %parallel_loop3A_363 {strides = array<i32>} : memref<64x128xf32, #tpu.memory_space<vmem>>, vector<16xf32>,
        %parallel_loop3A_367 = arith.select %parallel_loop3A_354, %parallel_loop3A_320, %get3A_9 : vector<16xi1>, vector<16xf32>
        %parallel_loop3A_368 = arith.index_cast %parallel_loop3A_308 : i32 to index
        %parallel_loop3A_369 = arith.constant 48 : index
        %parallel_loop3A_370 = tpu.vector_load %arg10[%parallel_loop3A_368, %parallel_loop3A_369] {strides = array<i32>} : memref<64x128xf32, #tpu.memory_space<vmem>>, vector<16xf32>,
        tpu.vector_store %arg10[%parallel_loop3A_368, %parallel_loop3A_369], %parallel_loop3A_367 {strides = array<i32>} : memref<64x128xf32, #tpu.memory_space<vmem>>, vector<16xf32>,
        %parallel_loop3A_371 = arith.select %parallel_loop3A_354, %parallel_loop3A_323, %get3A_11 : vector<16xi1>, vector<16xf32>
        %parallel_loop3A_372 = arith.index_cast %parallel_loop3A_308 : i32 to index
        %parallel_loop3A_373 = arith.constant 64 : index
        %parallel_loop3A_374 = tpu.vector_load %arg10[%parallel_loop3A_372, %parallel_loop3A_373] {strides = array<i32>} : memref<64x128xf32, #tpu.memory_space<vmem>>, vector<16xf32>,
        tpu.vector_store %arg10[%parallel_loop3A_372, %parallel_loop3A_373], %parallel_loop3A_371 {strides = array<i32>} : memref<64x128xf32, #tpu.memory_space<vmem>>, vector<16xf32>,
        %parallel_loop3A_375 = arith.select %parallel_loop3A_354, %parallel_loop3A_326, %get3A_13 : vector<16xi1>, vector<16xf32>
        %parallel_loop3A_376 = arith.index_cast %parallel_loop3A_308 : i32 to index
        %parallel_loop3A_377 = arith.constant 80 : index
        %parallel_loop3A_378 = tpu.vector_load %arg10[%parallel_loop3A_376, %parallel_loop3A_377] {strides = array<i32>} : memref<64x128xf32, #tpu.memory_space<vmem>>, vector<16xf32>,
        tpu.vector_store %arg10[%parallel_loop3A_376, %parallel_loop3A_377], %parallel_loop3A_375 {strides = array<i32>} : memref<64x128xf32, #tpu.memory_space<vmem>>, vector<16xf32>,
        %parallel_loop3A_379 = arith.select %parallel_loop3A_354, %parallel_loop3A_329, %get3A_15 : vector<16xi1>, vector<16xf32>
        %parallel_loop3A_380 = arith.index_cast %parallel_loop3A_308 : i32 to index
        %parallel_loop3A_381 = arith.constant 96 : index
        %parallel_loop3A_382 = tpu.vector_load %arg10[%parallel_loop3A_380, %parallel_loop3A_381] {strides = array<i32>} : memref<64x128xf32, #tpu.memory_space<vmem>>, vector<16xf32>,
        tpu.vector_store %arg10[%parallel_loop3A_380, %parallel_loop3A_381], %parallel_loop3A_379 {strides = array<i32>} : memref<64x128xf32, #tpu.memory_space<vmem>>, vector<16xf32>,
        %parallel_loop3A_383 = arith.select %parallel_loop3A_354, %parallel_loop3A_332, %get3A_17 : vector<16xi1>, vector<16xf32>
        %parallel_loop3A_384 = arith.index_cast %parallel_loop3A_308 : i32 to index
        %parallel_loop3A_385 = arith.constant 112 : index
        %parallel_loop3A_386 = tpu.vector_load %arg10[%parallel_loop3A_384, %parallel_loop3A_385] {strides = array<i32>} : memref<64x128xf32, #tpu.memory_space<vmem>>, vector<16xf32>,
        tpu.vector_store %arg10[%parallel_loop3A_384, %parallel_loop3A_385], %parallel_loop3A_383 {strides = array<i32>} : memref<64x128xf32, #tpu.memory_space<vmem>>, vector<16xf32>,
      } {sc.loop_unroll_factor = 4 : i64, sc.parallel_access}
      %mul3A_241 = arith.constant 64 : i32
      %mul3A_242 = arith.muli %add3A_219, %mul3A_241 : i32
      %add3A_243 = arith.addi %mul3A_2, %mul3A_242 : i32
      %dma_start3A_244 = arith.constant 0 : i32
      %dma_start3A_245 = tpu.memref_slice %arg4[%add3A_243, %dma_start3A_244] : memref<262144x128xf32, #tpu.memory_space<hbm>> -> memref<64x128xf32, #tpu.memory_space<hbm>>
      %dma_start3A_246 = arith.constant 0 : i32
      %dma_start3A_247 = tpu.memref_slice %arg4[%add3A_243, %dma_start3A_246] : memref<262144x128xf32, #tpu.memory_space<hbm>> -> memref<64x128xf32, #tpu.memory_space<hbm>>
      tpu.enqueue_dma source(%arg10 : memref<64x128xf32, #tpu.memory_space<vmem>>) target(%dma_start3A_247 : memref<64x128xf32, #tpu.memory_space<hbm>>) target_semaphore(%arg27 : memref<!tpu.dma_semaphore, #tpu.memory_space<semaphore_mem>>)
      %add3A_248 = arith.constant 6 : i32
      %add3A_249 = arith.addi %add3A_72, %add3A_248 : i32
      %add3A_250 = arith.constant 4 : i32
      %add3A_251 = arith.addi %add3A_249, %add3A_250 : i32
      %ge3A_252 = arith.constant 8 : i32
      %ge3A_253 = arith.cmpi sge, %add3A_251, %ge3A_252 : i32
      %convert_element_type3A_254 = arith.extui %ge3A_253 : i1 to i32
      %cond3A_255 = arith.constant 0 : i32
      %cond3A_256 = arith.cmpi ne, %convert_element_type3A_254, %cond3A_255 : i32
      scf.if %cond3A_256 {
        %add3A_308 = arith.constant 0 : i32
        %add3A_309 = arith.addi %mul3A_2, %add3A_308 : i32
        %dma_wait3A_310 = arith.constant 0 : i32
        %dma_wait3A_311 = tpu.memref_slice %arg4[%add3A_309, %dma_wait3A_310] : memref<262144x128xf32, #tpu.memory_space<hbm>> -> memref<64x128xf32, #tpu.memory_space<hbm>>
        %dma_wait3A_312 = arith.constant 0 : i32
        %dma_wait3A_313 = tpu.memref_slice %arg4[%add3A_309, %dma_wait3A_312] : memref<262144x128xf32, #tpu.memory_space<hbm>> -> memref<64x128xf32, #tpu.memory_space<hbm>>
        tpu.wait_dma2 semaphore(%arg24 : memref<!tpu.dma_semaphore, #tpu.memory_space<semaphore_mem>>) src(%arg7 : memref<64x128xf32, #tpu.memory_space<vmem>>) dst(%dma_wait3A_313 : memref<64x128xf32, #tpu.memory_space<hbm>>)
      } else {
      }
      %lt3A_257 = arith.constant 128 : i32
      %lt3A_258 = arith.cmpi slt, %add3A_251, %lt3A_257 : i32
      %convert_element_type3A_259 = arith.extui %lt3A_258 : i1 to i32
      %cond3A_260 = arith.constant 0 : i32
      %cond3A_261 = arith.cmpi ne, %convert_element_type3A_259, %cond3A_260 : i32
      scf.if %cond3A_261 {
        %mul3A_308 = arith.constant 64 : i32
        %mul3A_309 = arith.muli %add3A_251, %mul3A_308 : i32
        %add3A_310 = arith.addi %mul3A_2, %mul3A_309 : i32
        %dma_start3A_311 = arith.constant 0 : i32
        %dma_start3A_312 = tpu.memref_slice %arg2[%add3A_310, %dma_start3A_311] : memref<262144x128xf32, #tpu.memory_space<hbm>> -> memref<64x128xf32, #tpu.memory_space<hbm>>
        %dma_start3A_313 = arith.constant 0 : i32
        %dma_start3A_314 = tpu.memref_slice %arg2[%add3A_310, %dma_start3A_313] : memref<262144x128xf32, #tpu.memory_space<hbm>> -> memref<64x128xf32, #tpu.memory_space<hbm>>
        tpu.enqueue_dma source(%dma_start3A_314 : memref<64x128xf32, #tpu.memory_space<hbm>>) target(%arg7 : memref<64x128xf32, #tpu.memory_space<vmem>>) target_semaphore(%arg16 : memref<!tpu.dma_semaphore, #tpu.memory_space<semaphore_mem>>)
      } else {
      }
      %add3A_262 = arith.constant 0 : i32
      %add3A_263 = arith.addi %mul3A_2, %add3A_262 : i32
      %dma_wait3A_264 = arith.constant 0 : i32
      %dma_wait3A_265 = tpu.memref_slice %arg2[%add3A_263, %dma_wait3A_264] : memref<262144x128xf32, #tpu.memory_space<hbm>> -> memref<64x128xf32, #tpu.memory_space<hbm>>
      %dma_wait3A_266 = arith.constant 0 : i32
      %dma_wait3A_267 = tpu.memref_slice %arg2[%add3A_263, %dma_wait3A_266] : memref<262144x128xf32, #tpu.memory_space<hbm>> -> memref<64x128xf32, #tpu.memory_space<hbm>>
      tpu.wait_dma2 semaphore(%arg20 : memref<!tpu.dma_semaphore, #tpu.memory_space<semaphore_mem>>) src(%dma_wait3A_267 : memref<64x128xf32, #tpu.memory_space<hbm>>) dst(%arg11 : memref<64x128xf32, #tpu.memory_space<vmem>>)
      %parallel_loop3A_268 = arith.constant 0 : i32
      %parallel_loop3A_269 = arith.constant 64 : i32
      %parallel_loop3A_270 = arith.constant 1 : i32
      scf.for %parallel_loop3A_308 = %parallel_loop3A_268 to %parallel_loop3A_269 step %parallel_loop3A_270  : i32 {
        %parallel_loop3A_309 = arith.index_cast %parallel_loop3A_308 : i32 to index
        %parallel_loop3A_310 = arith.constant 0 : index
        %parallel_loop3A_311 = tpu.vector_load %arg11[%parallel_loop3A_309, %parallel_loop3A_310] {strides = array<i32>} : memref<64x128xf32, #tpu.memory_space<vmem>>, vector<16xf32>,
        %parallel_loop3A_312 = arith.index_cast %parallel_loop3A_308 : i32 to index
        %parallel_loop3A_313 = arith.constant 16 : index
        %parallel_loop3A_314 = tpu.vector_load %arg11[%parallel_loop3A_312, %parallel_loop3A_313] {strides = array<i32>} : memref<64x128xf32, #tpu.memory_space<vmem>>, vector<16xf32>,
        %parallel_loop3A_315 = arith.index_cast %parallel_loop3A_308 : i32 to index
        %parallel_loop3A_316 = arith.constant 32 : index
        %parallel_loop3A_317 = tpu.vector_load %arg11[%parallel_loop3A_315, %parallel_loop3A_316] {strides = array<i32>} : memref<64x128xf32, #tpu.memory_space<vmem>>, vector<16xf32>,
        %parallel_loop3A_318 = arith.index_cast %parallel_loop3A_308 : i32 to index
        %parallel_loop3A_319 = arith.constant 48 : index
        %parallel_loop3A_320 = tpu.vector_load %arg11[%parallel_loop3A_318, %parallel_loop3A_319] {strides = array<i32>} : memref<64x128xf32, #tpu.memory_space<vmem>>, vector<16xf32>,
        %parallel_loop3A_321 = arith.index_cast %parallel_loop3A_308 : i32 to index
        %parallel_loop3A_322 = arith.constant 64 : index
        %parallel_loop3A_323 = tpu.vector_load %arg11[%parallel_loop3A_321, %parallel_loop3A_322] {strides = array<i32>} : memref<64x128xf32, #tpu.memory_space<vmem>>, vector<16xf32>,
        %parallel_loop3A_324 = arith.index_cast %parallel_loop3A_308 : i32 to index
        %parallel_loop3A_325 = arith.constant 80 : index
        %parallel_loop3A_326 = tpu.vector_load %arg11[%parallel_loop3A_324, %parallel_loop3A_325] {strides = array<i32>} : memref<64x128xf32, #tpu.memory_space<vmem>>, vector<16xf32>,
        %parallel_loop3A_327 = arith.index_cast %parallel_loop3A_308 : i32 to index
        %parallel_loop3A_328 = arith.constant 96 : index
        %parallel_loop3A_329 = tpu.vector_load %arg11[%parallel_loop3A_327, %parallel_loop3A_328] {strides = array<i32>} : memref<64x128xf32, #tpu.memory_space<vmem>>, vector<16xf32>,
        %parallel_loop3A_330 = arith.index_cast %parallel_loop3A_308 : i32 to index
        %parallel_loop3A_331 = arith.constant 112 : index
        %parallel_loop3A_332 = tpu.vector_load %arg11[%parallel_loop3A_330, %parallel_loop3A_331] {strides = array<i32>} : memref<64x128xf32, #tpu.memory_space<vmem>>, vector<16xf32>,
        %parallel_loop3A_333 = arith.maximumf %parallel_loop3A_311, %parallel_loop3A_314 : vector<16xf32>
        %parallel_loop3A_334 = arith.maximumf %parallel_loop3A_333, %parallel_loop3A_317 : vector<16xf32>
        %parallel_loop3A_335 = arith.maximumf %parallel_loop3A_334, %parallel_loop3A_320 : vector<16xf32>
        %parallel_loop3A_336 = arith.maximumf %parallel_loop3A_335, %parallel_loop3A_323 : vector<16xf32>
        %parallel_loop3A_337 = arith.maximumf %parallel_loop3A_336, %parallel_loop3A_326 : vector<16xf32>
        %parallel_loop3A_338 = arith.maximumf %parallel_loop3A_337, %parallel_loop3A_329 : vector<16xf32>
        %parallel_loop3A_339 = arith.maximumf %parallel_loop3A_338, %parallel_loop3A_332 : vector<16xf32>
        %parallel_loop3A_340 = arith.constant 1.000000e+00 : f32
        %parallel_loop3A_341 = vector.broadcast %parallel_loop3A_340 : f32 to vector<16xf32>
        %parallel_loop3A_342 = arith.cmpf ole, %parallel_loop3A_339, %parallel_loop3A_341 : vector<16xf32>
        %parallel_loop3A_343 = tpu.all_reduce %parallel_loop3A_342 {dim = 0 : i64, kind = #tpu.reduction_kind<sum>} : vector<16xi1> -> vector<16xi32>
        %parallel_loop3A_344 = arith.constant 1.000000e+00 : f32
        %parallel_loop3A_345 = vector.broadcast %parallel_loop3A_344 : f32 to vector<16xf32>
        %parallel_loop3A_346 = arith.cmpf oeq, %parallel_loop3A_339, %parallel_loop3A_345 : vector<16xf32>
        %parallel_loop3A_347 = tpu.all_reduce %parallel_loop3A_346 {dim = 0 : i64, kind = #tpu.reduction_kind<sum>} : vector<16xi1> -> vector<16xi32>
        %parallel_loop3A_348 = arith.constant 16 : i32
        %parallel_loop3A_349 = vector.broadcast %parallel_loop3A_348 : i32 to vector<16xi32>
        %parallel_loop3A_350 = arith.cmpi eq, %parallel_loop3A_343, %parallel_loop3A_349 : vector<16xi32>
        %parallel_loop3A_351 = arith.constant 0 : i32
        %parallel_loop3A_352 = vector.broadcast %parallel_loop3A_351 : i32 to vector<16xi32>
        %parallel_loop3A_353 = arith.cmpi sgt, %parallel_loop3A_347, %parallel_loop3A_352 : vector<16xi32>
        %parallel_loop3A_354 = arith.andi %parallel_loop3A_350, %parallel_loop3A_353 : vector<16xi1>
        %parallel_loop3A_355 = arith.select %parallel_loop3A_354, %parallel_loop3A_311, %get3A_3 : vector<16xi1>, vector<16xf32>
        %parallel_loop3A_356 = arith.index_cast %parallel_loop3A_308 : i32 to index
        %parallel_loop3A_357 = arith.constant 0 : index
        %parallel_loop3A_358 = tpu.vector_load %arg11[%parallel_loop3A_356, %parallel_loop3A_357] {strides = array<i32>} : memref<64x128xf32, #tpu.memory_space<vmem>>, vector<16xf32>,
        tpu.vector_store %arg11[%parallel_loop3A_356, %parallel_loop3A_357], %parallel_loop3A_355 {strides = array<i32>} : memref<64x128xf32, #tpu.memory_space<vmem>>, vector<16xf32>,
        %parallel_loop3A_359 = arith.select %parallel_loop3A_354, %parallel_loop3A_314, %get3A_5 : vector<16xi1>, vector<16xf32>
        %parallel_loop3A_360 = arith.index_cast %parallel_loop3A_308 : i32 to index
        %parallel_loop3A_361 = arith.constant 16 : index
        %parallel_loop3A_362 = tpu.vector_load %arg11[%parallel_loop3A_360, %parallel_loop3A_361] {strides = array<i32>} : memref<64x128xf32, #tpu.memory_space<vmem>>, vector<16xf32>,
        tpu.vector_store %arg11[%parallel_loop3A_360, %parallel_loop3A_361], %parallel_loop3A_359 {strides = array<i32>} : memref<64x128xf32, #tpu.memory_space<vmem>>, vector<16xf32>,
        %parallel_loop3A_363 = arith.select %parallel_loop3A_354, %parallel_loop3A_317, %get3A_7 : vector<16xi1>, vector<16xf32>
        %parallel_loop3A_364 = arith.index_cast %parallel_loop3A_308 : i32 to index
        %parallel_loop3A_365 = arith.constant 32 : index
        %parallel_loop3A_366 = tpu.vector_load %arg11[%parallel_loop3A_364, %parallel_loop3A_365] {strides = array<i32>} : memref<64x128xf32, #tpu.memory_space<vmem>>, vector<16xf32>,
        tpu.vector_store %arg11[%parallel_loop3A_364, %parallel_loop3A_365], %parallel_loop3A_363 {strides = array<i32>} : memref<64x128xf32, #tpu.memory_space<vmem>>, vector<16xf32>,
        %parallel_loop3A_367 = arith.select %parallel_loop3A_354, %parallel_loop3A_320, %get3A_9 : vector<16xi1>, vector<16xf32>
        %parallel_loop3A_368 = arith.index_cast %parallel_loop3A_308 : i32 to index
        %parallel_loop3A_369 = arith.constant 48 : index
        %parallel_loop3A_370 = tpu.vector_load %arg11[%parallel_loop3A_368, %parallel_loop3A_369] {strides = array<i32>} : memref<64x128xf32, #tpu.memory_space<vmem>>, vector<16xf32>,
        tpu.vector_store %arg11[%parallel_loop3A_368, %parallel_loop3A_369], %parallel_loop3A_367 {strides = array<i32>} : memref<64x128xf32, #tpu.memory_space<vmem>>, vector<16xf32>,
        %parallel_loop3A_371 = arith.select %parallel_loop3A_354, %parallel_loop3A_323, %get3A_11 : vector<16xi1>, vector<16xf32>
        %parallel_loop3A_372 = arith.index_cast %parallel_loop3A_308 : i32 to index
        %parallel_loop3A_373 = arith.constant 64 : index
        %parallel_loop3A_374 = tpu.vector_load %arg11[%parallel_loop3A_372, %parallel_loop3A_373] {strides = array<i32>} : memref<64x128xf32, #tpu.memory_space<vmem>>, vector<16xf32>,
        tpu.vector_store %arg11[%parallel_loop3A_372, %parallel_loop3A_373], %parallel_loop3A_371 {strides = array<i32>} : memref<64x128xf32, #tpu.memory_space<vmem>>, vector<16xf32>,
        %parallel_loop3A_375 = arith.select %parallel_loop3A_354, %parallel_loop3A_326, %get3A_13 : vector<16xi1>, vector<16xf32>
        %parallel_loop3A_376 = arith.index_cast %parallel_loop3A_308 : i32 to index
        %parallel_loop3A_377 = arith.constant 80 : index
        %parallel_loop3A_378 = tpu.vector_load %arg11[%parallel_loop3A_376, %parallel_loop3A_377] {strides = array<i32>} : memref<64x128xf32, #tpu.memory_space<vmem>>, vector<16xf32>,
        tpu.vector_store %arg11[%parallel_loop3A_376, %parallel_loop3A_377], %parallel_loop3A_375 {strides = array<i32>} : memref<64x128xf32, #tpu.memory_space<vmem>>, vector<16xf32>,
        %parallel_loop3A_379 = arith.select %parallel_loop3A_354, %parallel_loop3A_329, %get3A_15 : vector<16xi1>, vector<16xf32>
        %parallel_loop3A_380 = arith.index_cast %parallel_loop3A_308 : i32 to index
        %parallel_loop3A_381 = arith.constant 96 : index
        %parallel_loop3A_382 = tpu.vector_load %arg11[%parallel_loop3A_380, %parallel_loop3A_381] {strides = array<i32>} : memref<64x128xf32, #tpu.memory_space<vmem>>, vector<16xf32>,
        tpu.vector_store %arg11[%parallel_loop3A_380, %parallel_loop3A_381], %parallel_loop3A_379 {strides = array<i32>} : memref<64x128xf32, #tpu.memory_space<vmem>>, vector<16xf32>,
        %parallel_loop3A_383 = arith.select %parallel_loop3A_354, %parallel_loop3A_332, %get3A_17 : vector<16xi1>, vector<16xf32>
        %parallel_loop3A_384 = arith.index_cast %parallel_loop3A_308 : i32 to index
        %parallel_loop3A_385 = arith.constant 112 : index
        %parallel_loop3A_386 = tpu.vector_load %arg11[%parallel_loop3A_384, %parallel_loop3A_385] {strides = array<i32>} : memref<64x128xf32, #tpu.memory_space<vmem>>, vector<16xf32>,
        tpu.vector_store %arg11[%parallel_loop3A_384, %parallel_loop3A_385], %parallel_loop3A_383 {strides = array<i32>} : memref<64x128xf32, #tpu.memory_space<vmem>>, vector<16xf32>,
      } {sc.loop_unroll_factor = 4 : i64, sc.parallel_access}
      %mul3A_271 = arith.constant 64 : i32
      %mul3A_272 = arith.muli %add3A_249, %mul3A_271 : i32
      %add3A_273 = arith.addi %mul3A_2, %mul3A_272 : i32
      %dma_start3A_274 = arith.constant 0 : i32
      %dma_start3A_275 = tpu.memref_slice %arg4[%add3A_273, %dma_start3A_274] : memref<262144x128xf32, #tpu.memory_space<hbm>> -> memref<64x128xf32, #tpu.memory_space<hbm>>
      %dma_start3A_276 = arith.constant 0 : i32
      %dma_start3A_277 = tpu.memref_slice %arg4[%add3A_273, %dma_start3A_276] : memref<262144x128xf32, #tpu.memory_space<hbm>> -> memref<64x128xf32, #tpu.memory_space<hbm>>
      tpu.enqueue_dma source(%arg11 : memref<64x128xf32, #tpu.memory_space<vmem>>) target(%dma_start3A_277 : memref<64x128xf32, #tpu.memory_space<hbm>>) target_semaphore(%arg28 : memref<!tpu.dma_semaphore, #tpu.memory_space<semaphore_mem>>)
      %add3A_278 = arith.constant 7 : i32
      %add3A_279 = arith.addi %add3A_72, %add3A_278 : i32
      %add3A_280 = arith.constant 4 : i32
      %add3A_281 = arith.addi %add3A_279, %add3A_280 : i32
      %ge3A_282 = arith.constant 8 : i32
      %ge3A_283 = arith.cmpi sge, %add3A_281, %ge3A_282 : i32
      %convert_element_type3A_284 = arith.extui %ge3A_283 : i1 to i32
      %cond3A_285 = arith.constant 0 : i32
      %cond3A_286 = arith.cmpi ne, %convert_element_type3A_284, %cond3A_285 : i32
      scf.if %cond3A_286 {
        %add3A_308 = arith.constant 0 : i32
        %add3A_309 = arith.addi %mul3A_2, %add3A_308 : i32
        %dma_wait3A_310 = arith.constant 0 : i32
        %dma_wait3A_311 = tpu.memref_slice %arg4[%add3A_309, %dma_wait3A_310] : memref<262144x128xf32, #tpu.memory_space<hbm>> -> memref<64x128xf32, #tpu.memory_space<hbm>>
        %dma_wait3A_312 = arith.constant 0 : i32
        %dma_wait3A_313 = tpu.memref_slice %arg4[%add3A_309, %dma_wait3A_312] : memref<262144x128xf32, #tpu.memory_space<hbm>> -> memref<64x128xf32, #tpu.memory_space<hbm>>
        tpu.wait_dma2 semaphore(%arg25 : memref<!tpu.dma_semaphore, #tpu.memory_space<semaphore_mem>>) src(%arg8 : memref<64x128xf32, #tpu.memory_space<vmem>>) dst(%dma_wait3A_313 : memref<64x128xf32, #tpu.memory_space<hbm>>)
      } else {
      }
      %lt3A_287 = arith.constant 128 : i32
      %lt3A_288 = arith.cmpi slt, %add3A_281, %lt3A_287 : i32
      %convert_element_type3A_289 = arith.extui %lt3A_288 : i1 to i32
      %cond3A_290 = arith.constant 0 : i32
      %cond3A_291 = arith.cmpi ne, %convert_element_type3A_289, %cond3A_290 : i32
      scf.if %cond3A_291 {
        %mul3A_308 = arith.constant 64 : i32
        %mul3A_309 = arith.muli %add3A_281, %mul3A_308 : i32
        %add3A_310 = arith.addi %mul3A_2, %mul3A_309 : i32
        %dma_start3A_311 = arith.constant 0 : i32
        %dma_start3A_312 = tpu.memref_slice %arg2[%add3A_310, %dma_start3A_311] : memref<262144x128xf32, #tpu.memory_space<hbm>> -> memref<64x128xf32, #tpu.memory_space<hbm>>
        %dma_start3A_313 = arith.constant 0 : i32
        %dma_start3A_314 = tpu.memref_slice %arg2[%add3A_310, %dma_start3A_313] : memref<262144x128xf32, #tpu.memory_space<hbm>> -> memref<64x128xf32, #tpu.memory_space<hbm>>
        tpu.enqueue_dma source(%dma_start3A_314 : memref<64x128xf32, #tpu.memory_space<hbm>>) target(%arg8 : memref<64x128xf32, #tpu.memory_space<vmem>>) target_semaphore(%arg17 : memref<!tpu.dma_semaphore, #tpu.memory_space<semaphore_mem>>)
      } else {
      }
      %add3A_292 = arith.constant 0 : i32
      %add3A_293 = arith.addi %mul3A_2, %add3A_292 : i32
      %dma_wait3A_294 = arith.constant 0 : i32
      %dma_wait3A_295 = tpu.memref_slice %arg2[%add3A_293, %dma_wait3A_294] : memref<262144x128xf32, #tpu.memory_space<hbm>> -> memref<64x128xf32, #tpu.memory_space<hbm>>
      %dma_wait3A_296 = arith.constant 0 : i32
      %dma_wait3A_297 = tpu.memref_slice %arg2[%add3A_293, %dma_wait3A_296] : memref<262144x128xf32, #tpu.memory_space<hbm>> -> memref<64x128xf32, #tpu.memory_space<hbm>>
      tpu.wait_dma2 semaphore(%arg21 : memref<!tpu.dma_semaphore, #tpu.memory_space<semaphore_mem>>) src(%dma_wait3A_297 : memref<64x128xf32, #tpu.memory_space<hbm>>) dst(%arg12 : memref<64x128xf32, #tpu.memory_space<vmem>>)
      %parallel_loop3A_298 = arith.constant 0 : i32
      %parallel_loop3A_299 = arith.constant 64 : i32
      %parallel_loop3A_300 = arith.constant 1 : i32
      scf.for %parallel_loop3A_308 = %parallel_loop3A_298 to %parallel_loop3A_299 step %parallel_loop3A_300  : i32 {
        %parallel_loop3A_309 = arith.index_cast %parallel_loop3A_308 : i32 to index
        %parallel_loop3A_310 = arith.constant 0 : index
        %parallel_loop3A_311 = tpu.vector_load %arg12[%parallel_loop3A_309, %parallel_loop3A_310] {strides = array<i32>} : memref<64x128xf32, #tpu.memory_space<vmem>>, vector<16xf32>,
        %parallel_loop3A_312 = arith.index_cast %parallel_loop3A_308 : i32 to index
        %parallel_loop3A_313 = arith.constant 16 : index
        %parallel_loop3A_314 = tpu.vector_load %arg12[%parallel_loop3A_312, %parallel_loop3A_313] {strides = array<i32>} : memref<64x128xf32, #tpu.memory_space<vmem>>, vector<16xf32>,
        %parallel_loop3A_315 = arith.index_cast %parallel_loop3A_308 : i32 to index
        %parallel_loop3A_316 = arith.constant 32 : index
        %parallel_loop3A_317 = tpu.vector_load %arg12[%parallel_loop3A_315, %parallel_loop3A_316] {strides = array<i32>} : memref<64x128xf32, #tpu.memory_space<vmem>>, vector<16xf32>,
        %parallel_loop3A_318 = arith.index_cast %parallel_loop3A_308 : i32 to index
        %parallel_loop3A_319 = arith.constant 48 : index
        %parallel_loop3A_320 = tpu.vector_load %arg12[%parallel_loop3A_318, %parallel_loop3A_319] {strides = array<i32>} : memref<64x128xf32, #tpu.memory_space<vmem>>, vector<16xf32>,
        %parallel_loop3A_321 = arith.index_cast %parallel_loop3A_308 : i32 to index
        %parallel_loop3A_322 = arith.constant 64 : index
        %parallel_loop3A_323 = tpu.vector_load %arg12[%parallel_loop3A_321, %parallel_loop3A_322] {strides = array<i32>} : memref<64x128xf32, #tpu.memory_space<vmem>>, vector<16xf32>,
        %parallel_loop3A_324 = arith.index_cast %parallel_loop3A_308 : i32 to index
        %parallel_loop3A_325 = arith.constant 80 : index
        %parallel_loop3A_326 = tpu.vector_load %arg12[%parallel_loop3A_324, %parallel_loop3A_325] {strides = array<i32>} : memref<64x128xf32, #tpu.memory_space<vmem>>, vector<16xf32>,
        %parallel_loop3A_327 = arith.index_cast %parallel_loop3A_308 : i32 to index
        %parallel_loop3A_328 = arith.constant 96 : index
        %parallel_loop3A_329 = tpu.vector_load %arg12[%parallel_loop3A_327, %parallel_loop3A_328] {strides = array<i32>} : memref<64x128xf32, #tpu.memory_space<vmem>>, vector<16xf32>,
        %parallel_loop3A_330 = arith.index_cast %parallel_loop3A_308 : i32 to index
        %parallel_loop3A_331 = arith.constant 112 : index
        %parallel_loop3A_332 = tpu.vector_load %arg12[%parallel_loop3A_330, %parallel_loop3A_331] {strides = array<i32>} : memref<64x128xf32, #tpu.memory_space<vmem>>, vector<16xf32>,
        %parallel_loop3A_333 = arith.maximumf %parallel_loop3A_311, %parallel_loop3A_314 : vector<16xf32>
        %parallel_loop3A_334 = arith.maximumf %parallel_loop3A_333, %parallel_loop3A_317 : vector<16xf32>
        %parallel_loop3A_335 = arith.maximumf %parallel_loop3A_334, %parallel_loop3A_320 : vector<16xf32>
        %parallel_loop3A_336 = arith.maximumf %parallel_loop3A_335, %parallel_loop3A_323 : vector<16xf32>
        %parallel_loop3A_337 = arith.maximumf %parallel_loop3A_336, %parallel_loop3A_326 : vector<16xf32>
        %parallel_loop3A_338 = arith.maximumf %parallel_loop3A_337, %parallel_loop3A_329 : vector<16xf32>
        %parallel_loop3A_339 = arith.maximumf %parallel_loop3A_338, %parallel_loop3A_332 : vector<16xf32>
        %parallel_loop3A_340 = arith.constant 1.000000e+00 : f32
        %parallel_loop3A_341 = vector.broadcast %parallel_loop3A_340 : f32 to vector<16xf32>
        %parallel_loop3A_342 = arith.cmpf ole, %parallel_loop3A_339, %parallel_loop3A_341 : vector<16xf32>
        %parallel_loop3A_343 = tpu.all_reduce %parallel_loop3A_342 {dim = 0 : i64, kind = #tpu.reduction_kind<sum>} : vector<16xi1> -> vector<16xi32>
        %parallel_loop3A_344 = arith.constant 1.000000e+00 : f32
        %parallel_loop3A_345 = vector.broadcast %parallel_loop3A_344 : f32 to vector<16xf32>
        %parallel_loop3A_346 = arith.cmpf oeq, %parallel_loop3A_339, %parallel_loop3A_345 : vector<16xf32>
        %parallel_loop3A_347 = tpu.all_reduce %parallel_loop3A_346 {dim = 0 : i64, kind = #tpu.reduction_kind<sum>} : vector<16xi1> -> vector<16xi32>
        %parallel_loop3A_348 = arith.constant 16 : i32
        %parallel_loop3A_349 = vector.broadcast %parallel_loop3A_348 : i32 to vector<16xi32>
        %parallel_loop3A_350 = arith.cmpi eq, %parallel_loop3A_343, %parallel_loop3A_349 : vector<16xi32>
        %parallel_loop3A_351 = arith.constant 0 : i32
        %parallel_loop3A_352 = vector.broadcast %parallel_loop3A_351 : i32 to vector<16xi32>
        %parallel_loop3A_353 = arith.cmpi sgt, %parallel_loop3A_347, %parallel_loop3A_352 : vector<16xi32>
        %parallel_loop3A_354 = arith.andi %parallel_loop3A_350, %parallel_loop3A_353 : vector<16xi1>
        %parallel_loop3A_355 = arith.select %parallel_loop3A_354, %parallel_loop3A_311, %get3A_3 : vector<16xi1>, vector<16xf32>
        %parallel_loop3A_356 = arith.index_cast %parallel_loop3A_308 : i32 to index
        %parallel_loop3A_357 = arith.constant 0 : index
        %parallel_loop3A_358 = tpu.vector_load %arg12[%parallel_loop3A_356, %parallel_loop3A_357] {strides = array<i32>} : memref<64x128xf32, #tpu.memory_space<vmem>>, vector<16xf32>,
        tpu.vector_store %arg12[%parallel_loop3A_356, %parallel_loop3A_357], %parallel_loop3A_355 {strides = array<i32>} : memref<64x128xf32, #tpu.memory_space<vmem>>, vector<16xf32>,
        %parallel_loop3A_359 = arith.select %parallel_loop3A_354, %parallel_loop3A_314, %get3A_5 : vector<16xi1>, vector<16xf32>
        %parallel_loop3A_360 = arith.index_cast %parallel_loop3A_308 : i32 to index
        %parallel_loop3A_361 = arith.constant 16 : index
        %parallel_loop3A_362 = tpu.vector_load %arg12[%parallel_loop3A_360, %parallel_loop3A_361] {strides = array<i32>} : memref<64x128xf32, #tpu.memory_space<vmem>>, vector<16xf32>,
        tpu.vector_store %arg12[%parallel_loop3A_360, %parallel_loop3A_361], %parallel_loop3A_359 {strides = array<i32>} : memref<64x128xf32, #tpu.memory_space<vmem>>, vector<16xf32>,
        %parallel_loop3A_363 = arith.select %parallel_loop3A_354, %parallel_loop3A_317, %get3A_7 : vector<16xi1>, vector<16xf32>
        %parallel_loop3A_364 = arith.index_cast %parallel_loop3A_308 : i32 to index
        %parallel_loop3A_365 = arith.constant 32 : index
        %parallel_loop3A_366 = tpu.vector_load %arg12[%parallel_loop3A_364, %parallel_loop3A_365] {strides = array<i32>} : memref<64x128xf32, #tpu.memory_space<vmem>>, vector<16xf32>,
        tpu.vector_store %arg12[%parallel_loop3A_364, %parallel_loop3A_365], %parallel_loop3A_363 {strides = array<i32>} : memref<64x128xf32, #tpu.memory_space<vmem>>, vector<16xf32>,
        %parallel_loop3A_367 = arith.select %parallel_loop3A_354, %parallel_loop3A_320, %get3A_9 : vector<16xi1>, vector<16xf32>
        %parallel_loop3A_368 = arith.index_cast %parallel_loop3A_308 : i32 to index
        %parallel_loop3A_369 = arith.constant 48 : index
        %parallel_loop3A_370 = tpu.vector_load %arg12[%parallel_loop3A_368, %parallel_loop3A_369] {strides = array<i32>} : memref<64x128xf32, #tpu.memory_space<vmem>>, vector<16xf32>,
        tpu.vector_store %arg12[%parallel_loop3A_368, %parallel_loop3A_369], %parallel_loop3A_367 {strides = array<i32>} : memref<64x128xf32, #tpu.memory_space<vmem>>, vector<16xf32>,
        %parallel_loop3A_371 = arith.select %parallel_loop3A_354, %parallel_loop3A_323, %get3A_11 : vector<16xi1>, vector<16xf32>
        %parallel_loop3A_372 = arith.index_cast %parallel_loop3A_308 : i32 to index
        %parallel_loop3A_373 = arith.constant 64 : index
        %parallel_loop3A_374 = tpu.vector_load %arg12[%parallel_loop3A_372, %parallel_loop3A_373] {strides = array<i32>} : memref<64x128xf32, #tpu.memory_space<vmem>>, vector<16xf32>,
        tpu.vector_store %arg12[%parallel_loop3A_372, %parallel_loop3A_373], %parallel_loop3A_371 {strides = array<i32>} : memref<64x128xf32, #tpu.memory_space<vmem>>, vector<16xf32>,
        %parallel_loop3A_375 = arith.select %parallel_loop3A_354, %parallel_loop3A_326, %get3A_13 : vector<16xi1>, vector<16xf32>
        %parallel_loop3A_376 = arith.index_cast %parallel_loop3A_308 : i32 to index
        %parallel_loop3A_377 = arith.constant 80 : index
        %parallel_loop3A_378 = tpu.vector_load %arg12[%parallel_loop3A_376, %parallel_loop3A_377] {strides = array<i32>} : memref<64x128xf32, #tpu.memory_space<vmem>>, vector<16xf32>,
        tpu.vector_store %arg12[%parallel_loop3A_376, %parallel_loop3A_377], %parallel_loop3A_375 {strides = array<i32>} : memref<64x128xf32, #tpu.memory_space<vmem>>, vector<16xf32>,
        %parallel_loop3A_379 = arith.select %parallel_loop3A_354, %parallel_loop3A_329, %get3A_15 : vector<16xi1>, vector<16xf32>
        %parallel_loop3A_380 = arith.index_cast %parallel_loop3A_308 : i32 to index
        %parallel_loop3A_381 = arith.constant 96 : index
        %parallel_loop3A_382 = tpu.vector_load %arg12[%parallel_loop3A_380, %parallel_loop3A_381] {strides = array<i32>} : memref<64x128xf32, #tpu.memory_space<vmem>>, vector<16xf32>,
        tpu.vector_store %arg12[%parallel_loop3A_380, %parallel_loop3A_381], %parallel_loop3A_379 {strides = array<i32>} : memref<64x128xf32, #tpu.memory_space<vmem>>, vector<16xf32>,
        %parallel_loop3A_383 = arith.select %parallel_loop3A_354, %parallel_loop3A_332, %get3A_17 : vector<16xi1>, vector<16xf32>
        %parallel_loop3A_384 = arith.index_cast %parallel_loop3A_308 : i32 to index
        %parallel_loop3A_385 = arith.constant 112 : index
        %parallel_loop3A_386 = tpu.vector_load %arg12[%parallel_loop3A_384, %parallel_loop3A_385] {strides = array<i32>} : memref<64x128xf32, #tpu.memory_space<vmem>>, vector<16xf32>,
        tpu.vector_store %arg12[%parallel_loop3A_384, %parallel_loop3A_385], %parallel_loop3A_383 {strides = array<i32>} : memref<64x128xf32, #tpu.memory_space<vmem>>, vector<16xf32>,
      } {sc.loop_unroll_factor = 4 : i64, sc.parallel_access}
      %mul3A_301 = arith.constant 64 : i32
      %mul3A_302 = arith.muli %add3A_279, %mul3A_301 : i32
      %add3A_303 = arith.addi %mul3A_2, %mul3A_302 : i32
      %dma_start3A_304 = arith.constant 0 : i32
      %dma_start3A_305 = tpu.memref_slice %arg4[%add3A_303, %dma_start3A_304] : memref<262144x128xf32, #tpu.memory_space<hbm>> -> memref<64x128xf32, #tpu.memory_space<hbm>>
      %dma_start3A_306 = arith.constant 0 : i32
      %dma_start3A_307 = tpu.memref_slice %arg4[%add3A_303, %dma_start3A_306] : memref<262144x128xf32, #tpu.memory_space<hbm>> -> memref<64x128xf32, #tpu.memory_space<hbm>>
      tpu.enqueue_dma source(%arg12 : memref<64x128xf32, #tpu.memory_space<vmem>>) target(%dma_start3A_307 : memref<64x128xf32, #tpu.memory_space<hbm>>) target_semaphore(%arg29 : memref<!tpu.dma_semaphore, #tpu.memory_space<semaphore_mem>>)
    }
    %scan3A_44 = arith.constant 16 : i32
    %add3A_45 = arith.constant 0 : i32
    %add3A_46 = arith.addi %mul3A_2, %add3A_45 : i32
    %dma_wait3A = arith.constant 0 : i32
    %dma_wait3A_47 = tpu.memref_slice %arg4[%add3A_46, %dma_wait3A] : memref<262144x128xf32, #tpu.memory_space<hbm>> -> memref<64x128xf32, #tpu.memory_space<hbm>>
    %dma_wait3A_48 = arith.constant 0 : i32
    %dma_wait3A_49 = tpu.memref_slice %arg4[%add3A_46, %dma_wait3A_48] : memref<262144x128xf32, #tpu.memory_space<hbm>> -> memref<64x128xf32, #tpu.memory_space<hbm>>
    tpu.wait_dma2 semaphore(%arg26 : memref<!tpu.dma_semaphore, #tpu.memory_space<semaphore_mem>>) src(%arg9 : memref<64x128xf32, #tpu.memory_space<vmem>>) dst(%dma_wait3A_49 : memref<64x128xf32, #tpu.memory_space<hbm>>)
    %add3A_50 = arith.constant 0 : i32
    %add3A_51 = arith.addi %mul3A_2, %add3A_50 : i32
    %dma_wait3A_52 = arith.constant 0 : i32
    %dma_wait3A_53 = tpu.memref_slice %arg4[%add3A_51, %dma_wait3A_52] : memref<262144x128xf32, #tpu.memory_space<hbm>> -> memref<64x128xf32, #tpu.memory_space<hbm>>
    %dma_wait3A_54 = arith.constant 0 : i32
    %dma_wait3A_55 = tpu.memref_slice %arg4[%add3A_51, %dma_wait3A_54] : memref<262144x128xf32, #tpu.memory_space<hbm>> -> memref<64x128xf32, #tpu.memory_space<hbm>>
    tpu.wait_dma2 semaphore(%arg27 : memref<!tpu.dma_semaphore, #tpu.memory_space<semaphore_mem>>) src(%arg10 : memref<64x128xf32, #tpu.memory_space<vmem>>) dst(%dma_wait3A_55 : memref<64x128xf32, #tpu.memory_space<hbm>>)
    %add3A_56 = arith.constant 0 : i32
    %add3A_57 = arith.addi %mul3A_2, %add3A_56 : i32
    %dma_wait3A_58 = arith.constant 0 : i32
    %dma_wait3A_59 = tpu.memref_slice %arg4[%add3A_57, %dma_wait3A_58] : memref<262144x128xf32, #tpu.memory_space<hbm>> -> memref<64x128xf32, #tpu.memory_space<hbm>>
    %dma_wait3A_60 = arith.constant 0 : i32
    %dma_wait3A_61 = tpu.memref_slice %arg4[%add3A_57, %dma_wait3A_60] : memref<262144x128xf32, #tpu.memory_space<hbm>> -> memref<64x128xf32, #tpu.memory_space<hbm>>
    tpu.wait_dma2 semaphore(%arg28 : memref<!tpu.dma_semaphore, #tpu.memory_space<semaphore_mem>>) src(%arg11 : memref<64x128xf32, #tpu.memory_space<vmem>>) dst(%dma_wait3A_61 : memref<64x128xf32, #tpu.memory_space<hbm>>)
    %add3A_62 = arith.constant 0 : i32
    %add3A_63 = arith.addi %mul3A_2, %add3A_62 : i32
    %dma_wait3A_64 = arith.constant 0 : i32
    %dma_wait3A_65 = tpu.memref_slice %arg4[%add3A_63, %dma_wait3A_64] : memref<262144x128xf32, #tpu.memory_space<hbm>> -> memref<64x128xf32, #tpu.memory_space<hbm>>
    %dma_wait3A_66 = arith.constant 0 : i32
    %dma_wait3A_67 = tpu.memref_slice %arg4[%add3A_63, %dma_wait3A_66] : memref<262144x128xf32, #tpu.memory_space<hbm>> -> memref<64x128xf32, #tpu.memory_space<hbm>>
    tpu.wait_dma2 semaphore(%arg29 : memref<!tpu.dma_semaphore, #tpu.memory_space<semaphore_mem>>) src(%arg12 : memref<64x128xf32, #tpu.memory_space<vmem>>) dst(%dma_wait3A_67 : memref<64x128xf32, #tpu.memory_space<hbm>>)
    return
  }
}

</mosaic_0001>

<sc_bundles>
// kernel: kernel.3.cloned.1.call-start
scs
__scs_entry_jumppad:
0x0: {  	(pc) =	sbr.rel $0x88, $3  }
0x1: {  	(tag) =	ssettag $0x0;
	lr =	simm.s32 $0x1  }
0x2: {  	[smem:$0x3F9F] =	sst lr;
	_ =	strace $0xD0000000  }
0x3: {  	_ = 	snop  }
0x4: {  	_ = 	snop  }
0x5: {  	_ = 	snop  }
0x6: {  	_ = 	snop  }
0x7: {  	_ = 	snop  }
__scs_overlays_trampoline_lowered:
0x8: {  	[smem:$0x3FAE] =	sst s0  }
0x9: {  	[smem:$0x3FAF] =	sst s1  }
0xa: {  	[smem:$0x3FB0] =	sst s2  }
0xb: {  	[smem:$0x3FB1] =	sst s3  }
0xc: {  	[smem:$0x3FB2] =	sst s4  }
0xd: {  	[smem:$0x3FB3] =	sst s5  }
0xe: {  	[smem:$0x3FB4] =	sst s6  }
0xf: {  	[smem:$0x3FB5] =	sst s7  }
0x10: {  	[smem:$0x3FB6] =	sst s8  }
0x11: {  	[smem:$0x3FB7] =	sst s9;
	s0 =	simm.s32 @!p0 $0x0  }
0x12: {  	s1 =	sld [smem:$0x3F9D];
	s0 =	simm.s32 @p0 $0x1  }
0x13: {  	[smem:$0x3FB8] =	sst s0;
	s0 =	simm.s32 @!p1 $0x0  }
0x14: {  	s2 =	sld [smem:$0x3F9C];
	s0 =	simm.s32 @p1 $0x1  }
0x15: {  	[smem:$0x3FB9] =	sst s0;
	s0 =	simm.s32 @!p2 $0x0  }
0x16: {  	s3 =	sld [smem:$0x3FDB];
	s0 =	simm.s32 @p2 $0x1  }
0x17: {  	s4 =	simm.s32 $0x1BF5;
	[smem:$0x3FBB] =	sst s0  }
0x18: {  	s0 =	sld [smem:$0x3F9E];
	_ =	swait.ge [sflag:s4], $0x0  }
0x19: {  	s7 =	sld [smem:$0x3F9F]  }
0x1a: {  	s8 =	sadd.s32 $0xFFFFE003, lr  }
0x1b: {  	s9 =	sadd.s32 $0xFFFFFEF7, lr;
	s5 =	simm.s32 $0xFFFFFFFF;
	p2 =	slt.u32 s8, $0xFFFFF086  }
0x1c: {  	p1 =	slt.u32 s9, $0xF7A;
	s5 =	simm.s32 @!p2 $0x0  }
0x1d: {  	s5 =	simm.s32 @p1 $0x1;
	p0 =	seq.s32 s7, s2  }
0x1e: {  	s7 =	smul.u32 @!p0 $0xF7A, s2;
	p2 =	seq.s32 @!p0 s5, $0x0  }
0x1f: {  	s9 =	smul.u32 $0xF7A, s1;
	s8 =	simm.s32 @!p0 $0x1BF5;
	p2 =	por !p2, p0  }
0x20: {  	[sflag:s8] =	ssyncset.s32 @!p0 $0xFFFFF086;
	s6 =	sadd.s32 @!p0 s3, s7;
	s7 =	simm.s32 @!p0 $0x108  }
0x21: {  	s3 =	sadd.s32 s3, s9;
	s6 =	sadd.s32 @!p0 $0x88, s6;
	s7 =	simm.s32 @p2 $0x1082  }
0x22: {  	[simem:s7], [sflag:s8] =	dma.local @!p0 [hbm:s6], $0xF7A  }
0x23: {  	s9 =	sor.u32 $0xD0000000, s2;
	s6 =	simm.s32 $0x108;
	_ =	swait.ge @!p0 [sflag:s8], $0x0  }
0x24: {  	s3 =	sadd.s32 $0x88, s3;
	s6 =	simm.s32 @!p1 $0x1082;
	[sflag:s4] =	ssyncset.s32 $0xFFFFF086  }
0x25: {  	[simem:s6], [sflag:s4] =	dma.local [hbm:s3], $0xF7A  }
0x26: {  	[smem:$0x3F9F] =	sst s1;
	(tag) =	ssettag s2;
	_ =	strace s9  }
0x27: {  	s1 =	sld [smem:$0x3FAF]  }
0x28: {  	s2 =	sld [smem:$0x3FB0]  }
0x29: {  	s4 =	sld [smem:$0x3FB2]  }
0x2a: {  	p0 =	seq.s32 s5, $0x0;
	s5 =	sld [smem:$0x3FB3]  }
0x2b: {  	s6 =	sld [smem:$0x3FB4]  }
0x2c: {  	s7 =	sld [smem:$0x3FB5]  }
0x2d: {  	s3 =	simm.s32 $0x108;
	s8 =	sld [smem:$0x3FB6]  }
0x2e: {  	s3 =	simm.s32 @!p0 $0x1082;
	s9 =	sld [smem:$0x3FB7]  }
0x2f: {  	lr =	sadd.s32 s0, s3;
	s0 =	sld [smem:$0x3FAE]  }
0x30: {  	s3 =	sld [smem:$0x3FB1]  }
0x31: {  	[smem:$0x3FBA] =	sst s10  }
0x32: {  	s10 =	sld [smem:$0x3FB8];
	_ =	sdelay $0x3  }
0x33: {  	p0 =	seq.s32 s10, $0x1;
	s10 =	sld [smem:$0x3FBA];
	_ =	sdelay $0x3  }
0x34: {  	[smem:$0x3FBA] =	sst s10  }
0x35: {  	s10 =	sld [smem:$0x3FB9];
	_ =	sdelay $0x3  }
0x36: {  	p1 =	seq.s32 s10, $0x1;
	s10 =	sld [smem:$0x3FBA];
	_ =	sdelay $0x3  }
0x37: {  	[smem:$0x3FBA] =	sst s10  }
0x38: {  	s10 =	sld [smem:$0x3FBB]  }
0x39: {  	_ = 	snop;
	(pc) =	sbr.ind lr, $3  }
0x3a: {  	_ = 	snop  }
0x3b: {  	_ = 	snop  }
0x3c: {  	p2 =	seq.s32 s10, $0x1;
	s10 =	sld [smem:$0x3FBA]  }
0x3d: {  	_ =	shalt  }
0x3e: {  	_ =	shalt  }
0x3f: {  	_ =	shalt  }
0x40: {  	_ =	shalt  }
0x41: {  	_ =	shalt  }
0x42: {  	_ =	shalt  }
0x43: {  	_ =	shalt  }
0x44: {  	_ =	shalt  }
0x45: {  	_ =	shalt  }
0x46: {  	_ =	shalt  }
0x47: {  	_ =	shalt  }
0x48: {  	_ =	shalt  }
0x49: {  	_ =	shalt  }
0x4a: {  	_ =	shalt  }
0x4b: {  	_ =	shalt  }
0x4c: {  	_ =	shalt  }
0x4d: {  	_ =	shalt  }
0x4e: {  	_ =	shalt  }
0x4f: {  	_ =	shalt  }
0x50: {  	_ =	shalt  }
0x51: {  	_ =	shalt  }
0x52: {  	_ =	shalt  }
0x53: {  	_ =	shalt  }
0x54: {  	_ =	shalt  }
0x55: {  	_ =	shalt  }
0x56: {  	_ =	shalt  }
0x57: {  	_ =	shalt  }
0x58: {  	_ =	shalt  }
0x59: {  	_ =	shalt  }
0x5a: {  	_ =	shalt  }
0x5b: {  	_ =	shalt  }
0x5c: {  	_ =	shalt  }
0x5d: {  	_ =	shalt  }
0x5e: {  	_ =	shalt  }
0x5f: {  	_ =	shalt  }
0x60: {  	_ =	shalt  }
0x61: {  	_ =	shalt  }
0x62: {  	_ =	shalt  }
0x63: {  	_ =	shalt  }
0x64: {  	_ =	shalt  }
0x65: {  	_ =	shalt  }
0x66: {  	_ =	shalt  }
0x67: {  	_ =	shalt  }
0x68: {  	_ =	shalt  }
0x69: {  	_ =	shalt  }
0x6a: {  	_ =	shalt  }
0x6b: {  	_ =	shalt  }
0x6c: {  	_ =	shalt  }
0x6d: {  	_ =	shalt  }
0x6e: {  	_ =	shalt  }
0x6f: {  	_ =	shalt  }
0x70: {  	_ =	shalt  }
0x71: {  	_ =	shalt  }
0x72: {  	_ =	shalt  }
0x73: {  	_ =	shalt  }
0x74: {  	_ =	shalt  }
0x75: {  	_ =	shalt  }
0x76: {  	_ =	shalt  }
0x77: {  	_ =	shalt  }
0x78: {  	_ =	shalt  }
0x79: {  	_ =	shalt  }
0x7a: {  	_ =	shalt  }
0x7b: {  	_ =	shalt  }
0x7c: {  	_ =	shalt  }
0x7d: {  	_ =	shalt  }
0x7e: {  	_ =	shalt  }
0x7f: {  	_ =	shalt  }
0x80: {  	_ =	shalt  }
0x81: {  	_ =	shalt  }
0x82: {  	_ =	shalt  }
0x83: {  	_ =	shalt  }
0x84: {  	_ =	shalt  }
0x85: {  	_ =	shalt  }
0x86: {  	_ =	shalt  }
0x87: {  	_ =	shalt  }
.Lfunc_end0:
.L_simem_size_0:
called_computation_lowered:
.L_overlay_start_0:
0x88: {  	s2 =	sld [smem:$0x3FD9]  }
0x89: {  	s3 =	sld [smem:$0x3FFE];
	_ =	sdelay $0x1  }
0x8a: {  	s1 =	srdreg.scid  }
0x8b: {  	s0 =	sand.u32 $0x1, s1  }
0x8c: {  	s18 =	sshll.u32 s0, $0xA;
	s2 =	sadd.s32 s3, s2  }
0x8d: {  	s2 =	sadd.s32 s2, s18  }
0x8e: {  	[smem:$0x3FC6] =	sst s2  }
0x8f: {  	_ = 	snop  }
0x90: {  	s2 =	sld [smem:$0x3FC9]  }
0x91: {  	s19 =	sld [smem:$0x3FC8]  }
0x92: {  	s4 =	sld [smem:$0x3FD0];
	(tm) =	ssettm $0x1  }
0x93: {  	s5 =	sld [smem:$0x3FFB];
	_ =	sdelay $0x3  }
0x94: {  	_ =	strace s5  }
0x95: {  	s5 =	sld [smem:$0x3FFC];
	_ =	sdelay $0x3  }
0x96: {  	_ =	strace s5  }
0x97: {  	s5 =	sld [smem:$0x3FFD];
	_ =	sdelay $0x3  }
0x98: {  	_ =	strace s5  }
0x99: {  	_ =	strace $0x8FFFFFFF  }
0x9a: {  	s20 =	sld [smem:$0x3FDB];
	_ =	sdelay $0x1  }
0x9b: {  	s6 =	simm.s32 $_scs_section_size  }
0x9c: {  	s7 =	simm.s32 $_size__tile_overlayer_lowered;
	s8 =	simm.s32 $_tile_overlayer_lowered  }
0x9d: {  	s23 =	simm.s32 $0x1BFF;
	s22 =	sshll.u32 s8, $0x1;
	s5 =	sadd.s32 s6, s20  }
0x9e: {  	s9 =	simm.s32 $0x0;
	s21 =	sshll.u32 s7, $0x1;
	s7 =	sadd.s32 s22, s5  }
0x9f: {  	[timem:s9], [sflag:s23] =	dma.local [hbm:s7], s21  }
0xa0: {  	_ =	swait.ge [sflag:s23], s21  }
0xa1: {  	s6 =	ssub.s32 $0x0, s21;
	[sflag:s23] =	ssyncset.done $0x0  }
0xa2: {  	[sflag:s23] =	ssyncadd.s32 s6;
	_ =	sdelay $0x1  }
0xa3: {  	s24 =	simm.s32 $0x1B8B  }
0xa4: {  	_ =	swait.ge [sflag:s24], $0x1  }
0xa5: {  	[sflag:s24] =	ssyncset.done $0x0  }
0xa6: {  	s25 =	simm.s32 $0x1B8E;
	[sflag:s24] =	ssyncadd.s32 $0xFFFFFFFF  }
0xa7: {  	s26 =	simm.s32 $execute0_lowered;
	[smem:$0x3FD2] =	sst s25  }
0xa8: {  	s6 =	sshll.u32 s26, $0x1;
	_ =	strace $0x80000046;
	[dreg:$0x1] =	wrdreg $0xFFFFFFFF  }
0xa9: {  	s28 =	simm.s32 $_size_execute0_lowered;
	s5 =	sadd.s32 s5, s6;
	[dreg:$0x0] =	wrdreg $0x0  }
0xaa: {  	s6 =	sshll.u32 s28, $0x1;
	[dreg:$0x2] =	wrdreg s5  }
0xab: {  	[dreg:$0x3] =	wrdreg s6  }
0xac: {  	[dreg:$0x4] =	wrdreg $0xC0  }
0xad: {  	_ =	task [dreg:s9], $0x5FFFF  }
0xae: {  	[dreg:$0x1] =	wrdreg $0xFFFFFFFF  }
0xaf: {  	[dreg:$0x0] =	wrdreg $0x60  }
0xb0: {  	[dreg:$0x2] =	wrdreg s2  }
0xb1: {  	[dreg:$0x3] =	wrdreg s19  }
0xb2: {  	[dreg:$0x4] =	wrdreg s4  }
0xb3: {  	[dreg:$0x5] =	wrdreg $0x9  }
0xb4: {  	_ =	task.clear_ibuf [dreg:s9], $0x6FFFF;
	_ =	strace $0x90000046  }
0xb5: {  	s29 =	simm.s32 $0x9;
	_ =	strace $0x80000048  }
0xb6: {  	_ =	swait.ge [sflag:s29], $0x1  }
0xb7: {  	[sflag:s29] =	ssyncadd.s32 $0xFFFFFFFF  }
0xb8: {  	_ =	strace $0x90000048  }
0xb9: {  	_ =	sfence  }
0xba: {  	s30 =	sld [smem:$0x0];
	_ =	sdelay $0x2  }
0xbb: {  	s31 =	sshll.u32 s1, $0xD;
	s1 =	sshrl.u32 s1, $0x2  }
0xbc: {  	s3 =	sand.u32 $0x4000, s31;
	s1 =	sadd.s32 s1, s30  }
0xbd: {  	s0 =	sor.u32 s3, s0;
	s1 =	sshll.u32 s1, $0x11  }
0xbe: {  	s0 =	sor.u32 s1, s0  }
0xbf: {  	s0 =	sadd.s32 $0x8F2B, s0  }
0xc0: {  	[sflag:s0] =	ssyncadd.remote.s32 $0x1  }
0xc1: {  	_ =	sfence.sel $0xFFFF  }
0xc2: {  	[dreg:$0x0] =	wrdreg $0xFFFFFFFF;
	(pc) =	sbr.abs _section_cstart, $3  }
0xc3: {  	[dreg:$0x1] =	wrdreg $0xFFFFFFFF  }
0xc4: {  	_ =	task.clear_ibuf [dreg:s9], $0x2FFFF;
	_ =	strace $0x9FFFFFFF  }
0xc5: {  	(tm) =	ssettm $0x7FFFFFFF  }
tec
execute0_lowered:
.L_overlay_start_1:
0x0: {  	(tag) =	ssettag $0x1  }
0x1: {  	s2 =	rddreg [dreg:$0x0];
	s0 =	srdreg.scid  }
0x2: {  	s4 =	rddreg [dreg:$0x2];
	s1 =	stileid.u32  }
0x3: {  	s5 =	simm.s32 $0x0;
	s28 =	simm.s32 $0x1;
	s0 =	sand.u32 $0x1, s0  }
0x4: {  	s29 =	simm.s32 $0xA000;
	s1 =	sshll.u32 s1, $0xE;
	s3 =	sshll.u32 s0, $0xD  }
0x5: {  	s30 =	simm.s32 $0x2;
	s31 =	simm.s32 $0xC000;
	s3 =	sor.u32 s3, s1  }
0x6: {  	s8 =	simm.s32 $0x5;
	s19 =	smov.u32 s3;
	s3 =	sshll.u32 s3, $0x4  }
0x7: {  	s9 =	simm.s32 $0xA;
	[smem:$0x7FF] =	sst s5;
	s20 =	sor.u32 $0x1000, s3  }
0x8: {  	_ =	strace $0x80000047;
	s21 =	sor.u32 $0x1400, s3;
	[dreg:$0x8] =	wrdreg s20  }
0x9: {  	s0 =	ssub.s32 $0x2, s0;
	s22 =	sor.u32 $0x1800, s3;
	[dreg:$0x9] =	wrdreg s21  }
0xa: {  	s15 =	sshrl.u32 s0, $0x1;
	s23 =	sor.u32 $0x1C00, s3;
	[dreg:$0xa] =	wrdreg s22  }
0xb: {  	s16 =	sadd.s32 s2, s3;
	s3 =	sadd.s32 s4, s3;
	[dreg:$0xb] =	wrdreg s23  }
0xc: {  	s10 =	simm.s32 $0x6;
	s0 =	ssub.s32 s0, s15;
	[dreg:$0xc] =	wrdreg s3  }
0xd: {  	s7 =	simm.s32 $0x7;
	s0 =	smax.u32 s0, $0x1;
	[dreg:$0x4] =	wrdreg s16  }
0xe: {  	s12 =	simm.s32 $0x0;
	s6 =	sadd.s32 $0x400, s16;
	[dreg:$0x11] =	wrdreg s0  }
0xf: {  	s17 =	sadd.s32 $0x800, s16;
	s18 =	sadd.s32 $0xC00, s16;
	[dreg:$0x5] =	wrdreg s6  }
0x10: {  	s24 =	sadd.s32 $0x2000, s16;
	s25 =	sadd.s32 $0x2400, s16;
	[dreg:$0x6] =	wrdreg s17  }
0x11: {  	s26 =	sadd.s32 $0x2800, s16;
	s1 =	sadd.s32 $0x2C00, s16;
	[dreg:$0x7] =	wrdreg s18  }
0x12: {  	s0 =	simm.s32 $0x3;
	s3 =	simm.s32 $0x4;
	[dreg:$0xd] =	wrdreg s24  }
0x13: {  	s21 =	simm.s32 $0x9;
	s20 =	simm.s32 $0xB;
	[dreg:$0xe] =	wrdreg s25  }
0x14: {  	s22 =	simm.s32 $0xC;
	s23 =	simm.s32 $0x8;
	[dreg:$0xf] =	wrdreg s26  }
0x15: {  	[dreg:$0x10] =	wrdreg s1;
	s26 =	simm.s32 $0x8000;
	s1 =	simm.s32 $0xE000  }
.LBB2_1:
0x16: {  	[dreg:$0x12] =	wrdreg s12  }
0x17: {  	s6 =	rddreg [dreg:$0x1];
	s11 =	simm.s32 $0x10000;
	s13 =	simm.s32 $0x11  }
0x18: {  	[tilespmem:s11], [sflag:$0x11] =	stream.linear.gather [hbm4b:s6+s5], $0x80, $0x38;
	[tilespmem:$0x10080] =	vst v63  }
0x19: {  	_ =	swait.ge [sflag:s13], $0x80  }
0x1a: {  	[sflag:s13] =	ssyncset.done $0x0  }
0x1b: {  	[sflag:s13] =	ssyncadd.s32 $0xFFFFFF80  }
0x1c: {  	v0 =	vld [tilespmem:$0x10000]  }
0x1d: {  	v1 =	vld [tilespmem:$0x10010]  }
0x1e: {  	v2 =	vld [tilespmem:$0x10020]  }
0x1f: {  	v3 =	vld [tilespmem:$0x10030]  }
0x20: {  	v4 =	vld [tilespmem:$0x10040]  }
0x21: {  	v5 =	vld [tilespmem:$0x10050]  }
0x22: {  	s14 =	rddreg [dreg:$0x4];
	v6 =	vld [tilespmem:$0x10060]  }
0x23: {  	v7 =	vld [tilespmem:$0x10070];
	[tilespmem:s5], [sflag:$0x1] =	stream.linear.gather [hbm4b:s14+s5], $0x2000, $0x38  }
0x24: {  	s16 =	simm.s32 $0x2000;
	s15 =	rddreg [dreg:$0x5]  }
0x25: {  	[tilespmem:s16], [sflag:$0x2] =	stream.linear.gather [hbm4b:s15+s5], $0x2000, $0x38;
	[tilespmem:$0x10080] =	vst v63  }
0x26: {  	s18 =	simm.s32 $0x4000;
	s17 =	rddreg [dreg:$0x6]  }
0x27: {  	[tilespmem:s18], [sflag:$0x3] =	stream.linear.gather [hbm4b:s17+s5], $0x2000, $0x38;
	[tilespmem:$0x10080] =	vst v63  }
0x28: {  	s25 =	simm.s32 $0x6000;
	s24 =	rddreg [dreg:$0x7]  }
0x29: {  	[tilespmem:s25], [sflag:$0x4] =	stream.linear.gather [hbm4b:s24+s5], $0x2000, $0x38;
	[tilespmem:$0x10080] =	vst v63  }
0x2a: {  	s24 =	simm.s32 $0x0  }
.LBB2_2:
0x2b: {  	p0 =	seq.s32 s24, $0x0  }
0x2c: {  	s11 =	simm.s32 @!p0 $0xD  }
0x2d: {  	_ =	swait.ge @!p0 [sflag:s11], $0x2000  }
0x2e: {  	s25 =	sshll.u32 s24, $0xD;
	s6 =	rddreg [dreg:$0x8]  }
0x2f: {  	[sflag:s11] =	ssyncset.done @!p0 $0x0;
	s6 =	sadd.s32 s6, s25  }
0x30: {  	[sflag:s11] =	ssyncadd.s32 @!p0 $0xFFFFE000;
	s18 =	sadd.s32 s2, s6  }
0x31: {  	[tilespmem:s26], [sflag:$0x5] =	stream.linear.gather [hbm4b:s18+s5], $0x2000, $0x38;
	[tilespmem:$0x10080] =	vst v63  }
0x32: {  	_ =	swait.ge [sflag:s28], $0x2000  }
0x33: {  	[sflag:s28] =	ssyncset.done $0x0  }
0x34: {  	s12 =	simm.s32 $0x100;
	[sflag:s28] =	ssyncadd.s32 $0xFFFFE000  }
0x35: {  	v8 =	vld [tilespmem:s12+$0x80]  }
0x36: {  	v9 =	vld [tilespmem:s12+$0x90]  }
0x37: {  	v10 =	vld [tilespmem:s12+$0xA0]  }
0x38: {  	v11 =	vld [tilespmem:s12+$0xB0]  }
0x39: {  	v13 =	vld [tilespmem:s12+$0xC0]  }
0x3a: {  	v16 =	vld [tilespmem:s12+$0xD0]  }
0x3b: {  	v17 =	vld [tilespmem:s12+$0xE0]  }
0x3c: {  	v21 =	vld [tilespmem:s12+$0xF0]  }
0x3d: {  	v23 =	vld [tilespmem:s12+$0xFFFFFF10]  }
0x3e: {  	v18 =	vld [tilespmem:s12+$0xFFFFFF80]  }
0x3f: {  	v12 =	vld [tilespmem:s12+$0xFFFFFF90]  }
0x40: {  	v15 =	vld [tilespmem:s12+$0x0]  }
0x41: {  	v14 =	vld [tilespmem:s12+$0x10]  }
0x42: {  	v25 =	vld [tilespmem:s12+$0xFFFFFF00]  }
0x43: {  	v26 =	vld [tilespmem:s12+$0xFFFFFF20]  }
0x44: {  	v22 =	vld [tilespmem:s12+$0xFFFFFFA0]  }
0x45: {  	v19 =	vld [tilespmem:s12+$0x20]  }
0x46: {  	v28 =	vld [tilespmem:s12+$0xFFFFFF30]  }
0x47: {  	v27 =	vld [tilespmem:s12+$0xFFFFFFB0];
	v20 =	vmax.f32 v8, v9  }
0x48: {  	v41 =	vld [tilespmem:s12+$0xFFFFFF40];
	v20 =	vmax.f32 v20, v10  }
0x49: {  	v29 =	vld [tilespmem:s12+$0xFFFFFFC0];
	v20 =	vmax.f32 v20, v11  }
0x4a: {  	v42 =	vld [tilespmem:s12+$0xFFFFFF50];
	v24 =	vmax.f32 v20, v13  }
0x4b: {  	v31 =	vld [tilespmem:s12+$0xFFFFFFD0];
	v24 =	vmax.f32 v24, v16  }
0x4c: {  	v43 =	vld [tilespmem:s12+$0xFFFFFF60];
	v24 =	vmax.f32 v24, v17  }
0x4d: {  	v34 =	vmax.f32 v15, v14;
	v35 =	vmax.f32 v25, v23;
	v20 =	vld [tilespmem:s12+$0x30];
	v30 =	vmax.f32 v24, v21  }
0x4e: {  	v35 =	vmax.f32 v35, v26;
	v24 =	vld [tilespmem:s12+$0x40];
	vm0 =	vle.f32 v30, $1.000000000e+00;
	vm1 =	veq.f32 v30, $1.000000000e+00  }
0x4f: {  	v38 =	vld [tilespmem:s12+$0xFFFFFFE0];
	v35 =	vmax.f32 v35, v28;
	v32 =	vmpcnt.ones.xlane vm0;
	v33 =	vmpcnt.ones.xlane vm1  }
0x50: {  	v44 =	vld [tilespmem:s12+$0xFFFFFF70];
	v53 =	vmax.f32 v18, v12;
	v34 =	vmax.f32 v34, v19;
	v35 =	vmax.f32 v35, v41  }
0x51: {  	v39 =	vmax.f32 v35, v42;
	v30 =	vld [tilespmem:s12+$0x50];
	vm0 =	veq.s32 v32, $0x10;
	vm1 =	vgt.s32 v33, $0x0  }
0x52: {  	s11 =	simm.s32 $0x300;
	v45 =	vld [tilespmem:s12+$0xFFFFFFF0];
	v34 =	vmax.f32 v34, v20;
	v33 =	vmax.f32 v53, v22;
	vm0 =	vmand vm0, vm1  }
0x53: {  	v35 =	vld [tilespmem:s11+$0x80];
	v33 =	vmax.f32 v33, v27;
	v37 =	vmax.f32 v34, v24;
	v21 =	vsel vm0, v21, v7  }
0x54: {  	v32 =	vld [tilespmem:s12+$0x60];
	v36 =	vmax.f32 v33, v29;
	v8 =	vsel vm0, v8, v0;
	v9 =	vsel vm0, v9, v1  }
0x55: {  	v34 =	vld [tilespmem:s11+$0x90];
	v10 =	vsel vm0, v10, v2;
	v11 =	vsel vm0, v11, v3;
	v13 =	vsel vm0, v13, v4  }
0x56: {  	v33 =	vld [tilespmem:s12+$0x70];
	v46 =	vmax.f32 v37, v30;
	v47 =	vsel vm0, v16, v5;
	v16 =	vmax.f32 v39, v43  }
0x57: {  	v48 =	vsel vm0, v17, v6;
	v40 =	vmax.f32 v36, v31;
	v36 =	vld [tilespmem:s11+$0xA0];
	v16 =	vmax.f32 v16, v44  }
0x58: {  	v37 =	vld [tilespmem:s11+$0xB0];
	v17 =	vmax.f32 v40, v38;
	vm12 =	vle.f32 v16, $1.000000000e+00;
	vm13 =	veq.f32 v16, $1.000000000e+00  }
0x59: {  	v59 =	vld [tilespmem:s11+$0xE0];
	[tilespmem:s12+$0xF0] =	vst v21;
	v46 =	vmax.f32 v46, v32;
	v17 =	vmax.f32 v17, v45;
	v21 =	vmpcnt.ones.xlane vm12  }
0x5a: {  	v40 =	vld [tilespmem:s11+$0xC0];
	vm2 =	vle.f32 v17, $1.000000000e+00;
	vm3 =	veq.f32 v17, $1.000000000e+00;
	v17 =	vmax.f32 v35, v34  }
0x5b: {  	v39 =	vld [tilespmem:s11+$0xD0];
	v16 =	vmax.f32 v46, v33;
	v49 =	vmpcnt.ones.xlane vm2;
	v50 =	vmpcnt.ones.xlane vm3  }
0x5c: {  	v54 =	vld [tilespmem:s11+$0xF0];
	[tilespmem:s12+$0x80] =	vst v8;
	vm15 =	veq.s32 v21, $0x10;
	vm14 =	vle.f32 v16, $1.000000000e+00;
	v17 =	vmax.f32 v17, v36  }
0x5d: {  	v8 =	vld [tilespmem:s11+$0xFFFFFF10];
	[tilespmem:s12+$0x90] =	vst v9;
	vm4 =	veq.f32 v16, $1.000000000e+00;
	v16 =	vmpcnt.ones.xlane vm13;
	v17 =	vmax.f32 v17, v37  }
0x5e: {  	[tilespmem:s12+$0xA0] =	vst v10;
	v10 =	vld [tilespmem:s11+$0x0];
	v51 =	vmpcnt.ones.xlane vm14;
	v21 =	vmpcnt.ones.xlane vm4;
	vm2 =	veq.s32 v49, $0x10  }
0x5f: {  	[tilespmem:s12+$0xB0] =	vst v11;
	v11 =	vld [tilespmem:s11+$0xFFFFFF00];
	vm8 =	vgt.s32 v50, $0x0;
	v9 =	vmax.f32 v17, v40;
	vm1 =	vgt.s32 v16, $0x0  }
0x60: {  	[tilespmem:s12+$0xC0] =	vst v13;
	v17 =	vld [tilespmem:s11+$0xFFFFFF80];
	vm2 =	vmand vm2, vm8;
	v9 =	vmax.f32 v9, v39;
	vm5 =	veq.s32 v51, $0x10  }
0x61: {  	[tilespmem:s12+$0xD0] =	vst v47;
	v16 =	vld [tilespmem:s11+$0xFFFFFF90];
	vm9 =	vmand vm15, vm1;
	vm12 =	vgt.s32 v21, $0x0;
	v63 =	vsel vm2, v18, v0  }
0x62: {  	[tilespmem:s12+$0xE0] =	vst v48;
	v21 =	vld [tilespmem:s11+$0x20];
	v52 =	vsel vm2, v12, v1;
	v53 =	vsel vm2, v22, v2;
	v50 =	vsel vm2, v29, v4  }
0x63: {  	v18 =	vld [tilespmem:s11+$0xFFFFFF40];
	v38 =	vsel vm2, v38, v6;
	v45 =	vsel vm2, v45, v7;
	v9 =	vmax.f32 v9, v59;
	[tilespmem:s12+$0xFFFFFF80] =	vst v63  }
0x64: {  	v12 =	vld [tilespmem:s11+$0xFFFFFFC0];
	vm13 =	vmand vm5, vm12;
	v41 =	vsel vm9, v41, v4;
	v60 =	vsel vm9, v42, v5;
	[tilespmem:s12+$0xFFFFFF90] =	vst v52  }
0x65: {  	v29 =	vld [tilespmem:s11+$0x40];
	v61 =	vsel vm9, v43, v6;
	v44 =	vsel vm9, v44, v7;
	[tilespmem:s12+$0xFFFFFFA0] =	vst v53;
	v13 =	vmax.f32 v9, v54  }
0x66: {  	v22 =	vld [tilespmem:s11+$0xFFFFFF50];
	[tilespmem:s12+$0xFFFFFF50] =	vst v60;
	vm10 =	vle.f32 v13, $1.000000000e+00;
	vm11 =	veq.f32 v13, $1.000000000e+00;
	v13 =	vsel vm9, v25, v0  }
0x67: {  	v42 =	vsel vm2, v27, v3;
	v43 =	vsel vm2, v31, v5;
	v9 =	vld [tilespmem:s11+$0x10];
	[tilespmem:s12+$0xFFFFFF00] =	vst v13;
	v13 =	vsel vm9, v23, v1  }
0x68: {  	v60 =	vsel vm13, v15, v0;
	v25 =	vld [tilespmem:s11+$0xFFFFFF20];
	v55 =	vmpcnt.ones.xlane vm10;
	[tilespmem:s12+$0xFFFFFF10] =	vst v13;
	v13 =	vsel vm9, v26, v2  }
0x69: {  	v53 =	vsel vm13, v24, v4;
	v52 =	vsel vm13, v32, v6;
	v56 =	vmpcnt.ones.xlane vm11;
	[tilespmem:s12+$0xFFFFFF20] =	vst v13;
	v13 =	vld [tilespmem:s11+$0xFFFFFF30]  }
0x6a: {  	v31 =	vld [tilespmem:s11+$0x50];
	[tilespmem:s12+$0xFFFFFFC0] =	vst v50;
	v57 =	vmax.f32 v17, v16;
	v26 =	vsel vm9, v28, v3;
	vm14 =	veq.s32 v55, $0x10  }
0x6b: {  	v23 =	vld [tilespmem:s11+$0xFFFFFFA0];
	vm15 =	vgt.s32 v56, $0x0;
	[tilespmem:s12+$0xFFFFFF30] =	vst v26;
	v26 =	vmax.f32 v11, v8;
	v56 =	vsel vm13, v19, v2  }
0x6c: {  	[tilespmem:s12+$0xFFFFFFE0] =	vst v38;
	v28 =	vld [tilespmem:s11+$0xFFFFFFB0];
	v55 =	vsel vm13, v30, v5;
	vm0 =	vmand vm14, vm15;
	v58 =	vmax.f32 v10, v9  }
0x6d: {  	[tilespmem:s12+$0xFFFFFFF0] =	vst v45;
	v46 =	vsel vm0, v54, v7;
	v62 =	vmax.f32 v26, v25;
	v26 =	vld [tilespmem:s11+$0x30];
	v48 =	vmax.f32 v58, v21  }
0x6e: {  	[tilespmem:s12+$0xFFFFFF40] =	vst v41;
	v15 =	vld [tilespmem:s11+$0xFFFFFFD0];
	v58 =	vsel vm13, v14, v1;
	v50 =	vsel vm0, v35, v0;
	v27 =	vmax.f32 v62, v13  }
0x6f: {  	[tilespmem:s12+$0xFFFFFF60] =	vst v61;
	v54 =	vsel vm13, v33, v7;
	v51 =	vsel vm0, v34, v1;
	v14 =	vmax.f32 v27, v18;
	v27 =	vld [tilespmem:s11+$0xFFFFFF60]  }
0x70: {  	[tilespmem:s12+$0xFFFFFF70] =	vst v44;
	v49 =	vsel vm0, v37, v3;
	v47 =	vmax.f32 v57, v23;
	v57 =	vsel vm13, v20, v3;
	v20 =	vld [tilespmem:s11+$0xFFFFFFE0]  }
0x71: {  	[tilespmem:s12+$0xFFFFFFB0] =	vst v42;
	v45 =	vsel vm0, v59, v6;
	v44 =	vmax.f32 v47, v28;
	v63 =	vmax.f32 v14, v22;
	v14 =	vld [tilespmem:s11+$0x60]  }
0x72: {  	v30 =	vld [tilespmem:s11+$0xFFFFFF70];
	[tilespmem:s11+$0xF0] =	vst v46;
	v46 =	vsel vm0, v40, v4;
	v19 =	vmax.f32 v44, v12;
	v61 =	vmax.f32 v48, v26  }
0x73: {  	[tilespmem:s12+$0xFFFFFFD0] =	vst v43;
	v24 =	vld [tilespmem:s11+$0xFFFFFFF0];
	v47 =	vsel vm0, v39, v5;
	v33 =	vmax.f32 v19, v15;
	v62 =	vmax.f32 v61, v29  }
0x74: {  	s13 =	simm.s32 $0x4;
	s14 =	simm.s32 $0x500;
	[tilespmem:s12+$0x0] =	vst v60;
	v19 =	vld [tilespmem:s11+$0x70];
	v48 =	vsel vm0, v36, v2;
	v34 =	vmax.f32 v62, v31;
	v35 =	vmax.f32 v63, v27  }
.LBB2_3:
0x75: {  	v32 =	vld [tilespmem:s14+$0x80];
	v36 =	vmax.f32 v33, v20;
	[tilespmem:s12+$0x10] =	vst v58;
	v58 =	vmovc v25;
	v59 =	vmovc v23;
	v40 =	vmov v21;
	v60 =	vmov v28  }
0x76: {  	s13 =	sadd.s32 $0x4, s13;
	v41 =	vmovc v26;
	v42 =	vmov v29;
	v38 =	vmov v31;
	v33 =	vld [tilespmem:s14+$0x90];
	v21 =	vmax.f32 v34, v14;
	[tilespmem:s12+$0x20] =	vst v56  }
0x77: {  	p1 =	slt.u32 s13, $0x3C;
	v34 =	vld [tilespmem:s14+$0xA0];
	v23 =	vmax.f32 v35, v30;
	[tilespmem:s12+$0x30] =	vst v57  }
0x78: {  	v35 =	vld [tilespmem:s14+$0xB0];
	vm0 =	vle.f32 v23, $1.000000000e+00;
	vm1 =	veq.f32 v23, $1.000000000e+00;
	v23 =	vmax.f32 v36, v24;
	[tilespmem:s12+$0x40] =	vst v53  }
0x79: {  	v36 =	vld [tilespmem:s14+$0xC0];
	vm2 =	vle.f32 v23, $1.000000000e+00;
	vm3 =	veq.f32 v23, $1.000000000e+00;
	v21 =	vmax.f32 v21, v19;
	[tilespmem:s12+$0x50] =	vst v55  }
0x7a: {  	v23 =	vmpcnt.ones.xlane vm0;
	v37 =	vld [tilespmem:s14+$0xD0];
	vm0 =	vle.f32 v21, $1.000000000e+00;
	vm4 =	veq.f32 v21, $1.000000000e+00;
	[tilespmem:s12+$0x60] =	vst v52  }
0x7b: {  	v25 =	vmpcnt.ones.xlane vm1;
	v26 =	vmpcnt.ones.xlane vm2;
	v39 =	vld [tilespmem:s14+$0xE0];
	v21 =	vmax.f32 v32, v33;
	[tilespmem:s12+$0x70] =	vst v54;
	s12 =	smov.u32 s11;
	s11 =	smov.u32 s14  }
0x7c: {  	v28 =	vmpcnt.ones.xlane vm3;
	v31 =	vmpcnt.ones.xlane vm0;
	v29 =	vld [tilespmem:s14+$0xF0];
	v21 =	vmax.f32 v21, v34;
	[tilespmem:s12+$0x80] =	vst v50  }
0x7d: {  	vm0 =	veq.s32 v23, $0x10;
	v23 =	vmpcnt.ones.xlane vm4;
	v50 =	vld [tilespmem:s14+$0xFFFFFF10];
	v21 =	vmax.f32 v21, v35;
	[tilespmem:s12+$0x90] =	vst v51  }
0x7e: {  	vm1 =	vgt.s32 v25, $0x0;
	vm2 =	veq.s32 v26, $0x10;
	v43 =	vld [tilespmem:s14+$0xFFFFFF80];
	v21 =	vmax.f32 v21, v36;
	[tilespmem:s12+$0xA0] =	vst v48  }
0x7f: {  	vm4 =	vgt.s32 v28, $0x0;
	vm5 =	veq.s32 v31, $0x10;
	v44 =	vld [tilespmem:s14+$0xFFFFFF90];
	v21 =	vmax.f32 v21, v37;
	[tilespmem:s12+$0xB0] =	vst v49  }
0x80: {  	vm3 =	vmand vm0, vm1;
	vm0 =	vgt.s32 v23, $0x0;
	v61 =	vld [tilespmem:s14+$0x0];
	v21 =	vmax.f32 v21, v39;
	[tilespmem:s12+$0xC0] =	vst v46  }
0x81: {  	vm2 =	vmand vm2, vm4;
	vm0 =	vmand vm5, vm0;
	v62 =	vld [tilespmem:s14+$0x10];
	v21 =	vmax.f32 v21, v29;
	[tilespmem:s12+$0xD0] =	vst v47  }
0x82: {  	vm1 =	vle.f32 v21, $1.000000000e+00;
	vm4 =	veq.f32 v21, $1.000000000e+00;
	v21 =	vsel vm3, v11, v0;
	v11 =	vld [tilespmem:s14+$0xFFFFFF00];
	[tilespmem:s12+$0xE0] =	vst v45  }
0x83: {  	v25 =	vld [tilespmem:s14+$0xFFFFFF20];
	v26 =	vmpcnt.ones.xlane vm1;
	v28 =	vmpcnt.ones.xlane vm4;
	[tilespmem:s12+$0xFFFFFF00] =	vst v21;
	v21 =	vsel vm3, v8, v1;
	v8 =	vmovc v50  }
0x84: {  	v46 =	vsel vm3, v13, v3;
	v45 =	vsel vm3, v58, v2;
	v23 =	vld [tilespmem:s14+$0xFFFFFFA0];
	v31 =	vmax.f32 v43, v44;
	[tilespmem:s12+$0xFFFFFF10] =	vst v21  }
0x85: {  	v18 =	vsel vm3, v18, v4;
	v21 =	vld [tilespmem:s14+$0x20];
	vm1 =	veq.s32 v26, $0x10;
	vm4 =	vgt.s32 v28, $0x0;
	[tilespmem:s12+$0xFFFFFF20] =	vst v45  }
0x86: {  	v22 =	vsel vm3, v22, v5;
	v13 =	vld [tilespmem:s14+$0xFFFFFF30];
	v45 =	vmax.f32 v61, v62;
	vm1 =	vmand vm1, vm4;
	[tilespmem:s12+$0xFFFFFF30] =	vst v46  }
0x87: {  	v27 =	vsel vm3, v27, v6;
	v26 =	vmax.f32 v11, v8;
	v28 =	vld [tilespmem:s14+$0xFFFFFFB0];
	v29 =	vsel vm1, v29, v7;
	[tilespmem:s12+$0xFFFFFF40] =	vst v18  }
0x88: {  	v30 =	vsel vm3, v30, v7;
	v17 =	vsel vm2, v17, v0;
	v46 =	vmax.f32 v26, v25;
	v26 =	vld [tilespmem:s14+$0x30];
	[tilespmem:s14+$0xF0] =	vst v29  }
0x89: {  	v16 =	vsel vm2, v16, v1;
	v47 =	vsel vm2, v59, v2;
	v18 =	vld [tilespmem:s14+$0xFFFFFF40];
	v31 =	vmax.f32 v31, v23;
	[tilespmem:s12+$0xFFFFFF50] =	vst v22  }
0x8a: {  	v48 =	vsel vm2, v60, v3;
	v49 =	vsel vm2, v12, v4;
	v45 =	vmax.f32 v45, v21;
	[tilespmem:s12+$0xFFFFFF60] =	vst v27;
	v12 =	vld [tilespmem:s14+$0xFFFFFFC0]  }
0x8b: {  	v59 =	vsel vm2, v20, v6;
	v27 =	vmax.f32 v46, v13;
	v29 =	vld [tilespmem:s14+$0x40];
	[tilespmem:s12+$0xFFFFFF70] =	vst v30;
	v30 =	vsel vm2, v15, v5  }
0x8c: {  	v10 =	vsel vm0, v10, v0;
	v22 =	vld [tilespmem:s14+$0xFFFFFF50];
	v20 =	vmax.f32 v31, v28;
	[tilespmem:s12+$0xFFFFFF80] =	vst v17;
	v17 =	vsel vm2, v24, v7  }
0x8d: {  	v56 =	vsel vm0, v40, v2;
	v58 =	vsel vm0, v9, v1;
	v15 =	vld [tilespmem:s14+$0xFFFFFFD0];
	v24 =	vmax.f32 v45, v26;
	[tilespmem:s12+$0xFFFFFF90] =	vst v16  }
0x8e: {  	v57 =	vsel vm0, v41, v3;
	v53 =	vsel vm0, v42, v4;
	v9 =	vmax.f32 v27, v18;
	v31 =	vld [tilespmem:s14+$0x50];
	[tilespmem:s12+$0xFFFFFFA0] =	vst v47  }
0x8f: {  	v55 =	vsel vm0, v38, v5;
	v52 =	vsel vm0, v14, v6;
	v27 =	vld [tilespmem:s14+$0xFFFFFF60];
	v16 =	vmax.f32 v20, v12;
	[tilespmem:s12+$0xFFFFFFB0] =	vst v48  }
.Ltmp0:
0x90: {  	v54 =	vsel vm0, v19, v7;
	v50 =	vsel vm1, v32, v0;
	v20 =	vld [tilespmem:s14+$0xFFFFFFE0];
	v38 =	vmax.f32 v24, v29;
	[tilespmem:s12+$0xFFFFFFC0] =	vst v49;
	(pc) =	sbr.rel @p1 .LBB2_3-.Ltmp0, $4  }
0x91: {  	v51 =	vsel vm1, v33, v1;
	v48 =	vsel vm1, v34, v2;
	v9 =	vmax.f32 v9, v22;
	v14 =	vld [tilespmem:s14+$0x60];
	[tilespmem:s12+$0xFFFFFFD0] =	vst v30  }
0x92: {  	v46 =	vsel vm1, v36, v4;
	v49 =	vsel vm1, v35, v3;
	v30 =	vld [tilespmem:s14+$0xFFFFFF70];
	v33 =	vmax.f32 v16, v15;
	[tilespmem:s12+$0xFFFFFFE0] =	vst v59  }
0x93: {  	v45 =	vsel vm1, v39, v6;
	v47 =	vsel vm1, v37, v5;
	v24 =	vld [tilespmem:s14+$0xFFFFFFF0];
	v34 =	vmax.f32 v38, v31;
	[tilespmem:s12+$0xFFFFFFF0] =	vst v17  }
0x94: {  	v16 =	vmovc v44;
	s14 =	sadd.s32 $0x200, s14;
	v17 =	vmovc v43;
	v35 =	vmax.f32 v9, v27;
	v19 =	vld [tilespmem:s11+$0x70];
	[tilespmem:s12+$0x0] =	vst v10;
	v10 =	vmov v61;
	v9 =	vmov v62  }
0x95: {  	[tilespmem:s12+$0x10] =	vst v58  }
0x96: {  	[tilespmem:s12+$0x20] =	vst v56  }
0x97: {  	[tilespmem:s12+$0x30] =	vst v57  }
0x98: {  	[tilespmem:s12+$0x40] =	vst v53  }
0x99: {  	[tilespmem:s12+$0x50] =	vst v55  }
0x9a: {  	[tilespmem:s12+$0x60] =	vst v52  }
0x9b: {  	[tilespmem:s12+$0x70] =	vst v54  }
0x9c: {  	[tilespmem:s11+$0x80] =	vst v50;
	v32 =	vmax.f32 v35, v30  }
0x9d: {  	[tilespmem:s11+$0x90] =	vst v51;
	vm0 =	vle.f32 v32, $1.000000000e+00;
	vm1 =	veq.f32 v32, $1.000000000e+00  }
0x9e: {  	[tilespmem:s11+$0xA0] =	vst v48;
	v43 =	vmpcnt.ones.xlane vm0;
	v44 =	vmpcnt.ones.xlane vm1  }
0x9f: {  	[tilespmem:s11+$0xB0] =	vst v49  }
0xa0: {  	[tilespmem:s11+$0xC0] =	vst v46;
	vm0 =	veq.s32 v43, $0x10;
	vm1 =	vgt.s32 v44, $0x0  }
0xa1: {  	[tilespmem:s11+$0xD0] =	vst v47;
	vm0 =	vmand vm0, vm1  }
0xa2: {  	[tilespmem:s11+$0xE0] =	vst v45;
	v11 =	vsel vm0, v11, v0  }
0xa3: {  	v48 =	vmax.f32 v33, v20;
	v8 =	vsel vm0, v8, v1;
	[tilespmem:s11+$0xFFFFFF00] =	vst v11  }
0xa4: {  	v18 =	vsel vm0, v18, v4;
	v11 =	vmax.f32 v48, v24;
	[tilespmem:s11+$0xFFFFFF10] =	vst v8  }
0xa5: {  	v8 =	vsel vm0, v25, v2;
	[tilespmem:s11+$0xFFFFFF40] =	vst v18;
	vm6 =	vle.f32 v11, $1.000000000e+00;
	vm2 =	veq.f32 v11, $1.000000000e+00  }
0xa6: {  	v11 =	vsel vm0, v13, v3;
	[tilespmem:s11+$0xFFFFFF20] =	vst v8;
	v8 =	vmpcnt.ones.xlane vm6;
	v13 =	vmpcnt.ones.xlane vm2  }
0xa7: {  	[tilespmem:s11+$0xFFFFFF30] =	vst v11;
	v11 =	vsel vm0, v22, v5  }
0xa8: {  	[tilespmem:s11+$0xFFFFFF50] =	vst v11;
	v11 =	vsel vm0, v30, v7;
	vm1 =	veq.s32 v8, $0x10;
	vm2 =	vgt.s32 v13, $0x0  }
0xa9: {  	v8 =	vsel vm0, v27, v6;
	[tilespmem:s11+$0xFFFFFF70] =	vst v11;
	vm1 =	vmand vm1, vm2  }
0xaa: {  	[tilespmem:s11+$0xFFFFFF60] =	vst v8;
	v8 =	vsel vm1, v17, v0  }
0xab: {  	v11 =	vmax.f32 v34, v14;
	v13 =	vsel vm1, v16, v1;
	[tilespmem:s11+$0xFFFFFF80] =	vst v8  }
0xac: {  	v12 =	vsel vm1, v12, v4;
	v8 =	vmax.f32 v11, v19;
	[tilespmem:s11+$0xFFFFFF90] =	vst v13  }
0xad: {  	v11 =	vsel vm1, v23, v2;
	[tilespmem:s11+$0xFFFFFFC0] =	vst v12;
	vm7 =	vle.f32 v8, $1.000000000e+00;
	vm8 =	veq.f32 v8, $1.000000000e+00  }
0xae: {  	v8 =	vsel vm1, v28, v3;
	[tilespmem:s11+$0xFFFFFFA0] =	vst v11;
	v11 =	vmpcnt.ones.xlane vm7;
	v13 =	vmpcnt.ones.xlane vm8  }
0xaf: {  	[tilespmem:s11+$0xFFFFFFB0] =	vst v8;
	v8 =	vsel vm1, v15, v5  }
0xb0: {  	[tilespmem:s11+$0xFFFFFFD0] =	vst v8;
	v8 =	vsel vm1, v24, v7;
	vm0 =	veq.s32 v11, $0x10;
	vm2 =	vgt.s32 v13, $0x0  }
0xb1: {  	v11 =	vsel vm1, v20, v6;
	[tilespmem:s11+$0xFFFFFFF0] =	vst v8;
	vm0 =	vmand vm0, vm2  }
0xb2: {  	[tilespmem:s11+$0xFFFFFFE0] =	vst v11;
	v10 =	vsel vm0, v10, v0  }
0xb3: {  	v8 =	vsel vm0, v9, v1;
	[tilespmem:s11+$0x0] =	vst v10  }
0xb4: {  	v9 =	vsel vm0, v21, v2;
	[tilespmem:s11+$0x10] =	vst v8  }
0xb5: {  	v8 =	vsel vm0, v26, v3;
	[tilespmem:s11+$0x20] =	vst v9  }
0xb6: {  	v9 =	vsel vm0, v29, v4;
	[tilespmem:s11+$0x30] =	vst v8  }
0xb7: {  	v8 =	vsel vm0, v31, v5;
	[tilespmem:s11+$0x40] =	vst v9  }
0xb8: {  	v9 =	vsel vm0, v14, v6;
	[tilespmem:s11+$0x50] =	vst v8  }
0xb9: {  	v8 =	vsel vm0, v19, v7;
	[tilespmem:s11+$0x60] =	vst v9  }
0xba: {  	[tilespmem:s11+$0x70] =	vst v8  }
0xbb: {  	s11 =	rddreg [dreg:$0xc]  }
0xbc: {  	s12 =	simm.s32 @!p0 $0xE;
	s11 =	sadd.s32 s25, s11  }
0xbd: {  	[hbm4b:s11+s5] =	stream.linear.scatter [tilespmem:s5], [sflag:$0x9], $0x2000, $0x38;
	[tilespmem:$0x10080] =	vst v63  }
0xbe: {  	_ =	swait.ge @!p0 [sflag:s12], $0x2000  }
0xbf: {  	s17 =	rddreg [dreg:$0x9]  }
0xc0: {  	[sflag:s12] =	ssyncset.done @!p0 $0x0;
	s11 =	sadd.s32 s17, s25  }
0xc1: {  	[sflag:s12] =	ssyncadd.s32 @!p0 $0xFFFFE000;
	s18 =	sadd.s32 s2, s11  }
0xc2: {  	[tilespmem:s29], [sflag:$0x6] =	stream.linear.gather [hbm4b:s18+s5], $0x2000, $0x38;
	[tilespmem:$0x10080] =	vst v63  }
0xc3: {  	_ =	swait.ge [sflag:s30], $0x2000  }
0xc4: {  	[sflag:s30] =	ssyncset.done $0x0  }
0xc5: {  	s13 =	simm.s32 $0x2100;
	[sflag:s30] =	ssyncadd.s32 $0xFFFFE000  }
0xc6: {  	v8 =	vld [tilespmem:s13+$0x80]  }
0xc7: {  	v9 =	vld [tilespmem:s13+$0x90]  }
0xc8: {  	v10 =	vld [tilespmem:s13+$0xA0]  }
0xc9: {  	v11 =	vld [tilespmem:s13+$0xB0]  }
0xca: {  	v13 =	vld [tilespmem:s13+$0xC0]  }
0xcb: {  	v16 =	vld [tilespmem:s13+$0xD0]  }
0xcc: {  	v17 =	vld [tilespmem:s13+$0xE0]  }
0xcd: {  	v21 =	vld [tilespmem:s13+$0xF0]  }
0xce: {  	v23 =	vld [tilespmem:s13+$0xFFFFFF10]  }
0xcf: {  	v18 =	vld [tilespmem:s13+$0xFFFFFF80]  }
0xd0: {  	v12 =	vld [tilespmem:s13+$0xFFFFFF90]  }
0xd1: {  	v15 =	vld [tilespmem:s13+$0x0]  }
0xd2: {  	v14 =	vld [tilespmem:s13+$0x10]  }
0xd3: {  	v25 =	vld [tilespmem:s13+$0xFFFFFF00]  }
0xd4: {  	v26 =	vld [tilespmem:s13+$0xFFFFFF20]  }
0xd5: {  	v22 =	vld [tilespmem:s13+$0xFFFFFFA0]  }
0xd6: {  	v19 =	vld [tilespmem:s13+$0x20]  }
0xd7: {  	v28 =	vld [tilespmem:s13+$0xFFFFFF30]  }
0xd8: {  	v27 =	vld [tilespmem:s13+$0xFFFFFFB0]  }
0xd9: {  	v41 =	vld [tilespmem:s13+$0xFFFFFF40];
	v20 =	vmax.f32 v8, v9  }
0xda: {  	v29 =	vld [tilespmem:s13+$0xFFFFFFC0];
	v20 =	vmax.f32 v20, v10  }
0xdb: {  	v42 =	vld [tilespmem:s13+$0xFFFFFF50];
	v20 =	vmax.f32 v20, v11  }
0xdc: {  	v31 =	vld [tilespmem:s13+$0xFFFFFFD0];
	v24 =	vmax.f32 v20, v13  }
0xdd: {  	v43 =	vld [tilespmem:s13+$0xFFFFFF60];
	v51 =	vmax.f32 v18, v12;
	v24 =	vmax.f32 v24, v16  }
0xde: {  	v38 =	vld [tilespmem:s13+$0xFFFFFFE0];
	v52 =	vmax.f32 v15, v14;
	v53 =	vmax.f32 v25, v23;
	v24 =	vmax.f32 v24, v17  }
0xdf: {  	v35 =	vmax.f32 v53, v26;
	v33 =	vmax.f32 v51, v22;
	v20 =	vld [tilespmem:s13+$0x30];
	v30 =	vmax.f32 v24, v21  }
0xe0: {  	v35 =	vmax.f32 v35, v28;
	v24 =	vld [tilespmem:s13+$0x40];
	vm9 =	vle.f32 v30, $1.000000000e+00;
	vm10 =	veq.f32 v30, $1.000000000e+00  }
0xe1: {  	v32 =	vld [tilespmem:s13+$0x60];
	v33 =	vmax.f32 v33, v27;
	v49 =	vmpcnt.ones.xlane vm9;
	v50 =	vmpcnt.ones.xlane vm10  }
0xe2: {  	v34 =	vmax.f32 v52, v19;
	v35 =	vmax.f32 v35, v41;
	v36 =	vmax.f32 v33, v29;
	v30 =	vld [tilespmem:s13+$0x50]  }
0xe3: {  	v44 =	vld [tilespmem:s13+$0xFFFFFF70];
	v39 =	vmax.f32 v35, v42;
	vm0 =	veq.s32 v49, $0x10;
	vm1 =	vgt.s32 v50, $0x0  }
0xe4: {  	s12 =	simm.s32 $0x2300;
	v45 =	vld [tilespmem:s13+$0xFFFFFFF0];
	v40 =	vmax.f32 v36, v31;
	v34 =	vmax.f32 v34, v20;
	vm0 =	vmand vm0, vm1  }
0xe5: {  	v59 =	vld [tilespmem:s12+$0xE0];
	v37 =	vmax.f32 v34, v24;
	v21 =	vsel vm0, v21, v7;
	v8 =	vsel vm0, v8, v0  }
0xe6: {  	v33 =	vld [tilespmem:s13+$0x70];
	v9 =	vsel vm0, v9, v1;
	v10 =	vsel vm0, v10, v2;
	v11 =	vsel vm0, v11, v3  }
0xe7: {  	v35 =	vld [tilespmem:s12+$0x80];
	v13 =	vsel vm0, v13, v4;
	v54 =	vmax.f32 v37, v30;
	v55 =	vsel vm0, v16, v5  }
0xe8: {  	v34 =	vld [tilespmem:s12+$0x90];
	v60 =	vsel vm0, v17, v6;
	v16 =	vmax.f32 v39, v43;
	v17 =	vmax.f32 v40, v38  }
0xe9: {  	v36 =	vld [tilespmem:s12+$0xA0];
	v46 =	vmax.f32 v54, v32;
	v16 =	vmax.f32 v16, v44;
	v17 =	vmax.f32 v17, v45  }
0xea: {  	v61 =	vld [tilespmem:s12+$0xF0];
	vm11 =	vle.f32 v16, $1.000000000e+00;
	vm12 =	veq.f32 v16, $1.000000000e+00;
	vm13 =	vle.f32 v17, $1.000000000e+00  }
0xeb: {  	v37 =	vld [tilespmem:s12+$0xB0];
	[tilespmem:s13+$0xF0] =	vst v21;
	vm3 =	veq.f32 v17, $1.000000000e+00;
	v16 =	vmax.f32 v46, v33;
	v21 =	vmpcnt.ones.xlane vm11  }
0xec: {  	v40 =	vld [tilespmem:s12+$0xC0];
	vm14 =	vle.f32 v16, $1.000000000e+00;
	vm4 =	veq.f32 v16, $1.000000000e+00;
	v16 =	vmpcnt.ones.xlane vm12  }
0xed: {  	v39 =	vld [tilespmem:s12+$0xD0];
	[tilespmem:s13+$0x80] =	vst v8;
	v62 =	vmpcnt.ones.xlane vm13;
	v63 =	vmpcnt.ones.xlane vm3;
	v17 =	vmax.f32 v35, v34  }
0xee: {  	v8 =	vld [tilespmem:s12+$0xFFFFFF10];
	[tilespmem:s13+$0x90] =	vst v9;
	v54 =	vmpcnt.ones.xlane vm14;
	v17 =	vmax.f32 v17, v36;
	vm15 =	veq.s32 v21, $0x10  }
0xef: {  	[tilespmem:s13+$0xA0] =	vst v10;
	v10 =	vld [tilespmem:s12+$0x0];
	v21 =	vmpcnt.ones.xlane vm4;
	vm1 =	vgt.s32 v16, $0x0;
	vm2 =	veq.s32 v62, $0x10  }
0xf0: {  	[tilespmem:s13+$0xB0] =	vst v11;
	v11 =	vld [tilespmem:s12+$0xFFFFFF00];
	vm8 =	vgt.s32 v63, $0x0;
	v17 =	vmax.f32 v17, v37;
	vm5 =	veq.s32 v54, $0x10  }
0xf1: {  	[tilespmem:s13+$0xC0] =	vst v13;
	v16 =	vld [tilespmem:s12+$0xFFFFFF90];
	vm9 =	vmand vm15, vm1;
	vm2 =	vmand vm2, vm8;
	v9 =	vmax.f32 v17, v40  }
0xf2: {  	[tilespmem:s13+$0xE0] =	vst v60;
	v17 =	vld [tilespmem:s12+$0xFFFFFF80];
	vm12 =	vgt.s32 v21, $0x0;
	v41 =	vsel vm9, v41, v4;
	v60 =	vsel vm9, v42, v5  }
0xf3: {  	[tilespmem:s13+$0xD0] =	vst v55;
	v21 =	vld [tilespmem:s12+$0x20];
	v44 =	vsel vm9, v44, v7;
	v63 =	vsel vm2, v18, v0;
	v52 =	vsel vm2, v12, v1  }
0xf4: {  	v18 =	vld [tilespmem:s12+$0xFFFFFF40];
	v53 =	vsel vm2, v22, v2;
	v42 =	vsel vm2, v27, v3;
	v9 =	vmax.f32 v9, v39;
	[tilespmem:s13+$0xFFFFFF40] =	vst v41  }
0xf5: {  	v12 =	vld [tilespmem:s12+$0xFFFFFFC0];
	v50 =	vsel vm2, v29, v4;
	v38 =	vsel vm2, v38, v6;
	[tilespmem:s13+$0xFFFFFF50] =	vst v60;
	v9 =	vmax.f32 v9, v59  }
0xf6: {  	v29 =	vld [tilespmem:s12+$0x40];
	v45 =	vsel vm2, v45, v7;
	vm13 =	vmand vm5, vm12;
	[tilespmem:s13+$0xFFFFFF90] =	vst v52;
	v13 =	vmax.f32 v9, v61  }
0xf7: {  	v22 =	vld [tilespmem:s12+$0xFFFFFF50];
	[tilespmem:s13+$0xFFFFFFA0] =	vst v53;
	vm10 =	vle.f32 v13, $1.000000000e+00;
	vm11 =	veq.f32 v13, $1.000000000e+00;
	v13 =	vsel vm9, v25, v0  }
0xf8: {  	v60 =	vsel vm13, v15, v0;
	v53 =	vsel vm13, v24, v4;
	v9 =	vld [tilespmem:s12+$0x10];
	[tilespmem:s13+$0xFFFFFF00] =	vst v13;
	v13 =	vsel vm9, v23, v1  }
0xf9: {  	v25 =	vld [tilespmem:s12+$0xFFFFFF20];
	v55 =	vmpcnt.ones.xlane vm10;
	v56 =	vmpcnt.ones.xlane vm11;
	[tilespmem:s13+$0xFFFFFF10] =	vst v13;
	v13 =	vsel vm9, v26, v2  }
0xfa: {  	v52 =	vsel vm13, v32, v6;
	v54 =	vsel vm13, v33, v7;
	v57 =	vmax.f32 v17, v16;
	[tilespmem:s13+$0xFFFFFF20] =	vst v13;
	v13 =	vld [tilespmem:s12+$0xFFFFFF30]  }
0xfb: {  	[tilespmem:s13+$0xFFFFFF70] =	vst v44;
	v15 =	vld [tilespmem:s12+$0xFFFFFFD0];
	v26 =	vsel vm9, v28, v3;
	vm14 =	veq.s32 v55, $0x10;
	vm15 =	vgt.s32 v56, $0x0  }
0xfc: {  	v23 =	vld [tilespmem:s12+$0xFFFFFFA0];
	[tilespmem:s13+$0xFFFFFF30] =	vst v26;
	v26 =	vmax.f32 v11, v8;
	v56 =	vsel vm13, v19, v2;
	vm0 =	vmand vm14, vm15  }
0xfd: {  	[tilespmem:s13+$0xFFFFFF80] =	vst v63;
	v28 =	vld [tilespmem:s12+$0xFFFFFFB0];
	v55 =	vsel vm13, v30, v5;
	v58 =	vmax.f32 v10, v9;
	v46 =	vsel vm0, v61, v7  }
0xfe: {  	[tilespmem:s13+$0xFFFFFFB0] =	vst v42;
	v61 =	vsel vm9, v43, v6;
	v62 =	vmax.f32 v26, v25;
	v26 =	vld [tilespmem:s12+$0x30];
	v48 =	vmax.f32 v58, v21  }
0xff: {  	[tilespmem:s13+$0xFFFFFFC0] =	vst v50;
	v43 =	vsel vm2, v31, v5;
	v58 =	vsel vm13, v14, v1;
	v31 =	vld [tilespmem:s12+$0x50];
	v27 =	vmax.f32 v62, v13  }
0x100: {  	[tilespmem:s13+$0xFFFFFFE0] =	vst v38;
	v50 =	vsel vm0, v35, v0;
	v51 =	vsel vm0, v34, v1;
	v14 =	vmax.f32 v27, v18;
	v27 =	vld [tilespmem:s12+$0xFFFFFF60]  }
0x101: {  	[tilespmem:s13+$0xFFFFFFF0] =	vst v45;
	v49 =	vsel vm0, v37, v3;
	v47 =	vmax.f32 v57, v23;
	v57 =	vsel vm13, v20, v3;
	v20 =	vld [tilespmem:s12+$0xFFFFFFE0]  }
0x102: {  	v45 =	vsel vm0, v59, v6;
	[tilespmem:s12+$0xF0] =	vst v46;
	v44 =	vmax.f32 v47, v28;
	v63 =	vmax.f32 v14, v22;
	v14 =	vld [tilespmem:s12+$0x60]  }
0x103: {  	v30 =	vld [tilespmem:s12+$0xFFFFFF70];
	[tilespmem:s13+$0xFFFFFF60] =	vst v61;
	v46 =	vsel vm0, v40, v4;
	v19 =	vmax.f32 v44, v12;
	v61 =	vmax.f32 v48, v26  }
0x104: {  	v24 =	vld [tilespmem:s12+$0xFFFFFFF0];
	[tilespmem:s13+$0x0] =	vst v60;
	v47 =	vsel vm0, v39, v5;
	v33 =	vmax.f32 v19, v15;
	v62 =	vmax.f32 v61, v29  }
0x105: {  	s14 =	simm.s32 $0x4;
	s15 =	simm.s32 $0x2500;
	[tilespmem:s13+$0xFFFFFFD0] =	vst v43;
	v19 =	vld [tilespmem:s12+$0x70];
	v48 =	vsel vm0, v36, v2;
	v34 =	vmax.f32 v62, v31;
	v35 =	vmax.f32 v63, v27  }
.LBB2_5:
0x106: {  	v32 =	vld [tilespmem:s15+$0x80];
	v36 =	vmax.f32 v33, v20;
	[tilespmem:s13+$0x10] =	vst v58;
	v58 =	vmovc v25;
	v59 =	vmovc v23;
	v40 =	vmov v21;
	v60 =	vmov v28  }
0x107: {  	s14 =	sadd.s32 $0x4, s14;
	v41 =	vmovc v26;
	v42 =	vmov v29;
	v38 =	vmov v31;
	v33 =	vld [tilespmem:s15+$0x90];
	v21 =	vmax.f32 v34, v14;
	[tilespmem:s13+$0x20] =	vst v56  }
0x108: {  	p1 =	slt.u32 s14, $0x3C;
	v34 =	vld [tilespmem:s15+$0xA0];
	v23 =	vmax.f32 v35, v30;
	[tilespmem:s13+$0x30] =	vst v57  }
0x109: {  	v35 =	vld [tilespmem:s15+$0xB0];
	vm0 =	vle.f32 v23, $1.000000000e+00;
	vm1 =	veq.f32 v23, $1.000000000e+00;
	v23 =	vmax.f32 v36, v24;
	[tilespmem:s13+$0x40] =	vst v53  }
0x10a: {  	v36 =	vld [tilespmem:s15+$0xC0];
	vm2 =	vle.f32 v23, $1.000000000e+00;
	vm3 =	veq.f32 v23, $1.000000000e+00;
	v21 =	vmax.f32 v21, v19;
	[tilespmem:s13+$0x50] =	vst v55  }
0x10b: {  	v23 =	vmpcnt.ones.xlane vm0;
	v37 =	vld [tilespmem:s15+$0xD0];
	vm0 =	vle.f32 v21, $1.000000000e+00;
	vm4 =	veq.f32 v21, $1.000000000e+00;
	[tilespmem:s13+$0x60] =	vst v52  }
0x10c: {  	v25 =	vmpcnt.ones.xlane vm1;
	v26 =	vmpcnt.ones.xlane vm2;
	v39 =	vld [tilespmem:s15+$0xE0];
	v21 =	vmax.f32 v32, v33;
	[tilespmem:s13+$0x70] =	vst v54;
	s13 =	smov.u32 s12;
	s12 =	smov.u32 s15  }
0x10d: {  	v28 =	vmpcnt.ones.xlane vm3;
	v31 =	vmpcnt.ones.xlane vm0;
	v29 =	vld [tilespmem:s15+$0xF0];
	v21 =	vmax.f32 v21, v34;
	[tilespmem:s13+$0x80] =	vst v50  }
0x10e: {  	vm0 =	veq.s32 v23, $0x10;
	v23 =	vmpcnt.ones.xlane vm4;
	v50 =	vld [tilespmem:s15+$0xFFFFFF10];
	v21 =	vmax.f32 v21, v35;
	[tilespmem:s13+$0x90] =	vst v51  }
0x10f: {  	vm1 =	vgt.s32 v25, $0x0;
	vm2 =	veq.s32 v26, $0x10;
	v43 =	vld [tilespmem:s15+$0xFFFFFF80];
	v21 =	vmax.f32 v21, v36;
	[tilespmem:s13+$0xA0] =	vst v48  }
0x110: {  	vm4 =	vgt.s32 v28, $0x0;
	vm5 =	veq.s32 v31, $0x10;
	v44 =	vld [tilespmem:s15+$0xFFFFFF90];
	v21 =	vmax.f32 v21, v37;
	[tilespmem:s13+$0xB0] =	vst v49  }
0x111: {  	vm3 =	vmand vm0, vm1;
	vm0 =	vgt.s32 v23, $0x0;
	v61 =	vld [tilespmem:s15+$0x0];
	v21 =	vmax.f32 v21, v39;
	[tilespmem:s13+$0xC0] =	vst v46  }
0x112: {  	vm2 =	vmand vm2, vm4;
	vm0 =	vmand vm5, vm0;
	v62 =	vld [tilespmem:s15+$0x10];
	v21 =	vmax.f32 v21, v29;
	[tilespmem:s13+$0xD0] =	vst v47  }
0x113: {  	vm1 =	vle.f32 v21, $1.000000000e+00;
	vm4 =	veq.f32 v21, $1.000000000e+00;
	v21 =	vsel vm3, v11, v0;
	v11 =	vld [tilespmem:s15+$0xFFFFFF00];
	[tilespmem:s13+$0xE0] =	vst v45  }
0x114: {  	v25 =	vld [tilespmem:s15+$0xFFFFFF20];
	v26 =	vmpcnt.ones.xlane vm1;
	v28 =	vmpcnt.ones.xlane vm4;
	[tilespmem:s13+$0xFFFFFF00] =	vst v21;
	v21 =	vsel vm3, v8, v1;
	v8 =	vmovc v50  }
0x115: {  	v46 =	vsel vm3, v13, v3;
	v45 =	vsel vm3, v58, v2;
	v23 =	vld [tilespmem:s15+$0xFFFFFFA0];
	v31 =	vmax.f32 v43, v44;
	[tilespmem:s13+$0xFFFFFF10] =	vst v21  }
0x116: {  	v18 =	vsel vm3, v18, v4;
	v21 =	vld [tilespmem:s15+$0x20];
	vm1 =	veq.s32 v26, $0x10;
	vm4 =	vgt.s32 v28, $0x0;
	[tilespmem:s13+$0xFFFFFF20] =	vst v45  }
0x117: {  	v22 =	vsel vm3, v22, v5;
	v13 =	vld [tilespmem:s15+$0xFFFFFF30];
	v45 =	vmax.f32 v61, v62;
	vm1 =	vmand vm1, vm4;
	[tilespmem:s13+$0xFFFFFF30] =	vst v46  }
0x118: {  	v27 =	vsel vm3, v27, v6;
	v26 =	vmax.f32 v11, v8;
	v28 =	vld [tilespmem:s15+$0xFFFFFFB0];
	v29 =	vsel vm1, v29, v7;
	[tilespmem:s13+$0xFFFFFF40] =	vst v18  }
0x119: {  	v30 =	vsel vm3, v30, v7;
	v17 =	vsel vm2, v17, v0;
	v46 =	vmax.f32 v26, v25;
	v26 =	vld [tilespmem:s15+$0x30];
	[tilespmem:s15+$0xF0] =	vst v29  }
0x11a: {  	v16 =	vsel vm2, v16, v1;
	v47 =	vsel vm2, v59, v2;
	v18 =	vld [tilespmem:s15+$0xFFFFFF40];
	v31 =	vmax.f32 v31, v23;
	[tilespmem:s13+$0xFFFFFF50] =	vst v22  }
0x11b: {  	v48 =	vsel vm2, v60, v3;
	v49 =	vsel vm2, v12, v4;
	v45 =	vmax.f32 v45, v21;
	[tilespmem:s13+$0xFFFFFF60] =	vst v27;
	v12 =	vld [tilespmem:s15+$0xFFFFFFC0]  }
0x11c: {  	v59 =	vsel vm2, v20, v6;
	v27 =	vmax.f32 v46, v13;
	v29 =	vld [tilespmem:s15+$0x40];
	[tilespmem:s13+$0xFFFFFF70] =	vst v30;
	v30 =	vsel vm2, v15, v5  }
0x11d: {  	v10 =	vsel vm0, v10, v0;
	v22 =	vld [tilespmem:s15+$0xFFFFFF50];
	v20 =	vmax.f32 v31, v28;
	[tilespmem:s13+$0xFFFFFF80] =	vst v17;
	v17 =	vsel vm2, v24, v7  }
0x11e: {  	v56 =	vsel vm0, v40, v2;
	v58 =	vsel vm0, v9, v1;
	v15 =	vld [tilespmem:s15+$0xFFFFFFD0];
	v24 =	vmax.f32 v45, v26;
	[tilespmem:s13+$0xFFFFFF90] =	vst v16  }
0x11f: {  	v57 =	vsel vm0, v41, v3;
	v53 =	vsel vm0, v42, v4;
	v9 =	vmax.f32 v27, v18;
	v31 =	vld [tilespmem:s15+$0x50];
	[tilespmem:s13+$0xFFFFFFA0] =	vst v47  }
0x120: {  	v55 =	vsel vm0, v38, v5;
	v52 =	vsel vm0, v14, v6;
	v27 =	vld [tilespmem:s15+$0xFFFFFF60];
	v16 =	vmax.f32 v20, v12;
	[tilespmem:s13+$0xFFFFFFB0] =	vst v48  }
.Ltmp1:
0x121: {  	v54 =	vsel vm0, v19, v7;
	v50 =	vsel vm1, v32, v0;
	v20 =	vld [tilespmem:s15+$0xFFFFFFE0];
	v38 =	vmax.f32 v24, v29;
	[tilespmem:s13+$0xFFFFFFC0] =	vst v49;
	(pc) =	sbr.rel @p1 .LBB2_5-.Ltmp1, $4  }
0x122: {  	v51 =	vsel vm1, v33, v1;
	v48 =	vsel vm1, v34, v2;
	v9 =	vmax.f32 v9, v22;
	v14 =	vld [tilespmem:s15+$0x60];
	[tilespmem:s13+$0xFFFFFFD0] =	vst v30  }
0x123: {  	v46 =	vsel vm1, v36, v4;
	v49 =	vsel vm1, v35, v3;
	v30 =	vld [tilespmem:s15+$0xFFFFFF70];
	v33 =	vmax.f32 v16, v15;
	[tilespmem:s13+$0xFFFFFFE0] =	vst v59  }
0x124: {  	v45 =	vsel vm1, v39, v6;
	v47 =	vsel vm1, v37, v5;
	v24 =	vld [tilespmem:s15+$0xFFFFFFF0];
	v34 =	vmax.f32 v38, v31;
	[tilespmem:s13+$0xFFFFFFF0] =	vst v17  }
0x125: {  	v16 =	vmovc v44;
	s15 =	sadd.s32 $0x200, s15;
	v17 =	vmovc v43;
	v35 =	vmax.f32 v9, v27;
	v19 =	vld [tilespmem:s12+$0x70];
	[tilespmem:s13+$0x0] =	vst v10;
	v10 =	vmov v61;
	v9 =	vmov v62  }
0x126: {  	[tilespmem:s13+$0x10] =	vst v58  }
0x127: {  	[tilespmem:s13+$0x20] =	vst v56  }
0x128: {  	[tilespmem:s13+$0x30] =	vst v57  }
0x129: {  	[tilespmem:s13+$0x40] =	vst v53  }
0x12a: {  	[tilespmem:s13+$0x50] =	vst v55  }
0x12b: {  	[tilespmem:s13+$0x60] =	vst v52  }
0x12c: {  	[tilespmem:s13+$0x70] =	vst v54  }
0x12d: {  	[tilespmem:s12+$0x80] =	vst v50;
	v32 =	vmax.f32 v35, v30  }
0x12e: {  	[tilespmem:s12+$0x90] =	vst v51;
	vm0 =	vle.f32 v32, $1.000000000e+00;
	vm1 =	veq.f32 v32, $1.000000000e+00  }
0x12f: {  	[tilespmem:s12+$0xA0] =	vst v48;
	v43 =	vmpcnt.ones.xlane vm0;
	v44 =	vmpcnt.ones.xlane vm1  }
0x130: {  	[tilespmem:s12+$0xB0] =	vst v49  }
0x131: {  	[tilespmem:s12+$0xC0] =	vst v46;
	vm0 =	veq.s32 v43, $0x10;
	vm1 =	vgt.s32 v44, $0x0  }
0x132: {  	[tilespmem:s12+$0xD0] =	vst v47;
	vm0 =	vmand vm0, vm1  }
0x133: {  	[tilespmem:s12+$0xE0] =	vst v45;
	v11 =	vsel vm0, v11, v0  }
0x134: {  	v48 =	vmax.f32 v33, v20;
	v8 =	vsel vm0, v8, v1;
	[tilespmem:s12+$0xFFFFFF00] =	vst v11  }
0x135: {  	v18 =	vsel vm0, v18, v4;
	v11 =	vmax.f32 v48, v24;
	[tilespmem:s12+$0xFFFFFF10] =	vst v8  }
0x136: {  	v8 =	vsel vm0, v25, v2;
	[tilespmem:s12+$0xFFFFFF40] =	vst v18;
	vm6 =	vle.f32 v11, $1.000000000e+00;
	vm2 =	veq.f32 v11, $1.000000000e+00  }
0x137: {  	v11 =	vsel vm0, v13, v3;
	[tilespmem:s12+$0xFFFFFF20] =	vst v8;
	v8 =	vmpcnt.ones.xlane vm6;
	v13 =	vmpcnt.ones.xlane vm2  }
0x138: {  	[tilespmem:s12+$0xFFFFFF30] =	vst v11;
	v11 =	vsel vm0, v22, v5  }
0x139: {  	[tilespmem:s12+$0xFFFFFF50] =	vst v11;
	v11 =	vsel vm0, v30, v7;
	vm1 =	veq.s32 v8, $0x10;
	vm2 =	vgt.s32 v13, $0x0  }
0x13a: {  	v8 =	vsel vm0, v27, v6;
	[tilespmem:s12+$0xFFFFFF70] =	vst v11;
	vm1 =	vmand vm1, vm2  }
0x13b: {  	[tilespmem:s12+$0xFFFFFF60] =	vst v8;
	v8 =	vsel vm1, v17, v0  }
0x13c: {  	v11 =	vmax.f32 v34, v14;
	v13 =	vsel vm1, v16, v1;
	[tilespmem:s12+$0xFFFFFF80] =	vst v8  }
0x13d: {  	v12 =	vsel vm1, v12, v4;
	v8 =	vmax.f32 v11, v19;
	[tilespmem:s12+$0xFFFFFF90] =	vst v13  }
0x13e: {  	v11 =	vsel vm1, v23, v2;
	[tilespmem:s12+$0xFFFFFFC0] =	vst v12;
	vm7 =	vle.f32 v8, $1.000000000e+00;
	vm8 =	veq.f32 v8, $1.000000000e+00  }
0x13f: {  	v8 =	vsel vm1, v28, v3;
	[tilespmem:s12+$0xFFFFFFA0] =	vst v11;
	v11 =	vmpcnt.ones.xlane vm7;
	v13 =	vmpcnt.ones.xlane vm8  }
0x140: {  	[tilespmem:s12+$0xFFFFFFB0] =	vst v8;
	v8 =	vsel vm1, v15, v5  }
0x141: {  	[tilespmem:s12+$0xFFFFFFD0] =	vst v8;
	v8 =	vsel vm1, v24, v7;
	vm0 =	veq.s32 v11, $0x10;
	vm2 =	vgt.s32 v13, $0x0  }
0x142: {  	v11 =	vsel vm1, v20, v6;
	[tilespmem:s12+$0xFFFFFFF0] =	vst v8;
	vm0 =	vmand vm0, vm2  }
0x143: {  	[tilespmem:s12+$0xFFFFFFE0] =	vst v11;
	v10 =	vsel vm0, v10, v0  }
0x144: {  	v8 =	vsel vm0, v9, v1;
	[tilespmem:s12+$0x0] =	vst v10  }
0x145: {  	v9 =	vsel vm0, v21, v2;
	[tilespmem:s12+$0x10] =	vst v8  }
0x146: {  	v8 =	vsel vm0, v26, v3;
	[tilespmem:s12+$0x20] =	vst v9  }
0x147: {  	s14 =	sshll.u32 s24, $0x9;
	v9 =	vsel vm0, v29, v4;
	[tilespmem:s12+$0x30] =	vst v8  }
0x148: {  	s13 =	sadd.s32 s14, s19;
	v8 =	vsel vm0, v31, v5;
	[tilespmem:s12+$0x40] =	vst v9  }
0x149: {  	s13 =	sshll.u32 s13, $0x4;
	v9 =	vsel vm0, v14, v6;
	[tilespmem:s12+$0x50] =	vst v8  }
0x14a: {  	s14 =	sadd.s32 s4, s13;
	v8 =	vsel vm0, v19, v7;
	[tilespmem:s12+$0x60] =	vst v9  }
0x14b: {  	s16 =	simm.s32 $0x2000;
	s13 =	simm.s32 @!p0 $0xF;
	s15 =	sadd.s32 $0x400, s14;
	[tilespmem:s12+$0x70] =	vst v8  }
0x14c: {  	[hbm4b:s15+s5] =	stream.linear.scatter [tilespmem:s16], [sflag:$0xA], $0x2000, $0x38;
	[tilespmem:$0x10080] =	vst v63  }
0x14d: {  	_ =	swait.ge @!p0 [sflag:s13], $0x2000  }
0x14e: {  	s17 =	rddreg [dreg:$0xa]  }
0x14f: {  	[sflag:s13] =	ssyncset.done @!p0 $0x0;
	s12 =	sadd.s32 s17, s25  }
0x150: {  	[sflag:s13] =	ssyncadd.s32 @!p0 $0xFFFFE000;
	s18 =	sadd.s32 s2, s12  }
0x151: {  	[tilespmem:s31], [sflag:$0x7] =	stream.linear.gather [hbm4b:s18+s5], $0x2000, $0x38;
	[tilespmem:$0x10080] =	vst v63  }
0x152: {  	_ =	swait.ge [sflag:s0], $0x2000  }
0x153: {  	[sflag:s0] =	ssyncset.done $0x0  }
0x154: {  	s15 =	simm.s32 $0x4100;
	[sflag:s0] =	ssyncadd.s32 $0xFFFFE000  }
0x155: {  	v8 =	vld [tilespmem:s15+$0x80]  }
0x156: {  	v9 =	vld [tilespmem:s15+$0x90]  }
0x157: {  	v10 =	vld [tilespmem:s15+$0xA0]  }
0x158: {  	v11 =	vld [tilespmem:s15+$0xB0]  }
0x159: {  	v13 =	vld [tilespmem:s15+$0xC0]  }
0x15a: {  	v16 =	vld [tilespmem:s15+$0xD0]  }
0x15b: {  	v17 =	vld [tilespmem:s15+$0xE0]  }
0x15c: {  	v21 =	vld [tilespmem:s15+$0xF0]  }
0x15d: {  	v23 =	vld [tilespmem:s15+$0xFFFFFF10]  }
0x15e: {  	v18 =	vld [tilespmem:s15+$0xFFFFFF80]  }
0x15f: {  	v12 =	vld [tilespmem:s15+$0xFFFFFF90]  }
0x160: {  	v15 =	vld [tilespmem:s15+$0x0]  }
0x161: {  	v14 =	vld [tilespmem:s15+$0x10]  }
0x162: {  	v25 =	vld [tilespmem:s15+$0xFFFFFF00]  }
0x163: {  	v26 =	vld [tilespmem:s15+$0xFFFFFF20]  }
0x164: {  	v22 =	vld [tilespmem:s15+$0xFFFFFFA0]  }
0x165: {  	v19 =	vld [tilespmem:s15+$0x20]  }
0x166: {  	v28 =	vld [tilespmem:s15+$0xFFFFFF30]  }
0x167: {  	v27 =	vld [tilespmem:s15+$0xFFFFFFB0]  }
0x168: {  	v41 =	vld [tilespmem:s15+$0xFFFFFF40];
	v20 =	vmax.f32 v8, v9  }
0x169: {  	v29 =	vld [tilespmem:s15+$0xFFFFFFC0];
	v20 =	vmax.f32 v20, v10  }
0x16a: {  	v42 =	vld [tilespmem:s15+$0xFFFFFF50];
	v20 =	vmax.f32 v20, v11  }
0x16b: {  	v31 =	vld [tilespmem:s15+$0xFFFFFFD0];
	v24 =	vmax.f32 v20, v13  }
0x16c: {  	v43 =	vld [tilespmem:s15+$0xFFFFFF60];
	v51 =	vmax.f32 v18, v12;
	v24 =	vmax.f32 v24, v16  }
0x16d: {  	v38 =	vld [tilespmem:s15+$0xFFFFFFE0];
	v52 =	vmax.f32 v15, v14;
	v53 =	vmax.f32 v25, v23;
	v24 =	vmax.f32 v24, v17  }
0x16e: {  	v35 =	vmax.f32 v53, v26;
	v33 =	vmax.f32 v51, v22;
	v20 =	vld [tilespmem:s15+$0x30];
	v30 =	vmax.f32 v24, v21  }
0x16f: {  	v35 =	vmax.f32 v35, v28;
	v24 =	vld [tilespmem:s15+$0x40];
	vm9 =	vle.f32 v30, $1.000000000e+00;
	vm10 =	veq.f32 v30, $1.000000000e+00  }
0x170: {  	v32 =	vld [tilespmem:s15+$0x60];
	v33 =	vmax.f32 v33, v27;
	v49 =	vmpcnt.ones.xlane vm9;
	v50 =	vmpcnt.ones.xlane vm10  }
0x171: {  	v34 =	vmax.f32 v52, v19;
	v35 =	vmax.f32 v35, v41;
	v36 =	vmax.f32 v33, v29;
	v30 =	vld [tilespmem:s15+$0x50]  }
0x172: {  	v44 =	vld [tilespmem:s15+$0xFFFFFF70];
	v39 =	vmax.f32 v35, v42;
	vm0 =	veq.s32 v49, $0x10;
	vm1 =	vgt.s32 v50, $0x0  }
0x173: {  	s13 =	simm.s32 $0x4300;
	v45 =	vld [tilespmem:s15+$0xFFFFFFF0];
	v40 =	vmax.f32 v36, v31;
	v34 =	vmax.f32 v34, v20;
	vm0 =	vmand vm0, vm1  }
0x174: {  	v59 =	vld [tilespmem:s13+$0xE0];
	v37 =	vmax.f32 v34, v24;
	v21 =	vsel vm0, v21, v7;
	v8 =	vsel vm0, v8, v0  }
0x175: {  	v33 =	vld [tilespmem:s15+$0x70];
	v9 =	vsel vm0, v9, v1;
	v10 =	vsel vm0, v10, v2;
	v11 =	vsel vm0, v11, v3  }
0x176: {  	v35 =	vld [tilespmem:s13+$0x80];
	v13 =	vsel vm0, v13, v4;
	v54 =	vmax.f32 v37, v30;
	v55 =	vsel vm0, v16, v5  }
0x177: {  	v34 =	vld [tilespmem:s13+$0x90];
	v60 =	vsel vm0, v17, v6;
	v16 =	vmax.f32 v39, v43;
	v17 =	vmax.f32 v40, v38  }
0x178: {  	v36 =	vld [tilespmem:s13+$0xA0];
	v46 =	vmax.f32 v54, v32;
	v16 =	vmax.f32 v16, v44;
	v17 =	vmax.f32 v17, v45  }
0x179: {  	v61 =	vld [tilespmem:s13+$0xF0];
	vm11 =	vle.f32 v16, $1.000000000e+00;
	vm12 =	veq.f32 v16, $1.000000000e+00;
	vm13 =	vle.f32 v17, $1.000000000e+00  }
0x17a: {  	v37 =	vld [tilespmem:s13+$0xB0];
	[tilespmem:s15+$0xF0] =	vst v21;
	vm3 =	veq.f32 v17, $1.000000000e+00;
	v16 =	vmax.f32 v46, v33;
	v21 =	vmpcnt.ones.xlane vm11  }
0x17b: {  	v40 =	vld [tilespmem:s13+$0xC0];
	vm14 =	vle.f32 v16, $1.000000000e+00;
	vm4 =	veq.f32 v16, $1.000000000e+00;
	v16 =	vmpcnt.ones.xlane vm12  }
0x17c: {  	v39 =	vld [tilespmem:s13+$0xD0];
	[tilespmem:s15+$0x80] =	vst v8;
	v62 =	vmpcnt.ones.xlane vm13;
	v63 =	vmpcnt.ones.xlane vm3;
	v17 =	vmax.f32 v35, v34  }
0x17d: {  	v8 =	vld [tilespmem:s13+$0xFFFFFF10];
	[tilespmem:s15+$0x90] =	vst v9;
	v54 =	vmpcnt.ones.xlane vm14;
	v17 =	vmax.f32 v17, v36;
	vm15 =	veq.s32 v21, $0x10  }
0x17e: {  	[tilespmem:s15+$0xA0] =	vst v10;
	v10 =	vld [tilespmem:s13+$0x0];
	v21 =	vmpcnt.ones.xlane vm4;
	vm1 =	vgt.s32 v16, $0x0;
	vm2 =	veq.s32 v62, $0x10  }
0x17f: {  	[tilespmem:s15+$0xB0] =	vst v11;
	v11 =	vld [tilespmem:s13+$0xFFFFFF00];
	vm8 =	vgt.s32 v63, $0x0;
	v17 =	vmax.f32 v17, v37;
	vm5 =	veq.s32 v54, $0x10  }
0x180: {  	[tilespmem:s15+$0xC0] =	vst v13;
	v16 =	vld [tilespmem:s13+$0xFFFFFF90];
	vm9 =	vmand vm15, vm1;
	vm2 =	vmand vm2, vm8;
	v9 =	vmax.f32 v17, v40  }
0x181: {  	[tilespmem:s15+$0xE0] =	vst v60;
	v17 =	vld [tilespmem:s13+$0xFFFFFF80];
	vm12 =	vgt.s32 v21, $0x0;
	v41 =	vsel vm9, v41, v4;
	v60 =	vsel vm9, v42, v5  }
0x182: {  	[tilespmem:s15+$0xD0] =	vst v55;
	v21 =	vld [tilespmem:s13+$0x20];
	v44 =	vsel vm9, v44, v7;
	v63 =	vsel vm2, v18, v0;
	v52 =	vsel vm2, v12, v1  }
0x183: {  	v18 =	vld [tilespmem:s13+$0xFFFFFF40];
	v53 =	vsel vm2, v22, v2;
	v42 =	vsel vm2, v27, v3;
	v9 =	vmax.f32 v9, v39;
	[tilespmem:s15+$0xFFFFFF40] =	vst v41  }
0x184: {  	v12 =	vld [tilespmem:s13+$0xFFFFFFC0];
	v50 =	vsel vm2, v29, v4;
	v38 =	vsel vm2, v38, v6;
	[tilespmem:s15+$0xFFFFFF50] =	vst v60;
	v9 =	vmax.f32 v9, v59  }
0x185: {  	v29 =	vld [tilespmem:s13+$0x40];
	v45 =	vsel vm2, v45, v7;
	vm13 =	vmand vm5, vm12;
	[tilespmem:s15+$0xFFFFFF90] =	vst v52;
	v13 =	vmax.f32 v9, v61  }
0x186: {  	v22 =	vld [tilespmem:s13+$0xFFFFFF50];
	[tilespmem:s15+$0xFFFFFFA0] =	vst v53;
	vm10 =	vle.f32 v13, $1.000000000e+00;
	vm11 =	veq.f32 v13, $1.000000000e+00;
	v13 =	vsel vm9, v25, v0  }
0x187: {  	v60 =	vsel vm13, v15, v0;
	v53 =	vsel vm13, v24, v4;
	v9 =	vld [tilespmem:s13+$0x10];
	[tilespmem:s15+$0xFFFFFF00] =	vst v13;
	v13 =	vsel vm9, v23, v1  }
0x188: {  	v25 =	vld [tilespmem:s13+$0xFFFFFF20];
	v55 =	vmpcnt.ones.xlane vm10;
	v56 =	vmpcnt.ones.xlane vm11;
	[tilespmem:s15+$0xFFFFFF10] =	vst v13;
	v13 =	vsel vm9, v26, v2  }
0x189: {  	v52 =	vsel vm13, v32, v6;
	v54 =	vsel vm13, v33, v7;
	v57 =	vmax.f32 v17, v16;
	[tilespmem:s15+$0xFFFFFF20] =	vst v13;
	v13 =	vld [tilespmem:s13+$0xFFFFFF30]  }
0x18a: {  	[tilespmem:s15+$0xFFFFFF70] =	vst v44;
	v15 =	vld [tilespmem:s13+$0xFFFFFFD0];
	v26 =	vsel vm9, v28, v3;
	vm14 =	veq.s32 v55, $0x10;
	vm15 =	vgt.s32 v56, $0x0  }
0x18b: {  	v23 =	vld [tilespmem:s13+$0xFFFFFFA0];
	[tilespmem:s15+$0xFFFFFF30] =	vst v26;
	v26 =	vmax.f32 v11, v8;
	v56 =	vsel vm13, v19, v2;
	vm0 =	vmand vm14, vm15  }
0x18c: {  	[tilespmem:s15+$0xFFFFFF80] =	vst v63;
	v28 =	vld [tilespmem:s13+$0xFFFFFFB0];
	v55 =	vsel vm13, v30, v5;
	v58 =	vmax.f32 v10, v9;
	v46 =	vsel vm0, v61, v7  }
0x18d: {  	[tilespmem:s15+$0xFFFFFFB0] =	vst v42;
	v61 =	vsel vm9, v43, v6;
	v62 =	vmax.f32 v26, v25;
	v26 =	vld [tilespmem:s13+$0x30];
	v48 =	vmax.f32 v58, v21  }
0x18e: {  	[tilespmem:s15+$0xFFFFFFC0] =	vst v50;
	v43 =	vsel vm2, v31, v5;
	v58 =	vsel vm13, v14, v1;
	v31 =	vld [tilespmem:s13+$0x50];
	v27 =	vmax.f32 v62, v13  }
0x18f: {  	[tilespmem:s15+$0xFFFFFFE0] =	vst v38;
	v50 =	vsel vm0, v35, v0;
	v51 =	vsel vm0, v34, v1;
	v14 =	vmax.f32 v27, v18;
	v27 =	vld [tilespmem:s13+$0xFFFFFF60]  }
0x190: {  	[tilespmem:s15+$0xFFFFFFF0] =	vst v45;
	v49 =	vsel vm0, v37, v3;
	v47 =	vmax.f32 v57, v23;
	v57 =	vsel vm13, v20, v3;
	v20 =	vld [tilespmem:s13+$0xFFFFFFE0]  }
0x191: {  	v45 =	vsel vm0, v59, v6;
	[tilespmem:s13+$0xF0] =	vst v46;
	v44 =	vmax.f32 v47, v28;
	v63 =	vmax.f32 v14, v22;
	v14 =	vld [tilespmem:s13+$0x60]  }
0x192: {  	v30 =	vld [tilespmem:s13+$0xFFFFFF70];
	[tilespmem:s15+$0xFFFFFF60] =	vst v61;
	v46 =	vsel vm0, v40, v4;
	v19 =	vmax.f32 v44, v12;
	v61 =	vmax.f32 v48, v26  }
0x193: {  	v24 =	vld [tilespmem:s13+$0xFFFFFFF0];
	[tilespmem:s15+$0x0] =	vst v60;
	v47 =	vsel vm0, v39, v5;
	v33 =	vmax.f32 v19, v15;
	v62 =	vmax.f32 v61, v29  }
0x194: {  	s16 =	simm.s32 $0x4;
	s17 =	simm.s32 $0x4500;
	[tilespmem:s15+$0xFFFFFFD0] =	vst v43;
	v19 =	vld [tilespmem:s13+$0x70];
	v48 =	vsel vm0, v36, v2;
	v34 =	vmax.f32 v62, v31;
	v35 =	vmax.f32 v63, v27  }
.LBB2_7:
0x195: {  	v32 =	vld [tilespmem:s17+$0x80];
	v36 =	vmax.f32 v33, v20;
	[tilespmem:s15+$0x10] =	vst v58;
	v58 =	vmovc v25;
	v59 =	vmovc v23;
	v40 =	vmov v21;
	v60 =	vmov v28  }
0x196: {  	s16 =	sadd.s32 $0x4, s16;
	v41 =	vmovc v26;
	v42 =	vmov v29;
	v38 =	vmov v31;
	v33 =	vld [tilespmem:s17+$0x90];
	v21 =	vmax.f32 v34, v14;
	[tilespmem:s15+$0x20] =	vst v56  }
0x197: {  	p1 =	slt.u32 s16, $0x3C;
	v34 =	vld [tilespmem:s17+$0xA0];
	v23 =	vmax.f32 v35, v30;
	[tilespmem:s15+$0x30] =	vst v57  }
0x198: {  	v35 =	vld [tilespmem:s17+$0xB0];
	vm0 =	vle.f32 v23, $1.000000000e+00;
	vm1 =	veq.f32 v23, $1.000000000e+00;
	v23 =	vmax.f32 v36, v24;
	[tilespmem:s15+$0x40] =	vst v53  }
0x199: {  	v36 =	vld [tilespmem:s17+$0xC0];
	vm2 =	vle.f32 v23, $1.000000000e+00;
	vm3 =	veq.f32 v23, $1.000000000e+00;
	v21 =	vmax.f32 v21, v19;
	[tilespmem:s15+$0x50] =	vst v55  }
0x19a: {  	v23 =	vmpcnt.ones.xlane vm0;
	v37 =	vld [tilespmem:s17+$0xD0];
	vm0 =	vle.f32 v21, $1.000000000e+00;
	vm4 =	veq.f32 v21, $1.000000000e+00;
	[tilespmem:s15+$0x60] =	vst v52  }
0x19b: {  	v25 =	vmpcnt.ones.xlane vm1;
	v26 =	vmpcnt.ones.xlane vm2;
	v39 =	vld [tilespmem:s17+$0xE0];
	v21 =	vmax.f32 v32, v33;
	[tilespmem:s15+$0x70] =	vst v54;
	s15 =	smov.u32 s13;
	s13 =	smov.u32 s17  }
0x19c: {  	v28 =	vmpcnt.ones.xlane vm3;
	v31 =	vmpcnt.ones.xlane vm0;
	v29 =	vld [tilespmem:s17+$0xF0];
	v21 =	vmax.f32 v21, v34;
	[tilespmem:s15+$0x80] =	vst v50  }
0x19d: {  	vm0 =	veq.s32 v23, $0x10;
	v23 =	vmpcnt.ones.xlane vm4;
	v50 =	vld [tilespmem:s17+$0xFFFFFF10];
	v21 =	vmax.f32 v21, v35;
	[tilespmem:s15+$0x90] =	vst v51  }
0x19e: {  	vm1 =	vgt.s32 v25, $0x0;
	vm2 =	veq.s32 v26, $0x10;
	v43 =	vld [tilespmem:s17+$0xFFFFFF80];
	v21 =	vmax.f32 v21, v36;
	[tilespmem:s15+$0xA0] =	vst v48  }
0x19f: {  	vm4 =	vgt.s32 v28, $0x0;
	vm5 =	veq.s32 v31, $0x10;
	v44 =	vld [tilespmem:s17+$0xFFFFFF90];
	v21 =	vmax.f32 v21, v37;
	[tilespmem:s15+$0xB0] =	vst v49  }
0x1a0: {  	vm3 =	vmand vm0, vm1;
	vm0 =	vgt.s32 v23, $0x0;
	v61 =	vld [tilespmem:s17+$0x0];
	v21 =	vmax.f32 v21, v39;
	[tilespmem:s15+$0xC0] =	vst v46  }
0x1a1: {  	vm2 =	vmand vm2, vm4;
	vm0 =	vmand vm5, vm0;
	v62 =	vld [tilespmem:s17+$0x10];
	v21 =	vmax.f32 v21, v29;
	[tilespmem:s15+$0xD0] =	vst v47  }
0x1a2: {  	vm1 =	vle.f32 v21, $1.000000000e+00;
	vm4 =	veq.f32 v21, $1.000000000e+00;
	v21 =	vsel vm3, v11, v0;
	v11 =	vld [tilespmem:s17+$0xFFFFFF00];
	[tilespmem:s15+$0xE0] =	vst v45  }
0x1a3: {  	v25 =	vld [tilespmem:s17+$0xFFFFFF20];
	v26 =	vmpcnt.ones.xlane vm1;
	v28 =	vmpcnt.ones.xlane vm4;
	[tilespmem:s15+$0xFFFFFF00] =	vst v21;
	v21 =	vsel vm3, v8, v1;
	v8 =	vmovc v50  }
0x1a4: {  	v46 =	vsel vm3, v13, v3;
	v45 =	vsel vm3, v58, v2;
	v23 =	vld [tilespmem:s17+$0xFFFFFFA0];
	v31 =	vmax.f32 v43, v44;
	[tilespmem:s15+$0xFFFFFF10] =	vst v21  }
0x1a5: {  	v18 =	vsel vm3, v18, v4;
	v21 =	vld [tilespmem:s17+$0x20];
	vm1 =	veq.s32 v26, $0x10;
	vm4 =	vgt.s32 v28, $0x0;
	[tilespmem:s15+$0xFFFFFF20] =	vst v45  }
0x1a6: {  	v22 =	vsel vm3, v22, v5;
	v13 =	vld [tilespmem:s17+$0xFFFFFF30];
	v45 =	vmax.f32 v61, v62;
	vm1 =	vmand vm1, vm4;
	[tilespmem:s15+$0xFFFFFF30] =	vst v46  }
0x1a7: {  	v27 =	vsel vm3, v27, v6;
	v26 =	vmax.f32 v11, v8;
	v28 =	vld [tilespmem:s17+$0xFFFFFFB0];
	v29 =	vsel vm1, v29, v7;
	[tilespmem:s15+$0xFFFFFF40] =	vst v18  }
0x1a8: {  	v30 =	vsel vm3, v30, v7;
	v17 =	vsel vm2, v17, v0;
	v46 =	vmax.f32 v26, v25;
	v26 =	vld [tilespmem:s17+$0x30];
	[tilespmem:s17+$0xF0] =	vst v29  }
0x1a9: {  	v16 =	vsel vm2, v16, v1;
	v47 =	vsel vm2, v59, v2;
	v18 =	vld [tilespmem:s17+$0xFFFFFF40];
	v31 =	vmax.f32 v31, v23;
	[tilespmem:s15+$0xFFFFFF50] =	vst v22  }
0x1aa: {  	v48 =	vsel vm2, v60, v3;
	v49 =	vsel vm2, v12, v4;
	v45 =	vmax.f32 v45, v21;
	[tilespmem:s15+$0xFFFFFF60] =	vst v27;
	v12 =	vld [tilespmem:s17+$0xFFFFFFC0]  }
0x1ab: {  	v59 =	vsel vm2, v20, v6;
	v27 =	vmax.f32 v46, v13;
	v29 =	vld [tilespmem:s17+$0x40];
	[tilespmem:s15+$0xFFFFFF70] =	vst v30;
	v30 =	vsel vm2, v15, v5  }
0x1ac: {  	v10 =	vsel vm0, v10, v0;
	v22 =	vld [tilespmem:s17+$0xFFFFFF50];
	v20 =	vmax.f32 v31, v28;
	[tilespmem:s15+$0xFFFFFF80] =	vst v17;
	v17 =	vsel vm2, v24, v7  }
0x1ad: {  	v56 =	vsel vm0, v40, v2;
	v58 =	vsel vm0, v9, v1;
	v15 =	vld [tilespmem:s17+$0xFFFFFFD0];
	v24 =	vmax.f32 v45, v26;
	[tilespmem:s15+$0xFFFFFF90] =	vst v16  }
0x1ae: {  	v57 =	vsel vm0, v41, v3;
	v53 =	vsel vm0, v42, v4;
	v9 =	vmax.f32 v27, v18;
	v31 =	vld [tilespmem:s17+$0x50];
	[tilespmem:s15+$0xFFFFFFA0] =	vst v47  }
0x1af: {  	v55 =	vsel vm0, v38, v5;
	v52 =	vsel vm0, v14, v6;
	v27 =	vld [tilespmem:s17+$0xFFFFFF60];
	v16 =	vmax.f32 v20, v12;
	[tilespmem:s15+$0xFFFFFFB0] =	vst v48  }
.Ltmp2:
0x1b0: {  	v54 =	vsel vm0, v19, v7;
	v50 =	vsel vm1, v32, v0;
	v20 =	vld [tilespmem:s17+$0xFFFFFFE0];
	v38 =	vmax.f32 v24, v29;
	[tilespmem:s15+$0xFFFFFFC0] =	vst v49;
	(pc) =	sbr.rel @p1 .LBB2_7-.Ltmp2, $4  }
0x1b1: {  	v51 =	vsel vm1, v33, v1;
	v48 =	vsel vm1, v34, v2;
	v9 =	vmax.f32 v9, v22;
	v14 =	vld [tilespmem:s17+$0x60];
	[tilespmem:s15+$0xFFFFFFD0] =	vst v30  }
0x1b2: {  	v46 =	vsel vm1, v36, v4;
	v49 =	vsel vm1, v35, v3;
	v30 =	vld [tilespmem:s17+$0xFFFFFF70];
	v33 =	vmax.f32 v16, v15;
	[tilespmem:s15+$0xFFFFFFE0] =	vst v59  }
0x1b3: {  	v45 =	vsel vm1, v39, v6;
	v47 =	vsel vm1, v37, v5;
	v24 =	vld [tilespmem:s17+$0xFFFFFFF0];
	v34 =	vmax.f32 v38, v31;
	[tilespmem:s15+$0xFFFFFFF0] =	vst v17  }
0x1b4: {  	v16 =	vmovc v44;
	s17 =	sadd.s32 $0x200, s17;
	v17 =	vmovc v43;
	v35 =	vmax.f32 v9, v27;
	v19 =	vld [tilespmem:s13+$0x70];
	[tilespmem:s15+$0x0] =	vst v10;
	v10 =	vmov v61;
	v9 =	vmov v62  }
0x1b5: {  	[tilespmem:s15+$0x10] =	vst v58  }
0x1b6: {  	[tilespmem:s15+$0x20] =	vst v56  }
0x1b7: {  	[tilespmem:s15+$0x30] =	vst v57  }
0x1b8: {  	[tilespmem:s15+$0x40] =	vst v53  }
0x1b9: {  	[tilespmem:s15+$0x50] =	vst v55  }
0x1ba: {  	[tilespmem:s15+$0x60] =	vst v52  }
0x1bb: {  	[tilespmem:s15+$0x70] =	vst v54  }
0x1bc: {  	[tilespmem:s13+$0x80] =	vst v50;
	v32 =	vmax.f32 v35, v30  }
0x1bd: {  	[tilespmem:s13+$0x90] =	vst v51;
	vm0 =	vle.f32 v32, $1.000000000e+00;
	vm1 =	veq.f32 v32, $1.000000000e+00  }
0x1be: {  	[tilespmem:s13+$0xA0] =	vst v48;
	v43 =	vmpcnt.ones.xlane vm0;
	v44 =	vmpcnt.ones.xlane vm1  }
0x1bf: {  	[tilespmem:s13+$0xB0] =	vst v49  }
0x1c0: {  	[tilespmem:s13+$0xC0] =	vst v46;
	vm0 =	veq.s32 v43, $0x10;
	vm1 =	vgt.s32 v44, $0x0  }
0x1c1: {  	[tilespmem:s13+$0xD0] =	vst v47;
	vm0 =	vmand vm0, vm1  }
0x1c2: {  	[tilespmem:s13+$0xE0] =	vst v45;
	v11 =	vsel vm0, v11, v0  }
0x1c3: {  	v48 =	vmax.f32 v33, v20;
	v8 =	vsel vm0, v8, v1;
	[tilespmem:s13+$0xFFFFFF00] =	vst v11  }
0x1c4: {  	v18 =	vsel vm0, v18, v4;
	v11 =	vmax.f32 v48, v24;
	[tilespmem:s13+$0xFFFFFF10] =	vst v8  }
0x1c5: {  	v8 =	vsel vm0, v25, v2;
	[tilespmem:s13+$0xFFFFFF40] =	vst v18;
	vm6 =	vle.f32 v11, $1.000000000e+00;
	vm2 =	veq.f32 v11, $1.000000000e+00  }
0x1c6: {  	v11 =	vsel vm0, v13, v3;
	[tilespmem:s13+$0xFFFFFF20] =	vst v8;
	v8 =	vmpcnt.ones.xlane vm6;
	v13 =	vmpcnt.ones.xlane vm2  }
0x1c7: {  	[tilespmem:s13+$0xFFFFFF30] =	vst v11;
	v11 =	vsel vm0, v22, v5  }
0x1c8: {  	[tilespmem:s13+$0xFFFFFF50] =	vst v11;
	v11 =	vsel vm0, v30, v7;
	vm1 =	veq.s32 v8, $0x10;
	vm2 =	vgt.s32 v13, $0x0  }
0x1c9: {  	v8 =	vsel vm0, v27, v6;
	[tilespmem:s13+$0xFFFFFF70] =	vst v11;
	vm1 =	vmand vm1, vm2  }
0x1ca: {  	[tilespmem:s13+$0xFFFFFF60] =	vst v8;
	v8 =	vsel vm1, v17, v0  }
0x1cb: {  	v11 =	vmax.f32 v34, v14;
	v13 =	vsel vm1, v16, v1;
	[tilespmem:s13+$0xFFFFFF80] =	vst v8  }
0x1cc: {  	v12 =	vsel vm1, v12, v4;
	v8 =	vmax.f32 v11, v19;
	[tilespmem:s13+$0xFFFFFF90] =	vst v13  }
0x1cd: {  	v11 =	vsel vm1, v23, v2;
	[tilespmem:s13+$0xFFFFFFC0] =	vst v12;
	vm7 =	vle.f32 v8, $1.000000000e+00;
	vm8 =	veq.f32 v8, $1.000000000e+00  }
0x1ce: {  	v8 =	vsel vm1, v28, v3;
	[tilespmem:s13+$0xFFFFFFA0] =	vst v11;
	v11 =	vmpcnt.ones.xlane vm7;
	v13 =	vmpcnt.ones.xlane vm8  }
0x1cf: {  	[tilespmem:s13+$0xFFFFFFB0] =	vst v8;
	v8 =	vsel vm1, v15, v5  }
0x1d0: {  	[tilespmem:s13+$0xFFFFFFD0] =	vst v8;
	v8 =	vsel vm1, v24, v7;
	vm0 =	veq.s32 v11, $0x10;
	vm2 =	vgt.s32 v13, $0x0  }
0x1d1: {  	v11 =	vsel vm1, v20, v6;
	[tilespmem:s13+$0xFFFFFFF0] =	vst v8;
	vm0 =	vmand vm0, vm2  }
0x1d2: {  	[tilespmem:s13+$0xFFFFFFE0] =	vst v11;
	v10 =	vsel vm0, v10, v0  }
0x1d3: {  	v8 =	vsel vm0, v9, v1;
	[tilespmem:s13+$0x0] =	vst v10  }
0x1d4: {  	v9 =	vsel vm0, v21, v2;
	[tilespmem:s13+$0x10] =	vst v8  }
0x1d5: {  	v8 =	vsel vm0, v26, v3;
	[tilespmem:s13+$0x20] =	vst v9  }
0x1d6: {  	v9 =	vsel vm0, v29, v4;
	[tilespmem:s13+$0x30] =	vst v8  }
0x1d7: {  	v8 =	vsel vm0, v31, v5;
	[tilespmem:s13+$0x40] =	vst v9  }
0x1d8: {  	v9 =	vsel vm0, v14, v6;
	[tilespmem:s13+$0x50] =	vst v8  }
0x1d9: {  	v8 =	vsel vm0, v19, v7;
	[tilespmem:s13+$0x60] =	vst v9  }
0x1da: {  	s15 =	sadd.s32 $0x800, s14;
	s16 =	simm.s32 $0x4000;
	[tilespmem:s13+$0x70] =	vst v8  }
0x1db: {  	[hbm4b:s15+s5] =	stream.linear.scatter [tilespmem:s16], [sflag:$0xB], $0x2000, $0x38;
	[tilespmem:$0x10080] =	vst v63  }
0x1dc: {  	s15 =	simm.s32 @!p0 $0x10  }
0x1dd: {  	_ =	swait.ge @!p0 [sflag:s15], $0x2000  }
0x1de: {  	s17 =	rddreg [dreg:$0xb]  }
0x1df: {  	[sflag:s15] =	ssyncset.done @!p0 $0x0;
	s13 =	sadd.s32 s17, s25  }
0x1e0: {  	[sflag:s15] =	ssyncadd.s32 @!p0 $0xFFFFE000;
	s18 =	sadd.s32 s2, s13  }
0x1e1: {  	[tilespmem:s1], [sflag:$0x8] =	stream.linear.gather [hbm4b:s18+s5], $0x2000, $0x38;
	[tilespmem:$0x10080] =	vst v63  }
0x1e2: {  	_ =	swait.ge [sflag:s3], $0x2000  }
0x1e3: {  	[sflag:s3] =	ssyncset.done $0x0  }
0x1e4: {  	s16 =	simm.s32 $0x6100;
	[sflag:s3] =	ssyncadd.s32 $0xFFFFE000  }
0x1e5: {  	v8 =	vld [tilespmem:s16+$0x80]  }
0x1e6: {  	v9 =	vld [tilespmem:s16+$0x90]  }
0x1e7: {  	v10 =	vld [tilespmem:s16+$0xA0]  }
0x1e8: {  	v11 =	vld [tilespmem:s16+$0xB0]  }
0x1e9: {  	v13 =	vld [tilespmem:s16+$0xC0]  }
0x1ea: {  	v16 =	vld [tilespmem:s16+$0xD0]  }
0x1eb: {  	v17 =	vld [tilespmem:s16+$0xE0]  }
0x1ec: {  	v21 =	vld [tilespmem:s16+$0xF0]  }
0x1ed: {  	v23 =	vld [tilespmem:s16+$0xFFFFFF10]  }
0x1ee: {  	v18 =	vld [tilespmem:s16+$0xFFFFFF80]  }
0x1ef: {  	v12 =	vld [tilespmem:s16+$0xFFFFFF90]  }
0x1f0: {  	v15 =	vld [tilespmem:s16+$0x0]  }
0x1f1: {  	v14 =	vld [tilespmem:s16+$0x10]  }
0x1f2: {  	v25 =	vld [tilespmem:s16+$0xFFFFFF00]  }
0x1f3: {  	v26 =	vld [tilespmem:s16+$0xFFFFFF20]  }
0x1f4: {  	v22 =	vld [tilespmem:s16+$0xFFFFFFA0]  }
0x1f5: {  	v19 =	vld [tilespmem:s16+$0x20]  }
0x1f6: {  	v28 =	vld [tilespmem:s16+$0xFFFFFF30]  }
0x1f7: {  	v27 =	vld [tilespmem:s16+$0xFFFFFFB0]  }
0x1f8: {  	v41 =	vld [tilespmem:s16+$0xFFFFFF40];
	v20 =	vmax.f32 v8, v9  }
0x1f9: {  	v29 =	vld [tilespmem:s16+$0xFFFFFFC0];
	v20 =	vmax.f32 v20, v10  }
0x1fa: {  	v42 =	vld [tilespmem:s16+$0xFFFFFF50];
	v20 =	vmax.f32 v20, v11  }
0x1fb: {  	v31 =	vld [tilespmem:s16+$0xFFFFFFD0];
	v24 =	vmax.f32 v20, v13  }
0x1fc: {  	v43 =	vld [tilespmem:s16+$0xFFFFFF60];
	v51 =	vmax.f32 v18, v12;
	v24 =	vmax.f32 v24, v16  }
0x1fd: {  	v38 =	vld [tilespmem:s16+$0xFFFFFFE0];
	v52 =	vmax.f32 v15, v14;
	v53 =	vmax.f32 v25, v23;
	v24 =	vmax.f32 v24, v17  }
0x1fe: {  	v35 =	vmax.f32 v53, v26;
	v33 =	vmax.f32 v51, v22;
	v20 =	vld [tilespmem:s16+$0x30];
	v30 =	vmax.f32 v24, v21  }
0x1ff: {  	v35 =	vmax.f32 v35, v28;
	v24 =	vld [tilespmem:s16+$0x40];
	vm9 =	vle.f32 v30, $1.000000000e+00;
	vm10 =	veq.f32 v30, $1.000000000e+00  }
0x200: {  	v32 =	vld [tilespmem:s16+$0x60];
	v33 =	vmax.f32 v33, v27;
	v49 =	vmpcnt.ones.xlane vm9;
	v50 =	vmpcnt.ones.xlane vm10  }
0x201: {  	v34 =	vmax.f32 v52, v19;
	v35 =	vmax.f32 v35, v41;
	v36 =	vmax.f32 v33, v29;
	v30 =	vld [tilespmem:s16+$0x50]  }
0x202: {  	v44 =	vld [tilespmem:s16+$0xFFFFFF70];
	v39 =	vmax.f32 v35, v42;
	vm0 =	veq.s32 v49, $0x10;
	vm1 =	vgt.s32 v50, $0x0  }
0x203: {  	s15 =	simm.s32 $0x6300;
	v45 =	vld [tilespmem:s16+$0xFFFFFFF0];
	v40 =	vmax.f32 v36, v31;
	v34 =	vmax.f32 v34, v20;
	vm0 =	vmand vm0, vm1  }
0x204: {  	v59 =	vld [tilespmem:s15+$0xE0];
	v37 =	vmax.f32 v34, v24;
	v21 =	vsel vm0, v21, v7;
	v8 =	vsel vm0, v8, v0  }
0x205: {  	v33 =	vld [tilespmem:s16+$0x70];
	v9 =	vsel vm0, v9, v1;
	v10 =	vsel vm0, v10, v2;
	v11 =	vsel vm0, v11, v3  }
0x206: {  	v35 =	vld [tilespmem:s15+$0x80];
	v13 =	vsel vm0, v13, v4;
	v54 =	vmax.f32 v37, v30;
	v55 =	vsel vm0, v16, v5  }
0x207: {  	v34 =	vld [tilespmem:s15+$0x90];
	v60 =	vsel vm0, v17, v6;
	v16 =	vmax.f32 v39, v43;
	v17 =	vmax.f32 v40, v38  }
0x208: {  	v36 =	vld [tilespmem:s15+$0xA0];
	v46 =	vmax.f32 v54, v32;
	v16 =	vmax.f32 v16, v44;
	v17 =	vmax.f32 v17, v45  }
0x209: {  	v61 =	vld [tilespmem:s15+$0xF0];
	vm11 =	vle.f32 v16, $1.000000000e+00;
	vm12 =	veq.f32 v16, $1.000000000e+00;
	vm13 =	vle.f32 v17, $1.000000000e+00  }
0x20a: {  	v37 =	vld [tilespmem:s15+$0xB0];
	[tilespmem:s16+$0xF0] =	vst v21;
	vm3 =	veq.f32 v17, $1.000000000e+00;
	v16 =	vmax.f32 v46, v33;
	v21 =	vmpcnt.ones.xlane vm11  }
0x20b: {  	v40 =	vld [tilespmem:s15+$0xC0];
	vm14 =	vle.f32 v16, $1.000000000e+00;
	vm4 =	veq.f32 v16, $1.000000000e+00;
	v16 =	vmpcnt.ones.xlane vm12  }
0x20c: {  	v39 =	vld [tilespmem:s15+$0xD0];
	[tilespmem:s16+$0x80] =	vst v8;
	v62 =	vmpcnt.ones.xlane vm13;
	v63 =	vmpcnt.ones.xlane vm3;
	v17 =	vmax.f32 v35, v34  }
0x20d: {  	v8 =	vld [tilespmem:s15+$0xFFFFFF10];
	[tilespmem:s16+$0x90] =	vst v9;
	v54 =	vmpcnt.ones.xlane vm14;
	v17 =	vmax.f32 v17, v36;
	vm15 =	veq.s32 v21, $0x10  }
0x20e: {  	[tilespmem:s16+$0xA0] =	vst v10;
	v10 =	vld [tilespmem:s15+$0x0];
	v21 =	vmpcnt.ones.xlane vm4;
	vm1 =	vgt.s32 v16, $0x0;
	vm2 =	veq.s32 v62, $0x10  }
0x20f: {  	[tilespmem:s16+$0xB0] =	vst v11;
	v11 =	vld [tilespmem:s15+$0xFFFFFF00];
	vm8 =	vgt.s32 v63, $0x0;
	v17 =	vmax.f32 v17, v37;
	vm5 =	veq.s32 v54, $0x10  }
0x210: {  	[tilespmem:s16+$0xC0] =	vst v13;
	v16 =	vld [tilespmem:s15+$0xFFFFFF90];
	vm9 =	vmand vm15, vm1;
	vm2 =	vmand vm2, vm8;
	v9 =	vmax.f32 v17, v40  }
0x211: {  	[tilespmem:s16+$0xE0] =	vst v60;
	v17 =	vld [tilespmem:s15+$0xFFFFFF80];
	vm12 =	vgt.s32 v21, $0x0;
	v41 =	vsel vm9, v41, v4;
	v60 =	vsel vm9, v42, v5  }
0x212: {  	[tilespmem:s16+$0xD0] =	vst v55;
	v21 =	vld [tilespmem:s15+$0x20];
	v44 =	vsel vm9, v44, v7;
	v63 =	vsel vm2, v18, v0;
	v52 =	vsel vm2, v12, v1  }
0x213: {  	v18 =	vld [tilespmem:s15+$0xFFFFFF40];
	v53 =	vsel vm2, v22, v2;
	v42 =	vsel vm2, v27, v3;
	v9 =	vmax.f32 v9, v39;
	[tilespmem:s16+$0xFFFFFF40] =	vst v41  }
0x214: {  	v12 =	vld [tilespmem:s15+$0xFFFFFFC0];
	v50 =	vsel vm2, v29, v4;
	v38 =	vsel vm2, v38, v6;
	[tilespmem:s16+$0xFFFFFF50] =	vst v60;
	v9 =	vmax.f32 v9, v59  }
0x215: {  	v29 =	vld [tilespmem:s15+$0x40];
	v45 =	vsel vm2, v45, v7;
	vm13 =	vmand vm5, vm12;
	[tilespmem:s16+$0xFFFFFF90] =	vst v52;
	v13 =	vmax.f32 v9, v61  }
0x216: {  	v22 =	vld [tilespmem:s15+$0xFFFFFF50];
	[tilespmem:s16+$0xFFFFFFA0] =	vst v53;
	vm10 =	vle.f32 v13, $1.000000000e+00;
	vm11 =	veq.f32 v13, $1.000000000e+00;
	v13 =	vsel vm9, v25, v0  }
0x217: {  	v60 =	vsel vm13, v15, v0;
	v53 =	vsel vm13, v24, v4;
	v9 =	vld [tilespmem:s15+$0x10];
	[tilespmem:s16+$0xFFFFFF00] =	vst v13;
	v13 =	vsel vm9, v23, v1  }
0x218: {  	v25 =	vld [tilespmem:s15+$0xFFFFFF20];
	v55 =	vmpcnt.ones.xlane vm10;
	v56 =	vmpcnt.ones.xlane vm11;
	[tilespmem:s16+$0xFFFFFF10] =	vst v13;
	v13 =	vsel vm9, v26, v2  }
0x219: {  	v52 =	vsel vm13, v32, v6;
	v54 =	vsel vm13, v33, v7;
	v57 =	vmax.f32 v17, v16;
	[tilespmem:s16+$0xFFFFFF20] =	vst v13;
	v13 =	vld [tilespmem:s15+$0xFFFFFF30]  }
0x21a: {  	[tilespmem:s16+$0xFFFFFF70] =	vst v44;
	v15 =	vld [tilespmem:s15+$0xFFFFFFD0];
	v26 =	vsel vm9, v28, v3;
	vm14 =	veq.s32 v55, $0x10;
	vm15 =	vgt.s32 v56, $0x0  }
0x21b: {  	v23 =	vld [tilespmem:s15+$0xFFFFFFA0];
	[tilespmem:s16+$0xFFFFFF30] =	vst v26;
	v26 =	vmax.f32 v11, v8;
	v56 =	vsel vm13, v19, v2;
	vm0 =	vmand vm14, vm15  }
0x21c: {  	[tilespmem:s16+$0xFFFFFF80] =	vst v63;
	v28 =	vld [tilespmem:s15+$0xFFFFFFB0];
	v55 =	vsel vm13, v30, v5;
	v58 =	vmax.f32 v10, v9;
	v46 =	vsel vm0, v61, v7  }
0x21d: {  	[tilespmem:s16+$0xFFFFFFB0] =	vst v42;
	v61 =	vsel vm9, v43, v6;
	v62 =	vmax.f32 v26, v25;
	v26 =	vld [tilespmem:s15+$0x30];
	v48 =	vmax.f32 v58, v21  }
0x21e: {  	[tilespmem:s16+$0xFFFFFFC0] =	vst v50;
	v43 =	vsel vm2, v31, v5;
	v58 =	vsel vm13, v14, v1;
	v31 =	vld [tilespmem:s15+$0x50];
	v27 =	vmax.f32 v62, v13  }
0x21f: {  	[tilespmem:s16+$0xFFFFFFE0] =	vst v38;
	v50 =	vsel vm0, v35, v0;
	v51 =	vsel vm0, v34, v1;
	v14 =	vmax.f32 v27, v18;
	v27 =	vld [tilespmem:s15+$0xFFFFFF60]  }
0x220: {  	[tilespmem:s16+$0xFFFFFFF0] =	vst v45;
	v49 =	vsel vm0, v37, v3;
	v47 =	vmax.f32 v57, v23;
	v57 =	vsel vm13, v20, v3;
	v20 =	vld [tilespmem:s15+$0xFFFFFFE0]  }
0x221: {  	v45 =	vsel vm0, v59, v6;
	[tilespmem:s15+$0xF0] =	vst v46;
	v44 =	vmax.f32 v47, v28;
	v63 =	vmax.f32 v14, v22;
	v14 =	vld [tilespmem:s15+$0x60]  }
0x222: {  	v30 =	vld [tilespmem:s15+$0xFFFFFF70];
	[tilespmem:s16+$0xFFFFFF60] =	vst v61;
	v46 =	vsel vm0, v40, v4;
	v19 =	vmax.f32 v44, v12;
	v61 =	vmax.f32 v48, v26  }
0x223: {  	v24 =	vld [tilespmem:s15+$0xFFFFFFF0];
	[tilespmem:s16+$0x0] =	vst v60;
	v47 =	vsel vm0, v39, v5;
	v33 =	vmax.f32 v19, v15;
	v62 =	vmax.f32 v61, v29  }
0x224: {  	s17 =	simm.s32 $0x4;
	s18 =	simm.s32 $0x6500;
	[tilespmem:s16+$0xFFFFFFD0] =	vst v43;
	v19 =	vld [tilespmem:s15+$0x70];
	v48 =	vsel vm0, v36, v2;
	v34 =	vmax.f32 v62, v31;
	v35 =	vmax.f32 v63, v27  }
.LBB2_9:
0x225: {  	v32 =	vld [tilespmem:s18+$0x80];
	v36 =	vmax.f32 v33, v20;
	[tilespmem:s16+$0x10] =	vst v58;
	v58 =	vmovc v25;
	v59 =	vmovc v23;
	v40 =	vmov v21;
	v60 =	vmov v28  }
0x226: {  	s17 =	sadd.s32 $0x4, s17;
	v41 =	vmovc v26;
	v42 =	vmov v29;
	v38 =	vmov v31;
	v33 =	vld [tilespmem:s18+$0x90];
	v21 =	vmax.f32 v34, v14;
	[tilespmem:s16+$0x20] =	vst v56  }
0x227: {  	p0 =	slt.u32 s17, $0x3C;
	v34 =	vld [tilespmem:s18+$0xA0];
	v23 =	vmax.f32 v35, v30;
	[tilespmem:s16+$0x30] =	vst v57  }
0x228: {  	v35 =	vld [tilespmem:s18+$0xB0];
	vm0 =	vle.f32 v23, $1.000000000e+00;
	vm1 =	veq.f32 v23, $1.000000000e+00;
	v23 =	vmax.f32 v36, v24;
	[tilespmem:s16+$0x40] =	vst v53  }
0x229: {  	v36 =	vld [tilespmem:s18+$0xC0];
	vm2 =	vle.f32 v23, $1.000000000e+00;
	vm3 =	veq.f32 v23, $1.000000000e+00;
	v21 =	vmax.f32 v21, v19;
	[tilespmem:s16+$0x50] =	vst v55  }
0x22a: {  	v23 =	vmpcnt.ones.xlane vm0;
	v37 =	vld [tilespmem:s18+$0xD0];
	vm0 =	vle.f32 v21, $1.000000000e+00;
	vm4 =	veq.f32 v21, $1.000000000e+00;
	[tilespmem:s16+$0x60] =	vst v52  }
0x22b: {  	v25 =	vmpcnt.ones.xlane vm1;
	v26 =	vmpcnt.ones.xlane vm2;
	v39 =	vld [tilespmem:s18+$0xE0];
	v21 =	vmax.f32 v32, v33;
	[tilespmem:s16+$0x70] =	vst v54;
	s16 =	smov.u32 s15;
	s15 =	smov.u32 s18  }
0x22c: {  	v28 =	vmpcnt.ones.xlane vm3;
	v31 =	vmpcnt.ones.xlane vm0;
	v29 =	vld [tilespmem:s18+$0xF0];
	v21 =	vmax.f32 v21, v34;
	[tilespmem:s16+$0x80] =	vst v50  }
0x22d: {  	vm0 =	veq.s32 v23, $0x10;
	v23 =	vmpcnt.ones.xlane vm4;
	v50 =	vld [tilespmem:s18+$0xFFFFFF10];
	v21 =	vmax.f32 v21, v35;
	[tilespmem:s16+$0x90] =	vst v51  }
0x22e: {  	vm1 =	vgt.s32 v25, $0x0;
	vm2 =	veq.s32 v26, $0x10;
	v43 =	vld [tilespmem:s18+$0xFFFFFF80];
	v21 =	vmax.f32 v21, v36;
	[tilespmem:s16+$0xA0] =	vst v48  }
0x22f: {  	vm4 =	vgt.s32 v28, $0x0;
	vm5 =	veq.s32 v31, $0x10;
	v44 =	vld [tilespmem:s18+$0xFFFFFF90];
	v21 =	vmax.f32 v21, v37;
	[tilespmem:s16+$0xB0] =	vst v49  }
0x230: {  	vm3 =	vmand vm0, vm1;
	vm0 =	vgt.s32 v23, $0x0;
	v61 =	vld [tilespmem:s18+$0x0];
	v21 =	vmax.f32 v21, v39;
	[tilespmem:s16+$0xC0] =	vst v46  }
0x231: {  	vm2 =	vmand vm2, vm4;
	vm0 =	vmand vm5, vm0;
	v62 =	vld [tilespmem:s18+$0x10];
	v21 =	vmax.f32 v21, v29;
	[tilespmem:s16+$0xD0] =	vst v47  }
0x232: {  	vm1 =	vle.f32 v21, $1.000000000e+00;
	vm4 =	veq.f32 v21, $1.000000000e+00;
	v21 =	vsel vm3, v11, v0;
	v11 =	vld [tilespmem:s18+$0xFFFFFF00];
	[tilespmem:s16+$0xE0] =	vst v45  }
0x233: {  	v25 =	vld [tilespmem:s18+$0xFFFFFF20];
	v26 =	vmpcnt.ones.xlane vm1;
	v28 =	vmpcnt.ones.xlane vm4;
	[tilespmem:s16+$0xFFFFFF00] =	vst v21;
	v21 =	vsel vm3, v8, v1;
	v8 =	vmovc v50  }
0x234: {  	v46 =	vsel vm3, v13, v3;
	v45 =	vsel vm3, v58, v2;
	v23 =	vld [tilespmem:s18+$0xFFFFFFA0];
	v31 =	vmax.f32 v43, v44;
	[tilespmem:s16+$0xFFFFFF10] =	vst v21  }
0x235: {  	v18 =	vsel vm3, v18, v4;
	v21 =	vld [tilespmem:s18+$0x20];
	vm1 =	veq.s32 v26, $0x10;
	vm4 =	vgt.s32 v28, $0x0;
	[tilespmem:s16+$0xFFFFFF20] =	vst v45  }
0x236: {  	v22 =	vsel vm3, v22, v5;
	v13 =	vld [tilespmem:s18+$0xFFFFFF30];
	v45 =	vmax.f32 v61, v62;
	vm1 =	vmand vm1, vm4;
	[tilespmem:s16+$0xFFFFFF30] =	vst v46  }
0x237: {  	v27 =	vsel vm3, v27, v6;
	v26 =	vmax.f32 v11, v8;
	v28 =	vld [tilespmem:s18+$0xFFFFFFB0];
	v29 =	vsel vm1, v29, v7;
	[tilespmem:s16+$0xFFFFFF40] =	vst v18  }
0x238: {  	v30 =	vsel vm3, v30, v7;
	v17 =	vsel vm2, v17, v0;
	v46 =	vmax.f32 v26, v25;
	v26 =	vld [tilespmem:s18+$0x30];
	[tilespmem:s18+$0xF0] =	vst v29  }
0x239: {  	v16 =	vsel vm2, v16, v1;
	v47 =	vsel vm2, v59, v2;
	v18 =	vld [tilespmem:s18+$0xFFFFFF40];
	v31 =	vmax.f32 v31, v23;
	[tilespmem:s16+$0xFFFFFF50] =	vst v22  }
0x23a: {  	v48 =	vsel vm2, v60, v3;
	v49 =	vsel vm2, v12, v4;
	v45 =	vmax.f32 v45, v21;
	[tilespmem:s16+$0xFFFFFF60] =	vst v27;
	v12 =	vld [tilespmem:s18+$0xFFFFFFC0]  }
0x23b: {  	v59 =	vsel vm2, v20, v6;
	v27 =	vmax.f32 v46, v13;
	v29 =	vld [tilespmem:s18+$0x40];
	[tilespmem:s16+$0xFFFFFF70] =	vst v30;
	v30 =	vsel vm2, v15, v5  }
0x23c: {  	v10 =	vsel vm0, v10, v0;
	v22 =	vld [tilespmem:s18+$0xFFFFFF50];
	v20 =	vmax.f32 v31, v28;
	[tilespmem:s16+$0xFFFFFF80] =	vst v17;
	v17 =	vsel vm2, v24, v7  }
0x23d: {  	v56 =	vsel vm0, v40, v2;
	v58 =	vsel vm0, v9, v1;
	v15 =	vld [tilespmem:s18+$0xFFFFFFD0];
	v24 =	vmax.f32 v45, v26;
	[tilespmem:s16+$0xFFFFFF90] =	vst v16  }
0x23e: {  	v57 =	vsel vm0, v41, v3;
	v53 =	vsel vm0, v42, v4;
	v9 =	vmax.f32 v27, v18;
	v31 =	vld [tilespmem:s18+$0x50];
	[tilespmem:s16+$0xFFFFFFA0] =	vst v47  }
0x23f: {  	v55 =	vsel vm0, v38, v5;
	v52 =	vsel vm0, v14, v6;
	v27 =	vld [tilespmem:s18+$0xFFFFFF60];
	v16 =	vmax.f32 v20, v12;
	[tilespmem:s16+$0xFFFFFFB0] =	vst v48  }
.Ltmp3:
0x240: {  	v54 =	vsel vm0, v19, v7;
	v50 =	vsel vm1, v32, v0;
	v20 =	vld [tilespmem:s18+$0xFFFFFFE0];
	v38 =	vmax.f32 v24, v29;
	[tilespmem:s16+$0xFFFFFFC0] =	vst v49;
	(pc) =	sbr.rel @p0 .LBB2_9-.Ltmp3, $4  }
0x241: {  	v51 =	vsel vm1, v33, v1;
	v48 =	vsel vm1, v34, v2;
	v9 =	vmax.f32 v9, v22;
	v14 =	vld [tilespmem:s18+$0x60];
	[tilespmem:s16+$0xFFFFFFD0] =	vst v30  }
0x242: {  	v46 =	vsel vm1, v36, v4;
	v49 =	vsel vm1, v35, v3;
	v30 =	vld [tilespmem:s18+$0xFFFFFF70];
	v33 =	vmax.f32 v16, v15;
	[tilespmem:s16+$0xFFFFFFE0] =	vst v59  }
0x243: {  	v45 =	vsel vm1, v39, v6;
	v47 =	vsel vm1, v37, v5;
	v24 =	vld [tilespmem:s18+$0xFFFFFFF0];
	v34 =	vmax.f32 v38, v31;
	[tilespmem:s16+$0xFFFFFFF0] =	vst v17  }
0x244: {  	v16 =	vmovc v44;
	s18 =	sadd.s32 $0x200, s18;
	v17 =	vmovc v43;
	v35 =	vmax.f32 v9, v27;
	v19 =	vld [tilespmem:s15+$0x70];
	[tilespmem:s16+$0x0] =	vst v10;
	v10 =	vmov v61;
	v9 =	vmov v62  }
0x245: {  	[tilespmem:s16+$0x10] =	vst v58  }
0x246: {  	[tilespmem:s16+$0x20] =	vst v56  }
0x247: {  	[tilespmem:s16+$0x30] =	vst v57  }
0x248: {  	[tilespmem:s16+$0x40] =	vst v53  }
0x249: {  	[tilespmem:s16+$0x50] =	vst v55  }
0x24a: {  	[tilespmem:s16+$0x60] =	vst v52  }
0x24b: {  	[tilespmem:s16+$0x70] =	vst v54  }
0x24c: {  	[tilespmem:s15+$0x80] =	vst v50;
	v32 =	vmax.f32 v35, v30  }
0x24d: {  	[tilespmem:s15+$0x90] =	vst v51;
	vm0 =	vle.f32 v32, $1.000000000e+00;
	vm1 =	veq.f32 v32, $1.000000000e+00  }
0x24e: {  	[tilespmem:s15+$0xA0] =	vst v48;
	v43 =	vmpcnt.ones.xlane vm0;
	v44 =	vmpcnt.ones.xlane vm1  }
0x24f: {  	[tilespmem:s15+$0xB0] =	vst v49  }
0x250: {  	[tilespmem:s15+$0xC0] =	vst v46;
	vm0 =	veq.s32 v43, $0x10;
	vm1 =	vgt.s32 v44, $0x0  }
0x251: {  	[tilespmem:s15+$0xD0] =	vst v47;
	vm0 =	vmand vm0, vm1  }
0x252: {  	[tilespmem:s15+$0xE0] =	vst v45;
	v11 =	vsel vm0, v11, v0  }
0x253: {  	v48 =	vmax.f32 v33, v20;
	v8 =	vsel vm0, v8, v1;
	[tilespmem:s15+$0xFFFFFF00] =	vst v11  }
0x254: {  	v18 =	vsel vm0, v18, v4;
	v11 =	vmax.f32 v48, v24;
	[tilespmem:s15+$0xFFFFFF10] =	vst v8  }
0x255: {  	v8 =	vsel vm0, v25, v2;
	[tilespmem:s15+$0xFFFFFF40] =	vst v18;
	vm6 =	vle.f32 v11, $1.000000000e+00;
	vm2 =	veq.f32 v11, $1.000000000e+00  }
0x256: {  	v11 =	vsel vm0, v13, v3;
	[tilespmem:s15+$0xFFFFFF20] =	vst v8;
	v8 =	vmpcnt.ones.xlane vm6;
	v13 =	vmpcnt.ones.xlane vm2  }
0x257: {  	[tilespmem:s15+$0xFFFFFF30] =	vst v11;
	v11 =	vsel vm0, v22, v5  }
0x258: {  	[tilespmem:s15+$0xFFFFFF50] =	vst v11;
	v11 =	vsel vm0, v30, v7;
	vm1 =	veq.s32 v8, $0x10;
	vm2 =	vgt.s32 v13, $0x0  }
0x259: {  	v8 =	vsel vm0, v27, v6;
	[tilespmem:s15+$0xFFFFFF70] =	vst v11;
	vm1 =	vmand vm1, vm2  }
0x25a: {  	[tilespmem:s15+$0xFFFFFF60] =	vst v8;
	v8 =	vsel vm1, v17, v0  }
0x25b: {  	v11 =	vmax.f32 v34, v14;
	v13 =	vsel vm1, v16, v1;
	[tilespmem:s15+$0xFFFFFF80] =	vst v8  }
0x25c: {  	v12 =	vsel vm1, v12, v4;
	v8 =	vmax.f32 v11, v19;
	[tilespmem:s15+$0xFFFFFF90] =	vst v13  }
0x25d: {  	v11 =	vsel vm1, v23, v2;
	[tilespmem:s15+$0xFFFFFFC0] =	vst v12;
	vm7 =	vle.f32 v8, $1.000000000e+00;
	vm8 =	veq.f32 v8, $1.000000000e+00  }
0x25e: {  	v8 =	vsel vm1, v28, v3;
	[tilespmem:s15+$0xFFFFFFA0] =	vst v11;
	v11 =	vmpcnt.ones.xlane vm7;
	v13 =	vmpcnt.ones.xlane vm8  }
0x25f: {  	[tilespmem:s15+$0xFFFFFFB0] =	vst v8;
	v8 =	vsel vm1, v15, v5  }
0x260: {  	[tilespmem:s15+$0xFFFFFFD0] =	vst v8;
	v8 =	vsel vm1, v24, v7;
	vm0 =	veq.s32 v11, $0x10;
	vm2 =	vgt.s32 v13, $0x0  }
0x261: {  	v11 =	vsel vm1, v20, v6;
	[tilespmem:s15+$0xFFFFFFF0] =	vst v8;
	vm0 =	vmand vm0, vm2  }
0x262: {  	[tilespmem:s15+$0xFFFFFFE0] =	vst v11;
	v10 =	vsel vm0, v10, v0  }
0x263: {  	v8 =	vsel vm0, v9, v1;
	[tilespmem:s15+$0x0] =	vst v10  }
0x264: {  	v9 =	vsel vm0, v21, v2;
	[tilespmem:s15+$0x10] =	vst v8  }
0x265: {  	v8 =	vsel vm0, v26, v3;
	[tilespmem:s15+$0x20] =	vst v9  }
0x266: {  	v9 =	vsel vm0, v29, v4;
	[tilespmem:s15+$0x30] =	vst v8  }
0x267: {  	v8 =	vsel vm0, v31, v5;
	[tilespmem:s15+$0x40] =	vst v9  }
0x268: {  	v9 =	vsel vm0, v14, v6;
	[tilespmem:s15+$0x50] =	vst v8  }
0x269: {  	v8 =	vsel vm0, v19, v7;
	[tilespmem:s15+$0x60] =	vst v9  }
0x26a: {  	s14 =	sadd.s32 $0xC00, s14;
	s18 =	simm.s32 $0x6000;
	[tilespmem:s15+$0x70] =	vst v8  }
0x26b: {  	[hbm4b:s14+s5] =	stream.linear.scatter [tilespmem:s18], [sflag:$0xC], $0x2000, $0x38;
	[tilespmem:$0x10080] =	vst v63  }
0x26c: {  	_ =	swait.ge [sflag:s21], $0x2000  }
0x26d: {  	p0 =	seq.s32 s24, $0xF;
	[sflag:s21] =	ssyncset.done $0x0;
	s14 =	rddreg [dreg:$0xd]  }
0x26e: {  	s15 =	simm.s32 @!p0 $0x0;
	[sflag:s21] =	ssyncadd.s32 $0xFFFFE000;
	s14 =	sadd.s32 @!p0 s25, s14  }
0x26f: {  	[tilespmem:s15], [sflag:$0x1] =	stream.linear.gather @!p0 [hbm4b:s14+s15], $0x2000, $0x38;
	[tilespmem:$0x10080] =	vst v63  }
0x270: {  	_ =	swait.ge [sflag:s8], $0x2000  }
0x271: {  	[sflag:s8] =	ssyncset.done $0x0  }
0x272: {  	s15 =	simm.s32 $0x8100;
	[sflag:s8] =	ssyncadd.s32 $0xFFFFE000  }
0x273: {  	v8 =	vld [tilespmem:s15+$0x80]  }
0x274: {  	v9 =	vld [tilespmem:s15+$0x90]  }
0x275: {  	v10 =	vld [tilespmem:s15+$0xA0]  }
0x276: {  	v11 =	vld [tilespmem:s15+$0xB0]  }
0x277: {  	v13 =	vld [tilespmem:s15+$0xC0]  }
0x278: {  	v16 =	vld [tilespmem:s15+$0xD0]  }
0x279: {  	v17 =	vld [tilespmem:s15+$0xE0]  }
0x27a: {  	v21 =	vld [tilespmem:s15+$0xF0]  }
0x27b: {  	v23 =	vld [tilespmem:s15+$0xFFFFFF10]  }
0x27c: {  	v18 =	vld [tilespmem:s15+$0xFFFFFF80]  }
0x27d: {  	v12 =	vld [tilespmem:s15+$0xFFFFFF90]  }
0x27e: {  	v15 =	vld [tilespmem:s15+$0x0]  }
0x27f: {  	v14 =	vld [tilespmem:s15+$0x10]  }
0x280: {  	v25 =	vld [tilespmem:s15+$0xFFFFFF00]  }
0x281: {  	v26 =	vld [tilespmem:s15+$0xFFFFFF20]  }
0x282: {  	v22 =	vld [tilespmem:s15+$0xFFFFFFA0]  }
0x283: {  	v19 =	vld [tilespmem:s15+$0x20]  }
0x284: {  	v28 =	vld [tilespmem:s15+$0xFFFFFF30]  }
0x285: {  	v27 =	vld [tilespmem:s15+$0xFFFFFFB0]  }
0x286: {  	v41 =	vld [tilespmem:s15+$0xFFFFFF40];
	v20 =	vmax.f32 v8, v9  }
0x287: {  	v29 =	vld [tilespmem:s15+$0xFFFFFFC0];
	v20 =	vmax.f32 v20, v10  }
0x288: {  	v42 =	vld [tilespmem:s15+$0xFFFFFF50];
	v20 =	vmax.f32 v20, v11  }
0x289: {  	v31 =	vld [tilespmem:s15+$0xFFFFFFD0];
	v24 =	vmax.f32 v20, v13  }
0x28a: {  	v43 =	vld [tilespmem:s15+$0xFFFFFF60];
	v51 =	vmax.f32 v18, v12;
	v24 =	vmax.f32 v24, v16  }
0x28b: {  	v38 =	vld [tilespmem:s15+$0xFFFFFFE0];
	v52 =	vmax.f32 v15, v14;
	v53 =	vmax.f32 v25, v23;
	v24 =	vmax.f32 v24, v17  }
0x28c: {  	v35 =	vmax.f32 v53, v26;
	v33 =	vmax.f32 v51, v22;
	v20 =	vld [tilespmem:s15+$0x30];
	v30 =	vmax.f32 v24, v21  }
0x28d: {  	v35 =	vmax.f32 v35, v28;
	v24 =	vld [tilespmem:s15+$0x40];
	vm9 =	vle.f32 v30, $1.000000000e+00;
	vm10 =	veq.f32 v30, $1.000000000e+00  }
0x28e: {  	v32 =	vld [tilespmem:s15+$0x60];
	v33 =	vmax.f32 v33, v27;
	v49 =	vmpcnt.ones.xlane vm9;
	v50 =	vmpcnt.ones.xlane vm10  }
0x28f: {  	v34 =	vmax.f32 v52, v19;
	v35 =	vmax.f32 v35, v41;
	v36 =	vmax.f32 v33, v29;
	v30 =	vld [tilespmem:s15+$0x50]  }
0x290: {  	v44 =	vld [tilespmem:s15+$0xFFFFFF70];
	v39 =	vmax.f32 v35, v42;
	vm0 =	veq.s32 v49, $0x10;
	vm1 =	vgt.s32 v50, $0x0  }
0x291: {  	s14 =	simm.s32 $0x8300;
	v45 =	vld [tilespmem:s15+$0xFFFFFFF0];
	v40 =	vmax.f32 v36, v31;
	v34 =	vmax.f32 v34, v20;
	vm0 =	vmand vm0, vm1  }
0x292: {  	v59 =	vld [tilespmem:s14+$0xE0];
	v37 =	vmax.f32 v34, v24;
	v21 =	vsel vm0, v21, v7;
	v8 =	vsel vm0, v8, v0  }
0x293: {  	v33 =	vld [tilespmem:s15+$0x70];
	v9 =	vsel vm0, v9, v1;
	v10 =	vsel vm0, v10, v2;
	v11 =	vsel vm0, v11, v3  }
0x294: {  	v35 =	vld [tilespmem:s14+$0x80];
	v13 =	vsel vm0, v13, v4;
	v54 =	vmax.f32 v37, v30;
	v55 =	vsel vm0, v16, v5  }
0x295: {  	v34 =	vld [tilespmem:s14+$0x90];
	v60 =	vsel vm0, v17, v6;
	v16 =	vmax.f32 v39, v43;
	v17 =	vmax.f32 v40, v38  }
0x296: {  	v36 =	vld [tilespmem:s14+$0xA0];
	v46 =	vmax.f32 v54, v32;
	v16 =	vmax.f32 v16, v44;
	v17 =	vmax.f32 v17, v45  }
0x297: {  	v61 =	vld [tilespmem:s14+$0xF0];
	vm11 =	vle.f32 v16, $1.000000000e+00;
	vm12 =	veq.f32 v16, $1.000000000e+00;
	vm13 =	vle.f32 v17, $1.000000000e+00  }
0x298: {  	v37 =	vld [tilespmem:s14+$0xB0];
	[tilespmem:s15+$0xF0] =	vst v21;
	vm3 =	veq.f32 v17, $1.000000000e+00;
	v16 =	vmax.f32 v46, v33;
	v21 =	vmpcnt.ones.xlane vm11  }
0x299: {  	v40 =	vld [tilespmem:s14+$0xC0];
	vm14 =	vle.f32 v16, $1.000000000e+00;
	vm4 =	veq.f32 v16, $1.000000000e+00;
	v16 =	vmpcnt.ones.xlane vm12  }
0x29a: {  	v39 =	vld [tilespmem:s14+$0xD0];
	[tilespmem:s15+$0x80] =	vst v8;
	v62 =	vmpcnt.ones.xlane vm13;
	v63 =	vmpcnt.ones.xlane vm3;
	v17 =	vmax.f32 v35, v34  }
0x29b: {  	v8 =	vld [tilespmem:s14+$0xFFFFFF10];
	[tilespmem:s15+$0x90] =	vst v9;
	v54 =	vmpcnt.ones.xlane vm14;
	v17 =	vmax.f32 v17, v36;
	vm15 =	veq.s32 v21, $0x10  }
0x29c: {  	[tilespmem:s15+$0xA0] =	vst v10;
	v10 =	vld [tilespmem:s14+$0x0];
	v21 =	vmpcnt.ones.xlane vm4;
	vm1 =	vgt.s32 v16, $0x0;
	vm2 =	veq.s32 v62, $0x10  }
0x29d: {  	[tilespmem:s15+$0xB0] =	vst v11;
	v11 =	vld [tilespmem:s14+$0xFFFFFF00];
	vm8 =	vgt.s32 v63, $0x0;
	v17 =	vmax.f32 v17, v37;
	vm5 =	veq.s32 v54, $0x10  }
0x29e: {  	[tilespmem:s15+$0xC0] =	vst v13;
	v16 =	vld [tilespmem:s14+$0xFFFFFF90];
	vm9 =	vmand vm15, vm1;
	vm2 =	vmand vm2, vm8;
	v9 =	vmax.f32 v17, v40  }
0x29f: {  	[tilespmem:s15+$0xE0] =	vst v60;
	v17 =	vld [tilespmem:s14+$0xFFFFFF80];
	vm12 =	vgt.s32 v21, $0x0;
	v41 =	vsel vm9, v41, v4;
	v60 =	vsel vm9, v42, v5  }
0x2a0: {  	[tilespmem:s15+$0xD0] =	vst v55;
	v21 =	vld [tilespmem:s14+$0x20];
	v44 =	vsel vm9, v44, v7;
	v63 =	vsel vm2, v18, v0;
	v52 =	vsel vm2, v12, v1  }
0x2a1: {  	v18 =	vld [tilespmem:s14+$0xFFFFFF40];
	v53 =	vsel vm2, v22, v2;
	v42 =	vsel vm2, v27, v3;
	v9 =	vmax.f32 v9, v39;
	[tilespmem:s15+$0xFFFFFF40] =	vst v41  }
0x2a2: {  	v12 =	vld [tilespmem:s14+$0xFFFFFFC0];
	v50 =	vsel vm2, v29, v4;
	v38 =	vsel vm2, v38, v6;
	[tilespmem:s15+$0xFFFFFF50] =	vst v60;
	v9 =	vmax.f32 v9, v59  }
0x2a3: {  	v29 =	vld [tilespmem:s14+$0x40];
	v45 =	vsel vm2, v45, v7;
	vm13 =	vmand vm5, vm12;
	[tilespmem:s15+$0xFFFFFF90] =	vst v52;
	v13 =	vmax.f32 v9, v61  }
0x2a4: {  	v22 =	vld [tilespmem:s14+$0xFFFFFF50];
	[tilespmem:s15+$0xFFFFFFA0] =	vst v53;
	vm10 =	vle.f32 v13, $1.000000000e+00;
	vm11 =	veq.f32 v13, $1.000000000e+00;
	v13 =	vsel vm9, v25, v0  }
0x2a5: {  	v60 =	vsel vm13, v15, v0;
	v53 =	vsel vm13, v24, v4;
	v9 =	vld [tilespmem:s14+$0x10];
	[tilespmem:s15+$0xFFFFFF00] =	vst v13;
	v13 =	vsel vm9, v23, v1  }
0x2a6: {  	v25 =	vld [tilespmem:s14+$0xFFFFFF20];
	v55 =	vmpcnt.ones.xlane vm10;
	v56 =	vmpcnt.ones.xlane vm11;
	[tilespmem:s15+$0xFFFFFF10] =	vst v13;
	v13 =	vsel vm9, v26, v2  }
0x2a7: {  	v52 =	vsel vm13, v32, v6;
	v54 =	vsel vm13, v33, v7;
	v57 =	vmax.f32 v17, v16;
	[tilespmem:s15+$0xFFFFFF20] =	vst v13;
	v13 =	vld [tilespmem:s14+$0xFFFFFF30]  }
0x2a8: {  	[tilespmem:s15+$0xFFFFFF70] =	vst v44;
	v15 =	vld [tilespmem:s14+$0xFFFFFFD0];
	v26 =	vsel vm9, v28, v3;
	vm14 =	veq.s32 v55, $0x10;
	vm15 =	vgt.s32 v56, $0x0  }
0x2a9: {  	v23 =	vld [tilespmem:s14+$0xFFFFFFA0];
	[tilespmem:s15+$0xFFFFFF30] =	vst v26;
	v26 =	vmax.f32 v11, v8;
	v56 =	vsel vm13, v19, v2;
	vm0 =	vmand vm14, vm15  }
0x2aa: {  	[tilespmem:s15+$0xFFFFFF80] =	vst v63;
	v28 =	vld [tilespmem:s14+$0xFFFFFFB0];
	v55 =	vsel vm13, v30, v5;
	v58 =	vmax.f32 v10, v9;
	v46 =	vsel vm0, v61, v7  }
0x2ab: {  	[tilespmem:s15+$0xFFFFFFB0] =	vst v42;
	v61 =	vsel vm9, v43, v6;
	v62 =	vmax.f32 v26, v25;
	v26 =	vld [tilespmem:s14+$0x30];
	v48 =	vmax.f32 v58, v21  }
0x2ac: {  	[tilespmem:s15+$0xFFFFFFC0] =	vst v50;
	v43 =	vsel vm2, v31, v5;
	v58 =	vsel vm13, v14, v1;
	v31 =	vld [tilespmem:s14+$0x50];
	v27 =	vmax.f32 v62, v13  }
0x2ad: {  	[tilespmem:s15+$0xFFFFFFE0] =	vst v38;
	v50 =	vsel vm0, v35, v0;
	v51 =	vsel vm0, v34, v1;
	v14 =	vmax.f32 v27, v18;
	v27 =	vld [tilespmem:s14+$0xFFFFFF60]  }
0x2ae: {  	[tilespmem:s15+$0xFFFFFFF0] =	vst v45;
	v49 =	vsel vm0, v37, v3;
	v47 =	vmax.f32 v57, v23;
	v57 =	vsel vm13, v20, v3;
	v20 =	vld [tilespmem:s14+$0xFFFFFFE0]  }
0x2af: {  	v45 =	vsel vm0, v59, v6;
	[tilespmem:s14+$0xF0] =	vst v46;
	v44 =	vmax.f32 v47, v28;
	v63 =	vmax.f32 v14, v22;
	v14 =	vld [tilespmem:s14+$0x60]  }
0x2b0: {  	v30 =	vld [tilespmem:s14+$0xFFFFFF70];
	[tilespmem:s15+$0xFFFFFF60] =	vst v61;
	v46 =	vsel vm0, v40, v4;
	v19 =	vmax.f32 v44, v12;
	v61 =	vmax.f32 v48, v26  }
0x2b1: {  	v24 =	vld [tilespmem:s14+$0xFFFFFFF0];
	[tilespmem:s15+$0x0] =	vst v60;
	v47 =	vsel vm0, v39, v5;
	v33 =	vmax.f32 v19, v15;
	v62 =	vmax.f32 v61, v29  }
0x2b2: {  	s16 =	simm.s32 $0x4;
	s17 =	simm.s32 $0x8500;
	[tilespmem:s15+$0xFFFFFFD0] =	vst v43;
	v19 =	vld [tilespmem:s14+$0x70];
	v48 =	vsel vm0, v36, v2;
	v34 =	vmax.f32 v62, v31;
	v35 =	vmax.f32 v63, v27  }
.LBB2_11:
0x2b3: {  	v32 =	vld [tilespmem:s17+$0x80];
	v36 =	vmax.f32 v33, v20;
	[tilespmem:s15+$0x10] =	vst v58;
	v58 =	vmovc v25;
	v59 =	vmovc v23;
	v40 =	vmov v21;
	v60 =	vmov v28  }
0x2b4: {  	s16 =	sadd.s32 $0x4, s16;
	v41 =	vmovc v26;
	v42 =	vmov v29;
	v38 =	vmov v31;
	v33 =	vld [tilespmem:s17+$0x90];
	v21 =	vmax.f32 v34, v14;
	[tilespmem:s15+$0x20] =	vst v56  }
0x2b5: {  	p1 =	slt.u32 s16, $0x3C;
	v34 =	vld [tilespmem:s17+$0xA0];
	v23 =	vmax.f32 v35, v30;
	[tilespmem:s15+$0x30] =	vst v57  }
0x2b6: {  	v35 =	vld [tilespmem:s17+$0xB0];
	vm0 =	vle.f32 v23, $1.000000000e+00;
	vm1 =	veq.f32 v23, $1.000000000e+00;
	v23 =	vmax.f32 v36, v24;
	[tilespmem:s15+$0x40] =	vst v53  }
0x2b7: {  	v36 =	vld [tilespmem:s17+$0xC0];
	vm2 =	vle.f32 v23, $1.000000000e+00;
	vm3 =	veq.f32 v23, $1.000000000e+00;
	v21 =	vmax.f32 v21, v19;
	[tilespmem:s15+$0x50] =	vst v55  }
0x2b8: {  	v23 =	vmpcnt.ones.xlane vm0;
	v37 =	vld [tilespmem:s17+$0xD0];
	vm0 =	vle.f32 v21, $1.000000000e+00;
	vm4 =	veq.f32 v21, $1.000000000e+00;
	[tilespmem:s15+$0x60] =	vst v52  }
0x2b9: {  	v25 =	vmpcnt.ones.xlane vm1;
	v26 =	vmpcnt.ones.xlane vm2;
	v39 =	vld [tilespmem:s17+$0xE0];
	v21 =	vmax.f32 v32, v33;
	[tilespmem:s15+$0x70] =	vst v54;
	s15 =	smov.u32 s14;
	s14 =	smov.u32 s17  }
0x2ba: {  	v28 =	vmpcnt.ones.xlane vm3;
	v31 =	vmpcnt.ones.xlane vm0;
	v29 =	vld [tilespmem:s17+$0xF0];
	v21 =	vmax.f32 v21, v34;
	[tilespmem:s15+$0x80] =	vst v50  }
0x2bb: {  	vm0 =	veq.s32 v23, $0x10;
	v23 =	vmpcnt.ones.xlane vm4;
	v50 =	vld [tilespmem:s17+$0xFFFFFF10];
	v21 =	vmax.f32 v21, v35;
	[tilespmem:s15+$0x90] =	vst v51  }
0x2bc: {  	vm1 =	vgt.s32 v25, $0x0;
	vm2 =	veq.s32 v26, $0x10;
	v43 =	vld [tilespmem:s17+$0xFFFFFF80];
	v21 =	vmax.f32 v21, v36;
	[tilespmem:s15+$0xA0] =	vst v48  }
0x2bd: {  	vm4 =	vgt.s32 v28, $0x0;
	vm5 =	veq.s32 v31, $0x10;
	v44 =	vld [tilespmem:s17+$0xFFFFFF90];
	v21 =	vmax.f32 v21, v37;
	[tilespmem:s15+$0xB0] =	vst v49  }
0x2be: {  	vm3 =	vmand vm0, vm1;
	vm0 =	vgt.s32 v23, $0x0;
	v61 =	vld [tilespmem:s17+$0x0];
	v21 =	vmax.f32 v21, v39;
	[tilespmem:s15+$0xC0] =	vst v46  }
0x2bf: {  	vm2 =	vmand vm2, vm4;
	vm0 =	vmand vm5, vm0;
	v62 =	vld [tilespmem:s17+$0x10];
	v21 =	vmax.f32 v21, v29;
	[tilespmem:s15+$0xD0] =	vst v47  }
0x2c0: {  	vm1 =	vle.f32 v21, $1.000000000e+00;
	vm4 =	veq.f32 v21, $1.000000000e+00;
	v21 =	vsel vm3, v11, v0;
	v11 =	vld [tilespmem:s17+$0xFFFFFF00];
	[tilespmem:s15+$0xE0] =	vst v45  }
0x2c1: {  	v25 =	vld [tilespmem:s17+$0xFFFFFF20];
	v26 =	vmpcnt.ones.xlane vm1;
	v28 =	vmpcnt.ones.xlane vm4;
	[tilespmem:s15+$0xFFFFFF00] =	vst v21;
	v21 =	vsel vm3, v8, v1;
	v8 =	vmovc v50  }
0x2c2: {  	v46 =	vsel vm3, v13, v3;
	v45 =	vsel vm3, v58, v2;
	v23 =	vld [tilespmem:s17+$0xFFFFFFA0];
	v31 =	vmax.f32 v43, v44;
	[tilespmem:s15+$0xFFFFFF10] =	vst v21  }
0x2c3: {  	v18 =	vsel vm3, v18, v4;
	v21 =	vld [tilespmem:s17+$0x20];
	vm1 =	veq.s32 v26, $0x10;
	vm4 =	vgt.s32 v28, $0x0;
	[tilespmem:s15+$0xFFFFFF20] =	vst v45  }
0x2c4: {  	v22 =	vsel vm3, v22, v5;
	v13 =	vld [tilespmem:s17+$0xFFFFFF30];
	v45 =	vmax.f32 v61, v62;
	vm1 =	vmand vm1, vm4;
	[tilespmem:s15+$0xFFFFFF30] =	vst v46  }
0x2c5: {  	v27 =	vsel vm3, v27, v6;
	v26 =	vmax.f32 v11, v8;
	v28 =	vld [tilespmem:s17+$0xFFFFFFB0];
	v29 =	vsel vm1, v29, v7;
	[tilespmem:s15+$0xFFFFFF40] =	vst v18  }
0x2c6: {  	v30 =	vsel vm3, v30, v7;
	v17 =	vsel vm2, v17, v0;
	v46 =	vmax.f32 v26, v25;
	v26 =	vld [tilespmem:s17+$0x30];
	[tilespmem:s17+$0xF0] =	vst v29  }
0x2c7: {  	v16 =	vsel vm2, v16, v1;
	v47 =	vsel vm2, v59, v2;
	v18 =	vld [tilespmem:s17+$0xFFFFFF40];
	v31 =	vmax.f32 v31, v23;
	[tilespmem:s15+$0xFFFFFF50] =	vst v22  }
0x2c8: {  	v48 =	vsel vm2, v60, v3;
	v49 =	vsel vm2, v12, v4;
	v45 =	vmax.f32 v45, v21;
	[tilespmem:s15+$0xFFFFFF60] =	vst v27;
	v12 =	vld [tilespmem:s17+$0xFFFFFFC0]  }
0x2c9: {  	v59 =	vsel vm2, v20, v6;
	v27 =	vmax.f32 v46, v13;
	v29 =	vld [tilespmem:s17+$0x40];
	[tilespmem:s15+$0xFFFFFF70] =	vst v30;
	v30 =	vsel vm2, v15, v5  }
0x2ca: {  	v10 =	vsel vm0, v10, v0;
	v22 =	vld [tilespmem:s17+$0xFFFFFF50];
	v20 =	vmax.f32 v31, v28;
	[tilespmem:s15+$0xFFFFFF80] =	vst v17;
	v17 =	vsel vm2, v24, v7  }
0x2cb: {  	v56 =	vsel vm0, v40, v2;
	v58 =	vsel vm0, v9, v1;
	v15 =	vld [tilespmem:s17+$0xFFFFFFD0];
	v24 =	vmax.f32 v45, v26;
	[tilespmem:s15+$0xFFFFFF90] =	vst v16  }
0x2cc: {  	v57 =	vsel vm0, v41, v3;
	v53 =	vsel vm0, v42, v4;
	v9 =	vmax.f32 v27, v18;
	v31 =	vld [tilespmem:s17+$0x50];
	[tilespmem:s15+$0xFFFFFFA0] =	vst v47  }
0x2cd: {  	v55 =	vsel vm0, v38, v5;
	v52 =	vsel vm0, v14, v6;
	v27 =	vld [tilespmem:s17+$0xFFFFFF60];
	v16 =	vmax.f32 v20, v12;
	[tilespmem:s15+$0xFFFFFFB0] =	vst v48  }
.Ltmp4:
0x2ce: {  	v54 =	vsel vm0, v19, v7;
	v50 =	vsel vm1, v32, v0;
	v20 =	vld [tilespmem:s17+$0xFFFFFFE0];
	v38 =	vmax.f32 v24, v29;
	[tilespmem:s15+$0xFFFFFFC0] =	vst v49;
	(pc) =	sbr.rel @p1 .LBB2_11-.Ltmp4, $4  }
0x2cf: {  	v51 =	vsel vm1, v33, v1;
	v48 =	vsel vm1, v34, v2;
	v9 =	vmax.f32 v9, v22;
	v14 =	vld [tilespmem:s17+$0x60];
	[tilespmem:s15+$0xFFFFFFD0] =	vst v30  }
0x2d0: {  	v46 =	vsel vm1, v36, v4;
	v49 =	vsel vm1, v35, v3;
	v30 =	vld [tilespmem:s17+$0xFFFFFF70];
	v33 =	vmax.f32 v16, v15;
	[tilespmem:s15+$0xFFFFFFE0] =	vst v59  }
0x2d1: {  	v45 =	vsel vm1, v39, v6;
	v47 =	vsel vm1, v37, v5;
	v24 =	vld [tilespmem:s17+$0xFFFFFFF0];
	v34 =	vmax.f32 v38, v31;
	[tilespmem:s15+$0xFFFFFFF0] =	vst v17  }
0x2d2: {  	v16 =	vmovc v44;
	s17 =	sadd.s32 $0x200, s17;
	v17 =	vmovc v43;
	v35 =	vmax.f32 v9, v27;
	v19 =	vld [tilespmem:s14+$0x70];
	[tilespmem:s15+$0x0] =	vst v10;
	v10 =	vmov v61;
	v9 =	vmov v62  }
0x2d3: {  	[tilespmem:s15+$0x10] =	vst v58  }
0x2d4: {  	[tilespmem:s15+$0x20] =	vst v56  }
0x2d5: {  	[tilespmem:s15+$0x30] =	vst v57  }
0x2d6: {  	[tilespmem:s15+$0x40] =	vst v53  }
0x2d7: {  	[tilespmem:s15+$0x50] =	vst v55  }
0x2d8: {  	[tilespmem:s15+$0x60] =	vst v52  }
0x2d9: {  	[tilespmem:s15+$0x70] =	vst v54  }
0x2da: {  	[tilespmem:s14+$0x80] =	vst v50;
	v32 =	vmax.f32 v35, v30  }
0x2db: {  	[tilespmem:s14+$0x90] =	vst v51;
	vm0 =	vle.f32 v32, $1.000000000e+00;
	vm1 =	veq.f32 v32, $1.000000000e+00  }
0x2dc: {  	[tilespmem:s14+$0xA0] =	vst v48;
	v43 =	vmpcnt.ones.xlane vm0;
	v44 =	vmpcnt.ones.xlane vm1  }
0x2dd: {  	[tilespmem:s14+$0xB0] =	vst v49  }
0x2de: {  	[tilespmem:s14+$0xC0] =	vst v46;
	vm0 =	veq.s32 v43, $0x10;
	vm1 =	vgt.s32 v44, $0x0  }
0x2df: {  	[tilespmem:s14+$0xD0] =	vst v47;
	vm0 =	vmand vm0, vm1  }
0x2e0: {  	[tilespmem:s14+$0xE0] =	vst v45;
	v11 =	vsel vm0, v11, v0  }
0x2e1: {  	v48 =	vmax.f32 v33, v20;
	v8 =	vsel vm0, v8, v1;
	[tilespmem:s14+$0xFFFFFF00] =	vst v11  }
0x2e2: {  	v18 =	vsel vm0, v18, v4;
	v11 =	vmax.f32 v48, v24;
	[tilespmem:s14+$0xFFFFFF10] =	vst v8  }
0x2e3: {  	v8 =	vsel vm0, v25, v2;
	[tilespmem:s14+$0xFFFFFF40] =	vst v18;
	vm6 =	vle.f32 v11, $1.000000000e+00;
	vm2 =	veq.f32 v11, $1.000000000e+00  }
0x2e4: {  	v11 =	vsel vm0, v13, v3;
	[tilespmem:s14+$0xFFFFFF20] =	vst v8;
	v8 =	vmpcnt.ones.xlane vm6;
	v13 =	vmpcnt.ones.xlane vm2  }
0x2e5: {  	[tilespmem:s14+$0xFFFFFF30] =	vst v11;
	v11 =	vsel vm0, v22, v5  }
0x2e6: {  	[tilespmem:s14+$0xFFFFFF50] =	vst v11;
	v11 =	vsel vm0, v30, v7;
	vm1 =	veq.s32 v8, $0x10;
	vm2 =	vgt.s32 v13, $0x0  }
0x2e7: {  	v8 =	vsel vm0, v27, v6;
	[tilespmem:s14+$0xFFFFFF70] =	vst v11;
	vm1 =	vmand vm1, vm2  }
0x2e8: {  	[tilespmem:s14+$0xFFFFFF60] =	vst v8;
	v8 =	vsel vm1, v17, v0  }
0x2e9: {  	v11 =	vmax.f32 v34, v14;
	v13 =	vsel vm1, v16, v1;
	[tilespmem:s14+$0xFFFFFF80] =	vst v8  }
0x2ea: {  	v12 =	vsel vm1, v12, v4;
	v8 =	vmax.f32 v11, v19;
	[tilespmem:s14+$0xFFFFFF90] =	vst v13  }
0x2eb: {  	v11 =	vsel vm1, v23, v2;
	[tilespmem:s14+$0xFFFFFFC0] =	vst v12;
	vm7 =	vle.f32 v8, $1.000000000e+00;
	vm8 =	veq.f32 v8, $1.000000000e+00  }
0x2ec: {  	v8 =	vsel vm1, v28, v3;
	[tilespmem:s14+$0xFFFFFFA0] =	vst v11;
	v11 =	vmpcnt.ones.xlane vm7;
	v13 =	vmpcnt.ones.xlane vm8  }
0x2ed: {  	[tilespmem:s14+$0xFFFFFFB0] =	vst v8;
	v8 =	vsel vm1, v15, v5  }
0x2ee: {  	[tilespmem:s14+$0xFFFFFFD0] =	vst v8;
	v8 =	vsel vm1, v24, v7;
	vm0 =	veq.s32 v11, $0x10;
	vm2 =	vgt.s32 v13, $0x0  }
0x2ef: {  	v11 =	vsel vm1, v20, v6;
	[tilespmem:s14+$0xFFFFFFF0] =	vst v8;
	vm0 =	vmand vm0, vm2  }
0x2f0: {  	[tilespmem:s14+$0xFFFFFFE0] =	vst v11;
	v10 =	vsel vm0, v10, v0  }
0x2f1: {  	v8 =	vsel vm0, v9, v1;
	[tilespmem:s14+$0x0] =	vst v10  }
0x2f2: {  	v9 =	vsel vm0, v21, v2;
	[tilespmem:s14+$0x10] =	vst v8  }
0x2f3: {  	v8 =	vsel vm0, v26, v3;
	[tilespmem:s14+$0x20] =	vst v9  }
0x2f4: {  	v9 =	vsel vm0, v29, v4;
	[tilespmem:s14+$0x30] =	vst v8  }
0x2f5: {  	v8 =	vsel vm0, v31, v5;
	[tilespmem:s14+$0x40] =	vst v9  }
0x2f6: {  	v9 =	vsel vm0, v14, v6;
	[tilespmem:s14+$0x50] =	vst v8  }
0x2f7: {  	v8 =	vsel vm0, v19, v7;
	[tilespmem:s14+$0x60] =	vst v9  }
0x2f8: {  	s6 =	sadd.s32 s4, s6;
	[tilespmem:s14+$0x70] =	vst v8  }
0x2f9: {  	[hbm4b:s6+s5] =	stream.linear.scatter [tilespmem:s26], [sflag:$0xD], $0x2000, $0x38;
	[tilespmem:$0x10080] =	vst v63  }
0x2fa: {  	_ =	swait.ge [sflag:s9], $0x2000  }
0x2fb: {  	s15 =	simm.s32 @!p0 $0x2000;
	[sflag:s9] =	ssyncset.done $0x0;
	s6 =	rddreg [dreg:$0xe]  }
0x2fc: {  	s14 =	simm.s32 @!p0 $0x0;
	[sflag:s9] =	ssyncadd.s32 $0xFFFFE000;
	s6 =	sadd.s32 @!p0 s25, s6  }
0x2fd: {  	[tilespmem:s15], [sflag:$0x2] =	stream.linear.gather @!p0 [hbm4b:s6+s14], $0x2000, $0x38;
	[tilespmem:$0x10080] =	vst v63  }
0x2fe: {  	_ =	swait.ge [sflag:s10], $0x2000  }
0x2ff: {  	[sflag:s10] =	ssyncset.done $0x0  }
0x300: {  	s14 =	simm.s32 $0xA100;
	[sflag:s10] =	ssyncadd.s32 $0xFFFFE000  }
0x301: {  	v8 =	vld [tilespmem:s14+$0x80]  }
0x302: {  	v9 =	vld [tilespmem:s14+$0x90]  }
0x303: {  	v10 =	vld [tilespmem:s14+$0xA0]  }
0x304: {  	v11 =	vld [tilespmem:s14+$0xB0]  }
0x305: {  	v13 =	vld [tilespmem:s14+$0xC0]  }
0x306: {  	v16 =	vld [tilespmem:s14+$0xD0]  }
0x307: {  	v17 =	vld [tilespmem:s14+$0xE0]  }
0x308: {  	v21 =	vld [tilespmem:s14+$0xF0]  }
0x309: {  	v23 =	vld [tilespmem:s14+$0xFFFFFF10]  }
0x30a: {  	v18 =	vld [tilespmem:s14+$0xFFFFFF80]  }
0x30b: {  	v12 =	vld [tilespmem:s14+$0xFFFFFF90]  }
0x30c: {  	v15 =	vld [tilespmem:s14+$0x0]  }
0x30d: {  	v14 =	vld [tilespmem:s14+$0x10]  }
0x30e: {  	v25 =	vld [tilespmem:s14+$0xFFFFFF00]  }
0x30f: {  	v26 =	vld [tilespmem:s14+$0xFFFFFF20]  }
0x310: {  	v22 =	vld [tilespmem:s14+$0xFFFFFFA0]  }
0x311: {  	v19 =	vld [tilespmem:s14+$0x20]  }
0x312: {  	v28 =	vld [tilespmem:s14+$0xFFFFFF30]  }
0x313: {  	v27 =	vld [tilespmem:s14+$0xFFFFFFB0]  }
0x314: {  	v41 =	vld [tilespmem:s14+$0xFFFFFF40];
	v20 =	vmax.f32 v8, v9  }
0x315: {  	v29 =	vld [tilespmem:s14+$0xFFFFFFC0];
	v20 =	vmax.f32 v20, v10  }
0x316: {  	v42 =	vld [tilespmem:s14+$0xFFFFFF50];
	v20 =	vmax.f32 v20, v11  }
0x317: {  	v31 =	vld [tilespmem:s14+$0xFFFFFFD0];
	v24 =	vmax.f32 v20, v13  }
0x318: {  	v43 =	vld [tilespmem:s14+$0xFFFFFF60];
	v51 =	vmax.f32 v18, v12;
	v24 =	vmax.f32 v24, v16  }
0x319: {  	v38 =	vld [tilespmem:s14+$0xFFFFFFE0];
	v52 =	vmax.f32 v15, v14;
	v53 =	vmax.f32 v25, v23;
	v24 =	vmax.f32 v24, v17  }
0x31a: {  	v35 =	vmax.f32 v53, v26;
	v33 =	vmax.f32 v51, v22;
	v20 =	vld [tilespmem:s14+$0x30];
	v30 =	vmax.f32 v24, v21  }
0x31b: {  	v35 =	vmax.f32 v35, v28;
	v24 =	vld [tilespmem:s14+$0x40];
	vm9 =	vle.f32 v30, $1.000000000e+00;
	vm10 =	veq.f32 v30, $1.000000000e+00  }
0x31c: {  	v32 =	vld [tilespmem:s14+$0x60];
	v33 =	vmax.f32 v33, v27;
	v49 =	vmpcnt.ones.xlane vm9;
	v50 =	vmpcnt.ones.xlane vm10  }
0x31d: {  	v34 =	vmax.f32 v52, v19;
	v35 =	vmax.f32 v35, v41;
	v36 =	vmax.f32 v33, v29;
	v30 =	vld [tilespmem:s14+$0x50]  }
0x31e: {  	v44 =	vld [tilespmem:s14+$0xFFFFFF70];
	v39 =	vmax.f32 v35, v42;
	vm0 =	veq.s32 v49, $0x10;
	vm1 =	vgt.s32 v50, $0x0  }
0x31f: {  	s6 =	simm.s32 $0xA300;
	v45 =	vld [tilespmem:s14+$0xFFFFFFF0];
	v40 =	vmax.f32 v36, v31;
	v34 =	vmax.f32 v34, v20;
	vm0 =	vmand vm0, vm1  }
0x320: {  	v59 =	vld [tilespmem:s6+$0xE0];
	v37 =	vmax.f32 v34, v24;
	v21 =	vsel vm0, v21, v7;
	v8 =	vsel vm0, v8, v0  }
0x321: {  	v33 =	vld [tilespmem:s14+$0x70];
	v9 =	vsel vm0, v9, v1;
	v10 =	vsel vm0, v10, v2;
	v11 =	vsel vm0, v11, v3  }
0x322: {  	v35 =	vld [tilespmem:s6+$0x80];
	v13 =	vsel vm0, v13, v4;
	v54 =	vmax.f32 v37, v30;
	v55 =	vsel vm0, v16, v5  }
0x323: {  	v34 =	vld [tilespmem:s6+$0x90];
	v60 =	vsel vm0, v17, v6;
	v16 =	vmax.f32 v39, v43;
	v17 =	vmax.f32 v40, v38  }
0x324: {  	v36 =	vld [tilespmem:s6+$0xA0];
	v46 =	vmax.f32 v54, v32;
	v16 =	vmax.f32 v16, v44;
	v17 =	vmax.f32 v17, v45  }
0x325: {  	v61 =	vld [tilespmem:s6+$0xF0];
	vm11 =	vle.f32 v16, $1.000000000e+00;
	vm12 =	veq.f32 v16, $1.000000000e+00;
	vm13 =	vle.f32 v17, $1.000000000e+00  }
0x326: {  	v37 =	vld [tilespmem:s6+$0xB0];
	[tilespmem:s14+$0xF0] =	vst v21;
	vm3 =	veq.f32 v17, $1.000000000e+00;
	v16 =	vmax.f32 v46, v33;
	v21 =	vmpcnt.ones.xlane vm11  }
0x327: {  	v40 =	vld [tilespmem:s6+$0xC0];
	vm14 =	vle.f32 v16, $1.000000000e+00;
	vm4 =	veq.f32 v16, $1.000000000e+00;
	v16 =	vmpcnt.ones.xlane vm12  }
0x328: {  	v39 =	vld [tilespmem:s6+$0xD0];
	[tilespmem:s14+$0x80] =	vst v8;
	v62 =	vmpcnt.ones.xlane vm13;
	v63 =	vmpcnt.ones.xlane vm3;
	v17 =	vmax.f32 v35, v34  }
0x329: {  	v8 =	vld [tilespmem:s6+$0xFFFFFF10];
	[tilespmem:s14+$0x90] =	vst v9;
	v54 =	vmpcnt.ones.xlane vm14;
	v17 =	vmax.f32 v17, v36;
	vm15 =	veq.s32 v21, $0x10  }
0x32a: {  	[tilespmem:s14+$0xA0] =	vst v10;
	v10 =	vld [tilespmem:s6+$0x0];
	v21 =	vmpcnt.ones.xlane vm4;
	vm1 =	vgt.s32 v16, $0x0;
	vm2 =	veq.s32 v62, $0x10  }
0x32b: {  	[tilespmem:s14+$0xB0] =	vst v11;
	v11 =	vld [tilespmem:s6+$0xFFFFFF00];
	vm8 =	vgt.s32 v63, $0x0;
	v17 =	vmax.f32 v17, v37;
	vm5 =	veq.s32 v54, $0x10  }
0x32c: {  	[tilespmem:s14+$0xC0] =	vst v13;
	v16 =	vld [tilespmem:s6+$0xFFFFFF90];
	vm9 =	vmand vm15, vm1;
	vm2 =	vmand vm2, vm8;
	v9 =	vmax.f32 v17, v40  }
0x32d: {  	[tilespmem:s14+$0xE0] =	vst v60;
	v17 =	vld [tilespmem:s6+$0xFFFFFF80];
	vm12 =	vgt.s32 v21, $0x0;
	v41 =	vsel vm9, v41, v4;
	v60 =	vsel vm9, v42, v5  }
0x32e: {  	[tilespmem:s14+$0xD0] =	vst v55;
	v21 =	vld [tilespmem:s6+$0x20];
	v44 =	vsel vm9, v44, v7;
	v63 =	vsel vm2, v18, v0;
	v52 =	vsel vm2, v12, v1  }
0x32f: {  	v18 =	vld [tilespmem:s6+$0xFFFFFF40];
	v53 =	vsel vm2, v22, v2;
	v42 =	vsel vm2, v27, v3;
	v9 =	vmax.f32 v9, v39;
	[tilespmem:s14+$0xFFFFFF40] =	vst v41  }
0x330: {  	v12 =	vld [tilespmem:s6+$0xFFFFFFC0];
	v50 =	vsel vm2, v29, v4;
	v38 =	vsel vm2, v38, v6;
	[tilespmem:s14+$0xFFFFFF50] =	vst v60;
	v9 =	vmax.f32 v9, v59  }
0x331: {  	v29 =	vld [tilespmem:s6+$0x40];
	v45 =	vsel vm2, v45, v7;
	vm13 =	vmand vm5, vm12;
	[tilespmem:s14+$0xFFFFFF90] =	vst v52;
	v13 =	vmax.f32 v9, v61  }
0x332: {  	v22 =	vld [tilespmem:s6+$0xFFFFFF50];
	[tilespmem:s14+$0xFFFFFFA0] =	vst v53;
	vm10 =	vle.f32 v13, $1.000000000e+00;
	vm11 =	veq.f32 v13, $1.000000000e+00;
	v13 =	vsel vm9, v25, v0  }
0x333: {  	v60 =	vsel vm13, v15, v0;
	v53 =	vsel vm13, v24, v4;
	v9 =	vld [tilespmem:s6+$0x10];
	[tilespmem:s14+$0xFFFFFF00] =	vst v13;
	v13 =	vsel vm9, v23, v1  }
0x334: {  	v25 =	vld [tilespmem:s6+$0xFFFFFF20];
	v55 =	vmpcnt.ones.xlane vm10;
	v56 =	vmpcnt.ones.xlane vm11;
	[tilespmem:s14+$0xFFFFFF10] =	vst v13;
	v13 =	vsel vm9, v26, v2  }
0x335: {  	v52 =	vsel vm13, v32, v6;
	v54 =	vsel vm13, v33, v7;
	v57 =	vmax.f32 v17, v16;
	[tilespmem:s14+$0xFFFFFF20] =	vst v13;
	v13 =	vld [tilespmem:s6+$0xFFFFFF30]  }
0x336: {  	[tilespmem:s14+$0xFFFFFF70] =	vst v44;
	v15 =	vld [tilespmem:s6+$0xFFFFFFD0];
	v26 =	vsel vm9, v28, v3;
	vm14 =	veq.s32 v55, $0x10;
	vm15 =	vgt.s32 v56, $0x0  }
0x337: {  	v23 =	vld [tilespmem:s6+$0xFFFFFFA0];
	[tilespmem:s14+$0xFFFFFF30] =	vst v26;
	v26 =	vmax.f32 v11, v8;
	v56 =	vsel vm13, v19, v2;
	vm0 =	vmand vm14, vm15  }
0x338: {  	[tilespmem:s14+$0xFFFFFF80] =	vst v63;
	v28 =	vld [tilespmem:s6+$0xFFFFFFB0];
	v55 =	vsel vm13, v30, v5;
	v58 =	vmax.f32 v10, v9;
	v46 =	vsel vm0, v61, v7  }
0x339: {  	[tilespmem:s14+$0xFFFFFFB0] =	vst v42;
	v61 =	vsel vm9, v43, v6;
	v62 =	vmax.f32 v26, v25;
	v26 =	vld [tilespmem:s6+$0x30];
	v48 =	vmax.f32 v58, v21  }
0x33a: {  	[tilespmem:s14+$0xFFFFFFC0] =	vst v50;
	v43 =	vsel vm2, v31, v5;
	v58 =	vsel vm13, v14, v1;
	v31 =	vld [tilespmem:s6+$0x50];
	v27 =	vmax.f32 v62, v13  }
0x33b: {  	[tilespmem:s14+$0xFFFFFFE0] =	vst v38;
	v50 =	vsel vm0, v35, v0;
	v51 =	vsel vm0, v34, v1;
	v14 =	vmax.f32 v27, v18;
	v27 =	vld [tilespmem:s6+$0xFFFFFF60]  }
0x33c: {  	[tilespmem:s14+$0xFFFFFFF0] =	vst v45;
	v49 =	vsel vm0, v37, v3;
	v47 =	vmax.f32 v57, v23;
	v57 =	vsel vm13, v20, v3;
	v20 =	vld [tilespmem:s6+$0xFFFFFFE0]  }
0x33d: {  	v45 =	vsel vm0, v59, v6;
	[tilespmem:s6+$0xF0] =	vst v46;
	v44 =	vmax.f32 v47, v28;
	v63 =	vmax.f32 v14, v22;
	v14 =	vld [tilespmem:s6+$0x60]  }
0x33e: {  	v30 =	vld [tilespmem:s6+$0xFFFFFF70];
	[tilespmem:s14+$0xFFFFFF60] =	vst v61;
	v46 =	vsel vm0, v40, v4;
	v19 =	vmax.f32 v44, v12;
	v61 =	vmax.f32 v48, v26  }
0x33f: {  	v24 =	vld [tilespmem:s6+$0xFFFFFFF0];
	[tilespmem:s14+$0x0] =	vst v60;
	v47 =	vsel vm0, v39, v5;
	v33 =	vmax.f32 v19, v15;
	v62 =	vmax.f32 v61, v29  }
0x340: {  	s16 =	simm.s32 $0xA500;
	s15 =	simm.s32 $0x4;
	[tilespmem:s14+$0xFFFFFFD0] =	vst v43;
	v19 =	vld [tilespmem:s6+$0x70];
	v48 =	vsel vm0, v36, v2;
	v34 =	vmax.f32 v62, v31;
	v35 =	vmax.f32 v63, v27  }
.LBB2_13:
0x341: {  	v32 =	vld [tilespmem:s16+$0x80];
	v36 =	vmax.f32 v33, v20;
	[tilespmem:s14+$0x10] =	vst v58;
	v58 =	vmovc v25;
	v59 =	vmovc v23;
	v40 =	vmov v21;
	v60 =	vmov v28  }
0x342: {  	s15 =	sadd.s32 $0x4, s15;
	v41 =	vmovc v26;
	v42 =	vmov v29;
	v38 =	vmov v31;
	v33 =	vld [tilespmem:s16+$0x90];
	v21 =	vmax.f32 v34, v14;
	[tilespmem:s14+$0x20] =	vst v56  }
0x343: {  	p1 =	slt.u32 s15, $0x3C;
	v34 =	vld [tilespmem:s16+$0xA0];
	v23 =	vmax.f32 v35, v30;
	[tilespmem:s14+$0x30] =	vst v57  }
0x344: {  	v35 =	vld [tilespmem:s16+$0xB0];
	vm0 =	vle.f32 v23, $1.000000000e+00;
	vm1 =	veq.f32 v23, $1.000000000e+00;
	v23 =	vmax.f32 v36, v24;
	[tilespmem:s14+$0x40] =	vst v53  }
0x345: {  	v36 =	vld [tilespmem:s16+$0xC0];
	vm2 =	vle.f32 v23, $1.000000000e+00;
	vm3 =	veq.f32 v23, $1.000000000e+00;
	v21 =	vmax.f32 v21, v19;
	[tilespmem:s14+$0x50] =	vst v55  }
0x346: {  	v23 =	vmpcnt.ones.xlane vm0;
	v37 =	vld [tilespmem:s16+$0xD0];
	vm0 =	vle.f32 v21, $1.000000000e+00;
	vm4 =	veq.f32 v21, $1.000000000e+00;
	[tilespmem:s14+$0x60] =	vst v52  }
0x347: {  	v25 =	vmpcnt.ones.xlane vm1;
	v26 =	vmpcnt.ones.xlane vm2;
	v39 =	vld [tilespmem:s16+$0xE0];
	v21 =	vmax.f32 v32, v33;
	[tilespmem:s14+$0x70] =	vst v54;
	s14 =	smov.u32 s6;
	s6 =	smov.u32 s16  }
0x348: {  	v28 =	vmpcnt.ones.xlane vm3;
	v31 =	vmpcnt.ones.xlane vm0;
	v29 =	vld [tilespmem:s16+$0xF0];
	v21 =	vmax.f32 v21, v34;
	[tilespmem:s14+$0x80] =	vst v50  }
0x349: {  	vm0 =	veq.s32 v23, $0x10;
	v23 =	vmpcnt.ones.xlane vm4;
	v50 =	vld [tilespmem:s16+$0xFFFFFF10];
	v21 =	vmax.f32 v21, v35;
	[tilespmem:s14+$0x90] =	vst v51  }
0x34a: {  	vm1 =	vgt.s32 v25, $0x0;
	vm2 =	veq.s32 v26, $0x10;
	v43 =	vld [tilespmem:s16+$0xFFFFFF80];
	v21 =	vmax.f32 v21, v36;
	[tilespmem:s14+$0xA0] =	vst v48  }
0x34b: {  	vm4 =	vgt.s32 v28, $0x0;
	vm5 =	veq.s32 v31, $0x10;
	v44 =	vld [tilespmem:s16+$0xFFFFFF90];
	v21 =	vmax.f32 v21, v37;
	[tilespmem:s14+$0xB0] =	vst v49  }
0x34c: {  	vm3 =	vmand vm0, vm1;
	vm0 =	vgt.s32 v23, $0x0;
	v61 =	vld [tilespmem:s16+$0x0];
	v21 =	vmax.f32 v21, v39;
	[tilespmem:s14+$0xC0] =	vst v46  }
0x34d: {  	vm2 =	vmand vm2, vm4;
	vm0 =	vmand vm5, vm0;
	v62 =	vld [tilespmem:s16+$0x10];
	v21 =	vmax.f32 v21, v29;
	[tilespmem:s14+$0xD0] =	vst v47  }
0x34e: {  	vm1 =	vle.f32 v21, $1.000000000e+00;
	vm4 =	veq.f32 v21, $1.000000000e+00;
	v21 =	vsel vm3, v11, v0;
	v11 =	vld [tilespmem:s16+$0xFFFFFF00];
	[tilespmem:s14+$0xE0] =	vst v45  }
0x34f: {  	v25 =	vld [tilespmem:s16+$0xFFFFFF20];
	v26 =	vmpcnt.ones.xlane vm1;
	v28 =	vmpcnt.ones.xlane vm4;
	[tilespmem:s14+$0xFFFFFF00] =	vst v21;
	v21 =	vsel vm3, v8, v1;
	v8 =	vmovc v50  }
0x350: {  	v46 =	vsel vm3, v13, v3;
	v45 =	vsel vm3, v58, v2;
	v23 =	vld [tilespmem:s16+$0xFFFFFFA0];
	v31 =	vmax.f32 v43, v44;
	[tilespmem:s14+$0xFFFFFF10] =	vst v21  }
0x351: {  	v18 =	vsel vm3, v18, v4;
	v21 =	vld [tilespmem:s16+$0x20];
	vm1 =	veq.s32 v26, $0x10;
	vm4 =	vgt.s32 v28, $0x0;
	[tilespmem:s14+$0xFFFFFF20] =	vst v45  }
0x352: {  	v22 =	vsel vm3, v22, v5;
	v13 =	vld [tilespmem:s16+$0xFFFFFF30];
	v45 =	vmax.f32 v61, v62;
	vm1 =	vmand vm1, vm4;
	[tilespmem:s14+$0xFFFFFF30] =	vst v46  }
0x353: {  	v27 =	vsel vm3, v27, v6;
	v26 =	vmax.f32 v11, v8;
	v28 =	vld [tilespmem:s16+$0xFFFFFFB0];
	v29 =	vsel vm1, v29, v7;
	[tilespmem:s14+$0xFFFFFF40] =	vst v18  }
0x354: {  	v30 =	vsel vm3, v30, v7;
	v17 =	vsel vm2, v17, v0;
	v46 =	vmax.f32 v26, v25;
	v26 =	vld [tilespmem:s16+$0x30];
	[tilespmem:s16+$0xF0] =	vst v29  }
0x355: {  	v16 =	vsel vm2, v16, v1;
	v47 =	vsel vm2, v59, v2;
	v18 =	vld [tilespmem:s16+$0xFFFFFF40];
	v31 =	vmax.f32 v31, v23;
	[tilespmem:s14+$0xFFFFFF50] =	vst v22  }
0x356: {  	v48 =	vsel vm2, v60, v3;
	v49 =	vsel vm2, v12, v4;
	v45 =	vmax.f32 v45, v21;
	[tilespmem:s14+$0xFFFFFF60] =	vst v27;
	v12 =	vld [tilespmem:s16+$0xFFFFFFC0]  }
0x357: {  	v59 =	vsel vm2, v20, v6;
	v27 =	vmax.f32 v46, v13;
	v29 =	vld [tilespmem:s16+$0x40];
	[tilespmem:s14+$0xFFFFFF70] =	vst v30;
	v30 =	vsel vm2, v15, v5  }
0x358: {  	v10 =	vsel vm0, v10, v0;
	v22 =	vld [tilespmem:s16+$0xFFFFFF50];
	v20 =	vmax.f32 v31, v28;
	[tilespmem:s14+$0xFFFFFF80] =	vst v17;
	v17 =	vsel vm2, v24, v7  }
0x359: {  	v56 =	vsel vm0, v40, v2;
	v58 =	vsel vm0, v9, v1;
	v15 =	vld [tilespmem:s16+$0xFFFFFFD0];
	v24 =	vmax.f32 v45, v26;
	[tilespmem:s14+$0xFFFFFF90] =	vst v16  }
0x35a: {  	v57 =	vsel vm0, v41, v3;
	v53 =	vsel vm0, v42, v4;
	v9 =	vmax.f32 v27, v18;
	v31 =	vld [tilespmem:s16+$0x50];
	[tilespmem:s14+$0xFFFFFFA0] =	vst v47  }
0x35b: {  	v55 =	vsel vm0, v38, v5;
	v52 =	vsel vm0, v14, v6;
	v27 =	vld [tilespmem:s16+$0xFFFFFF60];
	v16 =	vmax.f32 v20, v12;
	[tilespmem:s14+$0xFFFFFFB0] =	vst v48  }
.Ltmp5:
0x35c: {  	v54 =	vsel vm0, v19, v7;
	v50 =	vsel vm1, v32, v0;
	v20 =	vld [tilespmem:s16+$0xFFFFFFE0];
	v38 =	vmax.f32 v24, v29;
	[tilespmem:s14+$0xFFFFFFC0] =	vst v49;
	(pc) =	sbr.rel @p1 .LBB2_13-.Ltmp5, $4  }
0x35d: {  	v51 =	vsel vm1, v33, v1;
	v48 =	vsel vm1, v34, v2;
	v9 =	vmax.f32 v9, v22;
	v14 =	vld [tilespmem:s16+$0x60];
	[tilespmem:s14+$0xFFFFFFD0] =	vst v30  }
0x35e: {  	v46 =	vsel vm1, v36, v4;
	v49 =	vsel vm1, v35, v3;
	v30 =	vld [tilespmem:s16+$0xFFFFFF70];
	v33 =	vmax.f32 v16, v15;
	[tilespmem:s14+$0xFFFFFFE0] =	vst v59  }
0x35f: {  	v45 =	vsel vm1, v39, v6;
	v47 =	vsel vm1, v37, v5;
	v24 =	vld [tilespmem:s16+$0xFFFFFFF0];
	v34 =	vmax.f32 v38, v31;
	[tilespmem:s14+$0xFFFFFFF0] =	vst v17  }
0x360: {  	v16 =	vmovc v44;
	s16 =	sadd.s32 $0x200, s16;
	v17 =	vmovc v43;
	v35 =	vmax.f32 v9, v27;
	v19 =	vld [tilespmem:s6+$0x70];
	[tilespmem:s14+$0x0] =	vst v10;
	v10 =	vmov v61;
	v9 =	vmov v62  }
0x361: {  	[tilespmem:s14+$0x10] =	vst v58  }
0x362: {  	[tilespmem:s14+$0x20] =	vst v56  }
0x363: {  	[tilespmem:s14+$0x30] =	vst v57  }
0x364: {  	[tilespmem:s14+$0x40] =	vst v53  }
0x365: {  	[tilespmem:s14+$0x50] =	vst v55  }
0x366: {  	[tilespmem:s14+$0x60] =	vst v52  }
0x367: {  	[tilespmem:s14+$0x70] =	vst v54  }
0x368: {  	[tilespmem:s6+$0x80] =	vst v50;
	v32 =	vmax.f32 v35, v30  }
0x369: {  	[tilespmem:s6+$0x90] =	vst v51;
	vm0 =	vle.f32 v32, $1.000000000e+00;
	vm1 =	veq.f32 v32, $1.000000000e+00  }
0x36a: {  	[tilespmem:s6+$0xA0] =	vst v48;
	v43 =	vmpcnt.ones.xlane vm0;
	v44 =	vmpcnt.ones.xlane vm1  }
0x36b: {  	[tilespmem:s6+$0xB0] =	vst v49  }
0x36c: {  	[tilespmem:s6+$0xC0] =	vst v46;
	vm0 =	veq.s32 v43, $0x10;
	vm1 =	vgt.s32 v44, $0x0  }
0x36d: {  	[tilespmem:s6+$0xD0] =	vst v47;
	vm0 =	vmand vm0, vm1  }
0x36e: {  	[tilespmem:s6+$0xE0] =	vst v45;
	v11 =	vsel vm0, v11, v0  }
0x36f: {  	v48 =	vmax.f32 v33, v20;
	v8 =	vsel vm0, v8, v1;
	[tilespmem:s6+$0xFFFFFF00] =	vst v11  }
0x370: {  	v18 =	vsel vm0, v18, v4;
	v11 =	vmax.f32 v48, v24;
	[tilespmem:s6+$0xFFFFFF10] =	vst v8  }
0x371: {  	v8 =	vsel vm0, v25, v2;
	[tilespmem:s6+$0xFFFFFF40] =	vst v18;
	vm6 =	vle.f32 v11, $1.000000000e+00;
	vm2 =	veq.f32 v11, $1.000000000e+00  }
0x372: {  	v11 =	vsel vm0, v13, v3;
	[tilespmem:s6+$0xFFFFFF20] =	vst v8;
	v8 =	vmpcnt.ones.xlane vm6;
	v13 =	vmpcnt.ones.xlane vm2  }
0x373: {  	[tilespmem:s6+$0xFFFFFF30] =	vst v11;
	v11 =	vsel vm0, v22, v5  }
0x374: {  	[tilespmem:s6+$0xFFFFFF50] =	vst v11;
	v11 =	vsel vm0, v30, v7;
	vm1 =	veq.s32 v8, $0x10;
	vm2 =	vgt.s32 v13, $0x0  }
0x375: {  	v8 =	vsel vm0, v27, v6;
	[tilespmem:s6+$0xFFFFFF70] =	vst v11;
	vm1 =	vmand vm1, vm2  }
0x376: {  	[tilespmem:s6+$0xFFFFFF60] =	vst v8;
	v8 =	vsel vm1, v17, v0  }
0x377: {  	v11 =	vmax.f32 v34, v14;
	v13 =	vsel vm1, v16, v1;
	[tilespmem:s6+$0xFFFFFF80] =	vst v8  }
0x378: {  	v12 =	vsel vm1, v12, v4;
	v8 =	vmax.f32 v11, v19;
	[tilespmem:s6+$0xFFFFFF90] =	vst v13  }
0x379: {  	v11 =	vsel vm1, v23, v2;
	[tilespmem:s6+$0xFFFFFFC0] =	vst v12;
	vm7 =	vle.f32 v8, $1.000000000e+00;
	vm8 =	veq.f32 v8, $1.000000000e+00  }
0x37a: {  	v8 =	vsel vm1, v28, v3;
	[tilespmem:s6+$0xFFFFFFA0] =	vst v11;
	v11 =	vmpcnt.ones.xlane vm7;
	v13 =	vmpcnt.ones.xlane vm8  }
0x37b: {  	[tilespmem:s6+$0xFFFFFFB0] =	vst v8;
	v8 =	vsel vm1, v15, v5  }
0x37c: {  	[tilespmem:s6+$0xFFFFFFD0] =	vst v8;
	v8 =	vsel vm1, v24, v7;
	vm0 =	veq.s32 v11, $0x10;
	vm2 =	vgt.s32 v13, $0x0  }
0x37d: {  	v11 =	vsel vm1, v20, v6;
	[tilespmem:s6+$0xFFFFFFF0] =	vst v8;
	vm0 =	vmand vm0, vm2  }
0x37e: {  	[tilespmem:s6+$0xFFFFFFE0] =	vst v11;
	v10 =	vsel vm0, v10, v0  }
0x37f: {  	v8 =	vsel vm0, v9, v1;
	[tilespmem:s6+$0x0] =	vst v10  }
0x380: {  	v9 =	vsel vm0, v21, v2;
	[tilespmem:s6+$0x10] =	vst v8  }
0x381: {  	v8 =	vsel vm0, v26, v3;
	[tilespmem:s6+$0x20] =	vst v9  }
0x382: {  	v9 =	vsel vm0, v29, v4;
	[tilespmem:s6+$0x30] =	vst v8  }
0x383: {  	v8 =	vsel vm0, v31, v5;
	[tilespmem:s6+$0x40] =	vst v9  }
0x384: {  	v9 =	vsel vm0, v14, v6;
	[tilespmem:s6+$0x50] =	vst v8  }
0x385: {  	v8 =	vsel vm0, v19, v7;
	[tilespmem:s6+$0x60] =	vst v9  }
0x386: {  	s18 =	sadd.s32 s4, s11;
	[tilespmem:s6+$0x70] =	vst v8  }
0x387: {  	[hbm4b:s18+s5] =	stream.linear.scatter [tilespmem:s29], [sflag:$0xE], $0x2000, $0x38;
	[tilespmem:$0x10080] =	vst v63  }
0x388: {  	_ =	swait.ge [sflag:s20], $0x2000  }
0x389: {  	s11 =	simm.s32 @!p0 $0x0;
	[sflag:s20] =	ssyncset.done $0x0;
	s6 =	rddreg [dreg:$0xf]  }
0x38a: {  	s14 =	simm.s32 @!p0 $0x4000;
	[sflag:s20] =	ssyncadd.s32 $0xFFFFE000;
	s6 =	sadd.s32 @!p0 s25, s6  }
0x38b: {  	[tilespmem:s14], [sflag:$0x3] =	stream.linear.gather @!p0 [hbm4b:s6+s11], $0x2000, $0x38;
	[tilespmem:$0x10080] =	vst v63  }
0x38c: {  	_ =	swait.ge [sflag:s7], $0x2000  }
0x38d: {  	[sflag:s7] =	ssyncset.done $0x0  }
0x38e: {  	s11 =	simm.s32 $0xC100;
	[sflag:s7] =	ssyncadd.s32 $0xFFFFE000  }
0x38f: {  	v8 =	vld [tilespmem:s11+$0x80]  }
0x390: {  	v9 =	vld [tilespmem:s11+$0x90]  }
0x391: {  	v10 =	vld [tilespmem:s11+$0xA0]  }
0x392: {  	v11 =	vld [tilespmem:s11+$0xB0]  }
0x393: {  	v13 =	vld [tilespmem:s11+$0xC0]  }
0x394: {  	v16 =	vld [tilespmem:s11+$0xD0]  }
0x395: {  	v17 =	vld [tilespmem:s11+$0xE0]  }
0x396: {  	v21 =	vld [tilespmem:s11+$0xF0]  }
0x397: {  	v23 =	vld [tilespmem:s11+$0xFFFFFF10]  }
0x398: {  	v18 =	vld [tilespmem:s11+$0xFFFFFF80]  }
0x399: {  	v12 =	vld [tilespmem:s11+$0xFFFFFF90]  }
0x39a: {  	v15 =	vld [tilespmem:s11+$0x0]  }
0x39b: {  	v14 =	vld [tilespmem:s11+$0x10]  }
0x39c: {  	v25 =	vld [tilespmem:s11+$0xFFFFFF00]  }
0x39d: {  	v26 =	vld [tilespmem:s11+$0xFFFFFF20]  }
0x39e: {  	v22 =	vld [tilespmem:s11+$0xFFFFFFA0]  }
0x39f: {  	v19 =	vld [tilespmem:s11+$0x20]  }
0x3a0: {  	v28 =	vld [tilespmem:s11+$0xFFFFFF30]  }
0x3a1: {  	v27 =	vld [tilespmem:s11+$0xFFFFFFB0]  }
0x3a2: {  	v41 =	vld [tilespmem:s11+$0xFFFFFF40];
	v20 =	vmax.f32 v8, v9  }
0x3a3: {  	v29 =	vld [tilespmem:s11+$0xFFFFFFC0];
	v20 =	vmax.f32 v20, v10  }
0x3a4: {  	v42 =	vld [tilespmem:s11+$0xFFFFFF50];
	v20 =	vmax.f32 v20, v11  }
0x3a5: {  	v31 =	vld [tilespmem:s11+$0xFFFFFFD0];
	v24 =	vmax.f32 v20, v13  }
0x3a6: {  	v43 =	vld [tilespmem:s11+$0xFFFFFF60];
	v51 =	vmax.f32 v18, v12;
	v24 =	vmax.f32 v24, v16  }
0x3a7: {  	v38 =	vld [tilespmem:s11+$0xFFFFFFE0];
	v52 =	vmax.f32 v15, v14;
	v53 =	vmax.f32 v25, v23;
	v24 =	vmax.f32 v24, v17  }
0x3a8: {  	v35 =	vmax.f32 v53, v26;
	v33 =	vmax.f32 v51, v22;
	v20 =	vld [tilespmem:s11+$0x30];
	v30 =	vmax.f32 v24, v21  }
0x3a9: {  	v35 =	vmax.f32 v35, v28;
	v24 =	vld [tilespmem:s11+$0x40];
	vm9 =	vle.f32 v30, $1.000000000e+00;
	vm10 =	veq.f32 v30, $1.000000000e+00  }
0x3aa: {  	v32 =	vld [tilespmem:s11+$0x60];
	v33 =	vmax.f32 v33, v27;
	v49 =	vmpcnt.ones.xlane vm9;
	v50 =	vmpcnt.ones.xlane vm10  }
0x3ab: {  	v34 =	vmax.f32 v52, v19;
	v35 =	vmax.f32 v35, v41;
	v36 =	vmax.f32 v33, v29;
	v30 =	vld [tilespmem:s11+$0x50]  }
0x3ac: {  	v44 =	vld [tilespmem:s11+$0xFFFFFF70];
	v39 =	vmax.f32 v35, v42;
	vm0 =	veq.s32 v49, $0x10;
	vm1 =	vgt.s32 v50, $0x0  }
0x3ad: {  	s6 =	simm.s32 $0xC300;
	v45 =	vld [tilespmem:s11+$0xFFFFFFF0];
	v40 =	vmax.f32 v36, v31;
	v34 =	vmax.f32 v34, v20;
	vm0 =	vmand vm0, vm1  }
0x3ae: {  	v59 =	vld [tilespmem:s6+$0xE0];
	v37 =	vmax.f32 v34, v24;
	v21 =	vsel vm0, v21, v7;
	v8 =	vsel vm0, v8, v0  }
0x3af: {  	v33 =	vld [tilespmem:s11+$0x70];
	v9 =	vsel vm0, v9, v1;
	v10 =	vsel vm0, v10, v2;
	v11 =	vsel vm0, v11, v3  }
0x3b0: {  	v35 =	vld [tilespmem:s6+$0x80];
	v13 =	vsel vm0, v13, v4;
	v54 =	vmax.f32 v37, v30;
	v55 =	vsel vm0, v16, v5  }
0x3b1: {  	v34 =	vld [tilespmem:s6+$0x90];
	v60 =	vsel vm0, v17, v6;
	v16 =	vmax.f32 v39, v43;
	v17 =	vmax.f32 v40, v38  }
0x3b2: {  	v36 =	vld [tilespmem:s6+$0xA0];
	v46 =	vmax.f32 v54, v32;
	v16 =	vmax.f32 v16, v44;
	v17 =	vmax.f32 v17, v45  }
0x3b3: {  	v61 =	vld [tilespmem:s6+$0xF0];
	vm11 =	vle.f32 v16, $1.000000000e+00;
	vm12 =	veq.f32 v16, $1.000000000e+00;
	vm13 =	vle.f32 v17, $1.000000000e+00  }
0x3b4: {  	v37 =	vld [tilespmem:s6+$0xB0];
	[tilespmem:s11+$0xF0] =	vst v21;
	vm3 =	veq.f32 v17, $1.000000000e+00;
	v16 =	vmax.f32 v46, v33;
	v21 =	vmpcnt.ones.xlane vm11  }
0x3b5: {  	v40 =	vld [tilespmem:s6+$0xC0];
	vm14 =	vle.f32 v16, $1.000000000e+00;
	vm4 =	veq.f32 v16, $1.000000000e+00;
	v16 =	vmpcnt.ones.xlane vm12  }
0x3b6: {  	v39 =	vld [tilespmem:s6+$0xD0];
	[tilespmem:s11+$0x80] =	vst v8;
	v62 =	vmpcnt.ones.xlane vm13;
	v63 =	vmpcnt.ones.xlane vm3;
	v17 =	vmax.f32 v35, v34  }
0x3b7: {  	v8 =	vld [tilespmem:s6+$0xFFFFFF10];
	[tilespmem:s11+$0x90] =	vst v9;
	v54 =	vmpcnt.ones.xlane vm14;
	v17 =	vmax.f32 v17, v36;
	vm15 =	veq.s32 v21, $0x10  }
0x3b8: {  	[tilespmem:s11+$0xA0] =	vst v10;
	v10 =	vld [tilespmem:s6+$0x0];
	v21 =	vmpcnt.ones.xlane vm4;
	vm1 =	vgt.s32 v16, $0x0;
	vm2 =	veq.s32 v62, $0x10  }
0x3b9: {  	[tilespmem:s11+$0xB0] =	vst v11;
	v11 =	vld [tilespmem:s6+$0xFFFFFF00];
	vm8 =	vgt.s32 v63, $0x0;
	v17 =	vmax.f32 v17, v37;
	vm5 =	veq.s32 v54, $0x10  }
0x3ba: {  	[tilespmem:s11+$0xC0] =	vst v13;
	v16 =	vld [tilespmem:s6+$0xFFFFFF90];
	vm9 =	vmand vm15, vm1;
	vm2 =	vmand vm2, vm8;
	v9 =	vmax.f32 v17, v40  }
0x3bb: {  	[tilespmem:s11+$0xE0] =	vst v60;
	v17 =	vld [tilespmem:s6+$0xFFFFFF80];
	vm12 =	vgt.s32 v21, $0x0;
	v41 =	vsel vm9, v41, v4;
	v60 =	vsel vm9, v42, v5  }
0x3bc: {  	[tilespmem:s11+$0xD0] =	vst v55;
	v21 =	vld [tilespmem:s6+$0x20];
	v44 =	vsel vm9, v44, v7;
	v63 =	vsel vm2, v18, v0;
	v52 =	vsel vm2, v12, v1  }
0x3bd: {  	v18 =	vld [tilespmem:s6+$0xFFFFFF40];
	v53 =	vsel vm2, v22, v2;
	v42 =	vsel vm2, v27, v3;
	v9 =	vmax.f32 v9, v39;
	[tilespmem:s11+$0xFFFFFF40] =	vst v41  }
0x3be: {  	v12 =	vld [tilespmem:s6+$0xFFFFFFC0];
	v50 =	vsel vm2, v29, v4;
	v38 =	vsel vm2, v38, v6;
	[tilespmem:s11+$0xFFFFFF50] =	vst v60;
	v9 =	vmax.f32 v9, v59  }
0x3bf: {  	v29 =	vld [tilespmem:s6+$0x40];
	v45 =	vsel vm2, v45, v7;
	vm13 =	vmand vm5, vm12;
	[tilespmem:s11+$0xFFFFFF90] =	vst v52;
	v13 =	vmax.f32 v9, v61  }
0x3c0: {  	v22 =	vld [tilespmem:s6+$0xFFFFFF50];
	[tilespmem:s11+$0xFFFFFFA0] =	vst v53;
	vm10 =	vle.f32 v13, $1.000000000e+00;
	vm11 =	veq.f32 v13, $1.000000000e+00;
	v13 =	vsel vm9, v25, v0  }
0x3c1: {  	v60 =	vsel vm13, v15, v0;
	v53 =	vsel vm13, v24, v4;
	v9 =	vld [tilespmem:s6+$0x10];
	[tilespmem:s11+$0xFFFFFF00] =	vst v13;
	v13 =	vsel vm9, v23, v1  }
0x3c2: {  	v25 =	vld [tilespmem:s6+$0xFFFFFF20];
	v55 =	vmpcnt.ones.xlane vm10;
	v56 =	vmpcnt.ones.xlane vm11;
	[tilespmem:s11+$0xFFFFFF10] =	vst v13;
	v13 =	vsel vm9, v26, v2  }
0x3c3: {  	v52 =	vsel vm13, v32, v6;
	v54 =	vsel vm13, v33, v7;
	v57 =	vmax.f32 v17, v16;
	[tilespmem:s11+$0xFFFFFF20] =	vst v13;
	v13 =	vld [tilespmem:s6+$0xFFFFFF30]  }
0x3c4: {  	[tilespmem:s11+$0xFFFFFF70] =	vst v44;
	v15 =	vld [tilespmem:s6+$0xFFFFFFD0];
	v26 =	vsel vm9, v28, v3;
	vm14 =	veq.s32 v55, $0x10;
	vm15 =	vgt.s32 v56, $0x0  }
0x3c5: {  	v23 =	vld [tilespmem:s6+$0xFFFFFFA0];
	[tilespmem:s11+$0xFFFFFF30] =	vst v26;
	v26 =	vmax.f32 v11, v8;
	v56 =	vsel vm13, v19, v2;
	vm0 =	vmand vm14, vm15  }
0x3c6: {  	[tilespmem:s11+$0xFFFFFF80] =	vst v63;
	v28 =	vld [tilespmem:s6+$0xFFFFFFB0];
	v55 =	vsel vm13, v30, v5;
	v58 =	vmax.f32 v10, v9;
	v46 =	vsel vm0, v61, v7  }
0x3c7: {  	[tilespmem:s11+$0xFFFFFFB0] =	vst v42;
	v61 =	vsel vm9, v43, v6;
	v62 =	vmax.f32 v26, v25;
	v26 =	vld [tilespmem:s6+$0x30];
	v48 =	vmax.f32 v58, v21  }
0x3c8: {  	[tilespmem:s11+$0xFFFFFFC0] =	vst v50;
	v43 =	vsel vm2, v31, v5;
	v58 =	vsel vm13, v14, v1;
	v31 =	vld [tilespmem:s6+$0x50];
	v27 =	vmax.f32 v62, v13  }
0x3c9: {  	[tilespmem:s11+$0xFFFFFFE0] =	vst v38;
	v50 =	vsel vm0, v35, v0;
	v51 =	vsel vm0, v34, v1;
	v14 =	vmax.f32 v27, v18;
	v27 =	vld [tilespmem:s6+$0xFFFFFF60]  }
0x3ca: {  	[tilespmem:s11+$0xFFFFFFF0] =	vst v45;
	v49 =	vsel vm0, v37, v3;
	v47 =	vmax.f32 v57, v23;
	v57 =	vsel vm13, v20, v3;
	v20 =	vld [tilespmem:s6+$0xFFFFFFE0]  }
0x3cb: {  	v45 =	vsel vm0, v59, v6;
	[tilespmem:s6+$0xF0] =	vst v46;
	v44 =	vmax.f32 v47, v28;
	v63 =	vmax.f32 v14, v22;
	v14 =	vld [tilespmem:s6+$0x60]  }
0x3cc: {  	v30 =	vld [tilespmem:s6+$0xFFFFFF70];
	[tilespmem:s11+$0xFFFFFF60] =	vst v61;
	v46 =	vsel vm0, v40, v4;
	v19 =	vmax.f32 v44, v12;
	v61 =	vmax.f32 v48, v26  }
0x3cd: {  	v24 =	vld [tilespmem:s6+$0xFFFFFFF0];
	[tilespmem:s11+$0x0] =	vst v60;
	v47 =	vsel vm0, v39, v5;
	v33 =	vmax.f32 v19, v15;
	v62 =	vmax.f32 v61, v29  }
0x3ce: {  	s15 =	simm.s32 $0xC500;
	s14 =	simm.s32 $0x4;
	[tilespmem:s11+$0xFFFFFFD0] =	vst v43;
	v19 =	vld [tilespmem:s6+$0x70];
	v48 =	vsel vm0, v36, v2;
	v34 =	vmax.f32 v62, v31;
	v35 =	vmax.f32 v63, v27  }
.LBB2_15:
0x3cf: {  	v32 =	vld [tilespmem:s15+$0x80];
	v36 =	vmax.f32 v33, v20;
	[tilespmem:s11+$0x10] =	vst v58;
	v58 =	vmovc v25;
	v59 =	vmovc v23;
	v40 =	vmov v21;
	v60 =	vmov v28  }
0x3d0: {  	s14 =	sadd.s32 $0x4, s14;
	v41 =	vmovc v26;
	v42 =	vmov v29;
	v38 =	vmov v31;
	v33 =	vld [tilespmem:s15+$0x90];
	v21 =	vmax.f32 v34, v14;
	[tilespmem:s11+$0x20] =	vst v56  }
0x3d1: {  	p1 =	slt.u32 s14, $0x3C;
	v34 =	vld [tilespmem:s15+$0xA0];
	v23 =	vmax.f32 v35, v30;
	[tilespmem:s11+$0x30] =	vst v57  }
0x3d2: {  	v35 =	vld [tilespmem:s15+$0xB0];
	vm0 =	vle.f32 v23, $1.000000000e+00;
	vm1 =	veq.f32 v23, $1.000000000e+00;
	v23 =	vmax.f32 v36, v24;
	[tilespmem:s11+$0x40] =	vst v53  }
0x3d3: {  	v36 =	vld [tilespmem:s15+$0xC0];
	vm2 =	vle.f32 v23, $1.000000000e+00;
	vm3 =	veq.f32 v23, $1.000000000e+00;
	v21 =	vmax.f32 v21, v19;
	[tilespmem:s11+$0x50] =	vst v55  }
0x3d4: {  	v23 =	vmpcnt.ones.xlane vm0;
	v37 =	vld [tilespmem:s15+$0xD0];
	vm0 =	vle.f32 v21, $1.000000000e+00;
	vm4 =	veq.f32 v21, $1.000000000e+00;
	[tilespmem:s11+$0x60] =	vst v52  }
0x3d5: {  	v25 =	vmpcnt.ones.xlane vm1;
	v26 =	vmpcnt.ones.xlane vm2;
	v39 =	vld [tilespmem:s15+$0xE0];
	v21 =	vmax.f32 v32, v33;
	[tilespmem:s11+$0x70] =	vst v54;
	s11 =	smov.u32 s6;
	s6 =	smov.u32 s15  }
0x3d6: {  	v28 =	vmpcnt.ones.xlane vm3;
	v31 =	vmpcnt.ones.xlane vm0;
	v29 =	vld [tilespmem:s15+$0xF0];
	v21 =	vmax.f32 v21, v34;
	[tilespmem:s11+$0x80] =	vst v50  }
0x3d7: {  	vm0 =	veq.s32 v23, $0x10;
	v23 =	vmpcnt.ones.xlane vm4;
	v50 =	vld [tilespmem:s15+$0xFFFFFF10];
	v21 =	vmax.f32 v21, v35;
	[tilespmem:s11+$0x90] =	vst v51  }
0x3d8: {  	vm1 =	vgt.s32 v25, $0x0;
	vm2 =	veq.s32 v26, $0x10;
	v43 =	vld [tilespmem:s15+$0xFFFFFF80];
	v21 =	vmax.f32 v21, v36;
	[tilespmem:s11+$0xA0] =	vst v48  }
0x3d9: {  	vm4 =	vgt.s32 v28, $0x0;
	vm5 =	veq.s32 v31, $0x10;
	v44 =	vld [tilespmem:s15+$0xFFFFFF90];
	v21 =	vmax.f32 v21, v37;
	[tilespmem:s11+$0xB0] =	vst v49  }
0x3da: {  	vm3 =	vmand vm0, vm1;
	vm0 =	vgt.s32 v23, $0x0;
	v61 =	vld [tilespmem:s15+$0x0];
	v21 =	vmax.f32 v21, v39;
	[tilespmem:s11+$0xC0] =	vst v46  }
0x3db: {  	vm2 =	vmand vm2, vm4;
	vm0 =	vmand vm5, vm0;
	v62 =	vld [tilespmem:s15+$0x10];
	v21 =	vmax.f32 v21, v29;
	[tilespmem:s11+$0xD0] =	vst v47  }
0x3dc: {  	vm1 =	vle.f32 v21, $1.000000000e+00;
	vm4 =	veq.f32 v21, $1.000000000e+00;
	v21 =	vsel vm3, v11, v0;
	v11 =	vld [tilespmem:s15+$0xFFFFFF00];
	[tilespmem:s11+$0xE0] =	vst v45  }
0x3dd: {  	v25 =	vld [tilespmem:s15+$0xFFFFFF20];
	v26 =	vmpcnt.ones.xlane vm1;
	v28 =	vmpcnt.ones.xlane vm4;
	[tilespmem:s11+$0xFFFFFF00] =	vst v21;
	v21 =	vsel vm3, v8, v1;
	v8 =	vmovc v50  }
0x3de: {  	v46 =	vsel vm3, v13, v3;
	v45 =	vsel vm3, v58, v2;
	v23 =	vld [tilespmem:s15+$0xFFFFFFA0];
	v31 =	vmax.f32 v43, v44;
	[tilespmem:s11+$0xFFFFFF10] =	vst v21  }
0x3df: {  	v18 =	vsel vm3, v18, v4;
	v21 =	vld [tilespmem:s15+$0x20];
	vm1 =	veq.s32 v26, $0x10;
	vm4 =	vgt.s32 v28, $0x0;
	[tilespmem:s11+$0xFFFFFF20] =	vst v45  }
0x3e0: {  	v22 =	vsel vm3, v22, v5;
	v13 =	vld [tilespmem:s15+$0xFFFFFF30];
	v45 =	vmax.f32 v61, v62;
	vm1 =	vmand vm1, vm4;
	[tilespmem:s11+$0xFFFFFF30] =	vst v46  }
0x3e1: {  	v27 =	vsel vm3, v27, v6;
	v26 =	vmax.f32 v11, v8;
	v28 =	vld [tilespmem:s15+$0xFFFFFFB0];
	v29 =	vsel vm1, v29, v7;
	[tilespmem:s11+$0xFFFFFF40] =	vst v18  }
0x3e2: {  	v30 =	vsel vm3, v30, v7;
	v17 =	vsel vm2, v17, v0;
	v46 =	vmax.f32 v26, v25;
	v26 =	vld [tilespmem:s15+$0x30];
	[tilespmem:s15+$0xF0] =	vst v29  }
0x3e3: {  	v16 =	vsel vm2, v16, v1;
	v47 =	vsel vm2, v59, v2;
	v18 =	vld [tilespmem:s15+$0xFFFFFF40];
	v31 =	vmax.f32 v31, v23;
	[tilespmem:s11+$0xFFFFFF50] =	vst v22  }
0x3e4: {  	v48 =	vsel vm2, v60, v3;
	v49 =	vsel vm2, v12, v4;
	v45 =	vmax.f32 v45, v21;
	[tilespmem:s11+$0xFFFFFF60] =	vst v27;
	v12 =	vld [tilespmem:s15+$0xFFFFFFC0]  }
0x3e5: {  	v59 =	vsel vm2, v20, v6;
	v27 =	vmax.f32 v46, v13;
	v29 =	vld [tilespmem:s15+$0x40];
	[tilespmem:s11+$0xFFFFFF70] =	vst v30;
	v30 =	vsel vm2, v15, v5  }
0x3e6: {  	v10 =	vsel vm0, v10, v0;
	v22 =	vld [tilespmem:s15+$0xFFFFFF50];
	v20 =	vmax.f32 v31, v28;
	[tilespmem:s11+$0xFFFFFF80] =	vst v17;
	v17 =	vsel vm2, v24, v7  }
0x3e7: {  	v56 =	vsel vm0, v40, v2;
	v58 =	vsel vm0, v9, v1;
	v15 =	vld [tilespmem:s15+$0xFFFFFFD0];
	v24 =	vmax.f32 v45, v26;
	[tilespmem:s11+$0xFFFFFF90] =	vst v16  }
0x3e8: {  	v57 =	vsel vm0, v41, v3;
	v53 =	vsel vm0, v42, v4;
	v9 =	vmax.f32 v27, v18;
	v31 =	vld [tilespmem:s15+$0x50];
	[tilespmem:s11+$0xFFFFFFA0] =	vst v47  }
0x3e9: {  	v55 =	vsel vm0, v38, v5;
	v52 =	vsel vm0, v14, v6;
	v27 =	vld [tilespmem:s15+$0xFFFFFF60];
	v16 =	vmax.f32 v20, v12;
	[tilespmem:s11+$0xFFFFFFB0] =	vst v48  }
.Ltmp6:
0x3ea: {  	v54 =	vsel vm0, v19, v7;
	v50 =	vsel vm1, v32, v0;
	v20 =	vld [tilespmem:s15+$0xFFFFFFE0];
	v38 =	vmax.f32 v24, v29;
	[tilespmem:s11+$0xFFFFFFC0] =	vst v49;
	(pc) =	sbr.rel @p1 .LBB2_15-.Ltmp6, $4  }
0x3eb: {  	v51 =	vsel vm1, v33, v1;
	v48 =	vsel vm1, v34, v2;
	v9 =	vmax.f32 v9, v22;
	v14 =	vld [tilespmem:s15+$0x60];
	[tilespmem:s11+$0xFFFFFFD0] =	vst v30  }
0x3ec: {  	v46 =	vsel vm1, v36, v4;
	v49 =	vsel vm1, v35, v3;
	v30 =	vld [tilespmem:s15+$0xFFFFFF70];
	v33 =	vmax.f32 v16, v15;
	[tilespmem:s11+$0xFFFFFFE0] =	vst v59  }
0x3ed: {  	v45 =	vsel vm1, v39, v6;
	v47 =	vsel vm1, v37, v5;
	v24 =	vld [tilespmem:s15+$0xFFFFFFF0];
	v34 =	vmax.f32 v38, v31;
	[tilespmem:s11+$0xFFFFFFF0] =	vst v17  }
0x3ee: {  	v16 =	vmovc v44;
	s15 =	sadd.s32 $0x200, s15;
	v17 =	vmovc v43;
	v35 =	vmax.f32 v9, v27;
	v19 =	vld [tilespmem:s6+$0x70];
	[tilespmem:s11+$0x0] =	vst v10;
	v10 =	vmov v61;
	v9 =	vmov v62  }
0x3ef: {  	[tilespmem:s11+$0x10] =	vst v58  }
0x3f0: {  	[tilespmem:s11+$0x20] =	vst v56  }
0x3f1: {  	[tilespmem:s11+$0x30] =	vst v57  }
0x3f2: {  	[tilespmem:s11+$0x40] =	vst v53  }
0x3f3: {  	[tilespmem:s11+$0x50] =	vst v55  }
0x3f4: {  	[tilespmem:s11+$0x60] =	vst v52  }
0x3f5: {  	[tilespmem:s11+$0x70] =	vst v54  }
0x3f6: {  	[tilespmem:s6+$0x80] =	vst v50;
	v32 =	vmax.f32 v35, v30  }
0x3f7: {  	[tilespmem:s6+$0x90] =	vst v51;
	vm0 =	vle.f32 v32, $1.000000000e+00;
	vm1 =	veq.f32 v32, $1.000000000e+00  }
0x3f8: {  	[tilespmem:s6+$0xA0] =	vst v48;
	v43 =	vmpcnt.ones.xlane vm0;
	v44 =	vmpcnt.ones.xlane vm1  }
0x3f9: {  	[tilespmem:s6+$0xB0] =	vst v49  }
0x3fa: {  	[tilespmem:s6+$0xC0] =	vst v46;
	vm0 =	veq.s32 v43, $0x10;
	vm1 =	vgt.s32 v44, $0x0  }
0x3fb: {  	[tilespmem:s6+$0xD0] =	vst v47;
	vm0 =	vmand vm0, vm1  }
0x3fc: {  	[tilespmem:s6+$0xE0] =	vst v45;
	v11 =	vsel vm0, v11, v0  }
0x3fd: {  	v48 =	vmax.f32 v33, v20;
	v8 =	vsel vm0, v8, v1;
	[tilespmem:s6+$0xFFFFFF00] =	vst v11  }
0x3fe: {  	v18 =	vsel vm0, v18, v4;
	v11 =	vmax.f32 v48, v24;
	[tilespmem:s6+$0xFFFFFF10] =	vst v8  }
0x3ff: {  	v8 =	vsel vm0, v25, v2;
	[tilespmem:s6+$0xFFFFFF40] =	vst v18;
	vm6 =	vle.f32 v11, $1.000000000e+00;
	vm2 =	veq.f32 v11, $1.000000000e+00  }
0x400: {  	v11 =	vsel vm0, v13, v3;
	[tilespmem:s6+$0xFFFFFF20] =	vst v8;
	v8 =	vmpcnt.ones.xlane vm6;
	v13 =	vmpcnt.ones.xlane vm2  }
0x401: {  	[tilespmem:s6+$0xFFFFFF30] =	vst v11;
	v11 =	vsel vm0, v22, v5  }
0x402: {  	[tilespmem:s6+$0xFFFFFF50] =	vst v11;
	v11 =	vsel vm0, v30, v7;
	vm1 =	veq.s32 v8, $0x10;
	vm2 =	vgt.s32 v13, $0x0  }
0x403: {  	v8 =	vsel vm0, v27, v6;
	[tilespmem:s6+$0xFFFFFF70] =	vst v11;
	vm1 =	vmand vm1, vm2  }
0x404: {  	[tilespmem:s6+$0xFFFFFF60] =	vst v8;
	v8 =	vsel vm1, v17, v0  }
0x405: {  	v11 =	vmax.f32 v34, v14;
	v13 =	vsel vm1, v16, v1;
	[tilespmem:s6+$0xFFFFFF80] =	vst v8  }
0x406: {  	v12 =	vsel vm1, v12, v4;
	v8 =	vmax.f32 v11, v19;
	[tilespmem:s6+$0xFFFFFF90] =	vst v13  }
0x407: {  	v11 =	vsel vm1, v23, v2;
	[tilespmem:s6+$0xFFFFFFC0] =	vst v12;
	vm7 =	vle.f32 v8, $1.000000000e+00;
	vm8 =	veq.f32 v8, $1.000000000e+00  }
0x408: {  	v8 =	vsel vm1, v28, v3;
	[tilespmem:s6+$0xFFFFFFA0] =	vst v11;
	v11 =	vmpcnt.ones.xlane vm7;
	v13 =	vmpcnt.ones.xlane vm8  }
0x409: {  	[tilespmem:s6+$0xFFFFFFB0] =	vst v8;
	v8 =	vsel vm1, v15, v5  }
0x40a: {  	[tilespmem:s6+$0xFFFFFFD0] =	vst v8;
	v8 =	vsel vm1, v24, v7;
	vm0 =	veq.s32 v11, $0x10;
	vm2 =	vgt.s32 v13, $0x0  }
0x40b: {  	v11 =	vsel vm1, v20, v6;
	[tilespmem:s6+$0xFFFFFFF0] =	vst v8;
	vm0 =	vmand vm0, vm2  }
0x40c: {  	[tilespmem:s6+$0xFFFFFFE0] =	vst v11;
	v10 =	vsel vm0, v10, v0  }
0x40d: {  	v8 =	vsel vm0, v9, v1;
	[tilespmem:s6+$0x0] =	vst v10  }
0x40e: {  	v9 =	vsel vm0, v21, v2;
	[tilespmem:s6+$0x10] =	vst v8  }
0x40f: {  	v8 =	vsel vm0, v26, v3;
	[tilespmem:s6+$0x20] =	vst v9  }
0x410: {  	v9 =	vsel vm0, v29, v4;
	[tilespmem:s6+$0x30] =	vst v8  }
0x411: {  	v8 =	vsel vm0, v31, v5;
	[tilespmem:s6+$0x40] =	vst v9  }
0x412: {  	v9 =	vsel vm0, v14, v6;
	[tilespmem:s6+$0x50] =	vst v8  }
0x413: {  	v8 =	vsel vm0, v19, v7;
	[tilespmem:s6+$0x60] =	vst v9  }
0x414: {  	s18 =	sadd.s32 s4, s12;
	[tilespmem:s6+$0x70] =	vst v8  }
0x415: {  	[hbm4b:s18+s5] =	stream.linear.scatter [tilespmem:s31], [sflag:$0xF], $0x2000, $0x38;
	[tilespmem:$0x10080] =	vst v63  }
0x416: {  	_ =	swait.ge [sflag:s22], $0x2000  }
0x417: {  	s11 =	simm.s32 @!p0 $0x0;
	[sflag:s22] =	ssyncset.done $0x0;
	s6 =	rddreg [dreg:$0x10]  }
0x418: {  	s12 =	simm.s32 @!p0 $0x6000;
	[sflag:s22] =	ssyncadd.s32 $0xFFFFE000;
	s6 =	sadd.s32 @!p0 s25, s6  }
0x419: {  	[tilespmem:s12], [sflag:$0x4] =	stream.linear.gather @!p0 [hbm4b:s6+s11], $0x2000, $0x38;
	[tilespmem:$0x10080] =	vst v63  }
0x41a: {  	_ =	swait.ge [sflag:s23], $0x2000  }
0x41b: {  	[sflag:s23] =	ssyncset.done $0x0  }
0x41c: {  	s11 =	simm.s32 $0xE100;
	[sflag:s23] =	ssyncadd.s32 $0xFFFFE000  }
0x41d: {  	v8 =	vld [tilespmem:s11+$0x80]  }
0x41e: {  	v9 =	vld [tilespmem:s11+$0x90]  }
0x41f: {  	v10 =	vld [tilespmem:s11+$0xA0]  }
0x420: {  	v11 =	vld [tilespmem:s11+$0xB0]  }
0x421: {  	v13 =	vld [tilespmem:s11+$0xC0]  }
0x422: {  	v16 =	vld [tilespmem:s11+$0xD0]  }
0x423: {  	v17 =	vld [tilespmem:s11+$0xE0]  }
0x424: {  	v21 =	vld [tilespmem:s11+$0xF0]  }
0x425: {  	v23 =	vld [tilespmem:s11+$0xFFFFFF10]  }
0x426: {  	v18 =	vld [tilespmem:s11+$0xFFFFFF80]  }
0x427: {  	v12 =	vld [tilespmem:s11+$0xFFFFFF90]  }
0x428: {  	v15 =	vld [tilespmem:s11+$0x0]  }
0x429: {  	v14 =	vld [tilespmem:s11+$0x10]  }
0x42a: {  	v25 =	vld [tilespmem:s11+$0xFFFFFF00]  }
0x42b: {  	v26 =	vld [tilespmem:s11+$0xFFFFFF20]  }
0x42c: {  	v22 =	vld [tilespmem:s11+$0xFFFFFFA0]  }
0x42d: {  	v19 =	vld [tilespmem:s11+$0x20]  }
0x42e: {  	v28 =	vld [tilespmem:s11+$0xFFFFFF30]  }
0x42f: {  	v27 =	vld [tilespmem:s11+$0xFFFFFFB0]  }
0x430: {  	v41 =	vld [tilespmem:s11+$0xFFFFFF40];
	v20 =	vmax.f32 v8, v9  }
0x431: {  	v29 =	vld [tilespmem:s11+$0xFFFFFFC0];
	v20 =	vmax.f32 v20, v10  }
0x432: {  	v42 =	vld [tilespmem:s11+$0xFFFFFF50];
	v20 =	vmax.f32 v20, v11  }
0x433: {  	v31 =	vld [tilespmem:s11+$0xFFFFFFD0];
	v24 =	vmax.f32 v20, v13  }
0x434: {  	v43 =	vld [tilespmem:s11+$0xFFFFFF60];
	v51 =	vmax.f32 v18, v12;
	v24 =	vmax.f32 v24, v16  }
0x435: {  	v38 =	vld [tilespmem:s11+$0xFFFFFFE0];
	v52 =	vmax.f32 v15, v14;
	v53 =	vmax.f32 v25, v23;
	v24 =	vmax.f32 v24, v17  }
0x436: {  	v35 =	vmax.f32 v53, v26;
	v33 =	vmax.f32 v51, v22;
	v20 =	vld [tilespmem:s11+$0x30];
	v30 =	vmax.f32 v24, v21  }
0x437: {  	v35 =	vmax.f32 v35, v28;
	v24 =	vld [tilespmem:s11+$0x40];
	vm9 =	vle.f32 v30, $1.000000000e+00;
	vm10 =	veq.f32 v30, $1.000000000e+00  }
0x438: {  	v32 =	vld [tilespmem:s11+$0x60];
	v33 =	vmax.f32 v33, v27;
	v49 =	vmpcnt.ones.xlane vm9;
	v50 =	vmpcnt.ones.xlane vm10  }
0x439: {  	v34 =	vmax.f32 v52, v19;
	v35 =	vmax.f32 v35, v41;
	v36 =	vmax.f32 v33, v29;
	v30 =	vld [tilespmem:s11+$0x50]  }
0x43a: {  	v44 =	vld [tilespmem:s11+$0xFFFFFF70];
	v39 =	vmax.f32 v35, v42;
	vm0 =	veq.s32 v49, $0x10;
	vm1 =	vgt.s32 v50, $0x0  }
0x43b: {  	s6 =	simm.s32 $0xE300;
	v45 =	vld [tilespmem:s11+$0xFFFFFFF0];
	v40 =	vmax.f32 v36, v31;
	v34 =	vmax.f32 v34, v20;
	vm0 =	vmand vm0, vm1  }
0x43c: {  	v59 =	vld [tilespmem:s6+$0xE0];
	v37 =	vmax.f32 v34, v24;
	v21 =	vsel vm0, v21, v7;
	v8 =	vsel vm0, v8, v0  }
0x43d: {  	v33 =	vld [tilespmem:s11+$0x70];
	v9 =	vsel vm0, v9, v1;
	v10 =	vsel vm0, v10, v2;
	v11 =	vsel vm0, v11, v3  }
0x43e: {  	v35 =	vld [tilespmem:s6+$0x80];
	v13 =	vsel vm0, v13, v4;
	v54 =	vmax.f32 v37, v30;
	v55 =	vsel vm0, v16, v5  }
0x43f: {  	v34 =	vld [tilespmem:s6+$0x90];
	v60 =	vsel vm0, v17, v6;
	v16 =	vmax.f32 v39, v43;
	v17 =	vmax.f32 v40, v38  }
0x440: {  	v36 =	vld [tilespmem:s6+$0xA0];
	v46 =	vmax.f32 v54, v32;
	v16 =	vmax.f32 v16, v44;
	v17 =	vmax.f32 v17, v45  }
0x441: {  	v61 =	vld [tilespmem:s6+$0xF0];
	vm11 =	vle.f32 v16, $1.000000000e+00;
	vm12 =	veq.f32 v16, $1.000000000e+00;
	vm13 =	vle.f32 v17, $1.000000000e+00  }
0x442: {  	v37 =	vld [tilespmem:s6+$0xB0];
	[tilespmem:s11+$0xF0] =	vst v21;
	vm3 =	veq.f32 v17, $1.000000000e+00;
	v16 =	vmax.f32 v46, v33;
	v21 =	vmpcnt.ones.xlane vm11  }
0x443: {  	v40 =	vld [tilespmem:s6+$0xC0];
	vm14 =	vle.f32 v16, $1.000000000e+00;
	vm4 =	veq.f32 v16, $1.000000000e+00;
	v16 =	vmpcnt.ones.xlane vm12  }
0x444: {  	v39 =	vld [tilespmem:s6+$0xD0];
	[tilespmem:s11+$0x80] =	vst v8;
	v62 =	vmpcnt.ones.xlane vm13;
	v63 =	vmpcnt.ones.xlane vm3;
	v17 =	vmax.f32 v35, v34  }
0x445: {  	v8 =	vld [tilespmem:s6+$0xFFFFFF10];
	[tilespmem:s11+$0x90] =	vst v9;
	v54 =	vmpcnt.ones.xlane vm14;
	v17 =	vmax.f32 v17, v36;
	vm15 =	veq.s32 v21, $0x10  }
0x446: {  	[tilespmem:s11+$0xA0] =	vst v10;
	v10 =	vld [tilespmem:s6+$0x0];
	v21 =	vmpcnt.ones.xlane vm4;
	vm1 =	vgt.s32 v16, $0x0;
	vm2 =	veq.s32 v62, $0x10  }
0x447: {  	[tilespmem:s11+$0xB0] =	vst v11;
	v11 =	vld [tilespmem:s6+$0xFFFFFF00];
	vm8 =	vgt.s32 v63, $0x0;
	v17 =	vmax.f32 v17, v37;
	vm5 =	veq.s32 v54, $0x10  }
0x448: {  	[tilespmem:s11+$0xC0] =	vst v13;
	v16 =	vld [tilespmem:s6+$0xFFFFFF90];
	vm9 =	vmand vm15, vm1;
	vm2 =	vmand vm2, vm8;
	v9 =	vmax.f32 v17, v40  }
0x449: {  	[tilespmem:s11+$0xE0] =	vst v60;
	v17 =	vld [tilespmem:s6+$0xFFFFFF80];
	vm12 =	vgt.s32 v21, $0x0;
	v41 =	vsel vm9, v41, v4;
	v60 =	vsel vm9, v42, v5  }
0x44a: {  	[tilespmem:s11+$0xD0] =	vst v55;
	v21 =	vld [tilespmem:s6+$0x20];
	v44 =	vsel vm9, v44, v7;
	v63 =	vsel vm2, v18, v0;
	v52 =	vsel vm2, v12, v1  }
0x44b: {  	v18 =	vld [tilespmem:s6+$0xFFFFFF40];
	v53 =	vsel vm2, v22, v2;
	v42 =	vsel vm2, v27, v3;
	v9 =	vmax.f32 v9, v39;
	[tilespmem:s11+$0xFFFFFF40] =	vst v41  }
0x44c: {  	v12 =	vld [tilespmem:s6+$0xFFFFFFC0];
	v50 =	vsel vm2, v29, v4;
	v38 =	vsel vm2, v38, v6;
	[tilespmem:s11+$0xFFFFFF50] =	vst v60;
	v9 =	vmax.f32 v9, v59  }
0x44d: {  	v29 =	vld [tilespmem:s6+$0x40];
	v45 =	vsel vm2, v45, v7;
	vm13 =	vmand vm5, vm12;
	[tilespmem:s11+$0xFFFFFF90] =	vst v52;
	v13 =	vmax.f32 v9, v61  }
0x44e: {  	v22 =	vld [tilespmem:s6+$0xFFFFFF50];
	[tilespmem:s11+$0xFFFFFFA0] =	vst v53;
	vm10 =	vle.f32 v13, $1.000000000e+00;
	vm11 =	veq.f32 v13, $1.000000000e+00;
	v13 =	vsel vm9, v25, v0  }
0x44f: {  	v60 =	vsel vm13, v15, v0;
	v53 =	vsel vm13, v24, v4;
	v9 =	vld [tilespmem:s6+$0x10];
	[tilespmem:s11+$0xFFFFFF00] =	vst v13;
	v13 =	vsel vm9, v23, v1  }
0x450: {  	v25 =	vld [tilespmem:s6+$0xFFFFFF20];
	v55 =	vmpcnt.ones.xlane vm10;
	v56 =	vmpcnt.ones.xlane vm11;
	[tilespmem:s11+$0xFFFFFF10] =	vst v13;
	v13 =	vsel vm9, v26, v2  }
0x451: {  	v52 =	vsel vm13, v32, v6;
	v54 =	vsel vm13, v33, v7;
	v57 =	vmax.f32 v17, v16;
	[tilespmem:s11+$0xFFFFFF20] =	vst v13;
	v13 =	vld [tilespmem:s6+$0xFFFFFF30]  }
0x452: {  	[tilespmem:s11+$0xFFFFFF70] =	vst v44;
	v15 =	vld [tilespmem:s6+$0xFFFFFFD0];
	v26 =	vsel vm9, v28, v3;
	vm14 =	veq.s32 v55, $0x10;
	vm15 =	vgt.s32 v56, $0x0  }
0x453: {  	v23 =	vld [tilespmem:s6+$0xFFFFFFA0];
	[tilespmem:s11+$0xFFFFFF30] =	vst v26;
	v26 =	vmax.f32 v11, v8;
	v56 =	vsel vm13, v19, v2;
	vm0 =	vmand vm14, vm15  }
0x454: {  	[tilespmem:s11+$0xFFFFFF80] =	vst v63;
	v28 =	vld [tilespmem:s6+$0xFFFFFFB0];
	v55 =	vsel vm13, v30, v5;
	v58 =	vmax.f32 v10, v9;
	v46 =	vsel vm0, v61, v7  }
0x455: {  	[tilespmem:s11+$0xFFFFFFB0] =	vst v42;
	v61 =	vsel vm9, v43, v6;
	v62 =	vmax.f32 v26, v25;
	v26 =	vld [tilespmem:s6+$0x30];
	v48 =	vmax.f32 v58, v21  }
0x456: {  	[tilespmem:s11+$0xFFFFFFC0] =	vst v50;
	v43 =	vsel vm2, v31, v5;
	v58 =	vsel vm13, v14, v1;
	v31 =	vld [tilespmem:s6+$0x50];
	v27 =	vmax.f32 v62, v13  }
0x457: {  	[tilespmem:s11+$0xFFFFFFE0] =	vst v38;
	v50 =	vsel vm0, v35, v0;
	v51 =	vsel vm0, v34, v1;
	v14 =	vmax.f32 v27, v18;
	v27 =	vld [tilespmem:s6+$0xFFFFFF60]  }
0x458: {  	[tilespmem:s11+$0xFFFFFFF0] =	vst v45;
	v49 =	vsel vm0, v37, v3;
	v47 =	vmax.f32 v57, v23;
	v57 =	vsel vm13, v20, v3;
	v20 =	vld [tilespmem:s6+$0xFFFFFFE0]  }
0x459: {  	v45 =	vsel vm0, v59, v6;
	[tilespmem:s6+$0xF0] =	vst v46;
	v44 =	vmax.f32 v47, v28;
	v63 =	vmax.f32 v14, v22;
	v14 =	vld [tilespmem:s6+$0x60]  }
0x45a: {  	v30 =	vld [tilespmem:s6+$0xFFFFFF70];
	[tilespmem:s11+$0xFFFFFF60] =	vst v61;
	v46 =	vsel vm0, v40, v4;
	v19 =	vmax.f32 v44, v12;
	v61 =	vmax.f32 v48, v26  }
0x45b: {  	v24 =	vld [tilespmem:s6+$0xFFFFFFF0];
	[tilespmem:s11+$0x0] =	vst v60;
	v47 =	vsel vm0, v39, v5;
	v33 =	vmax.f32 v19, v15;
	v62 =	vmax.f32 v61, v29  }
0x45c: {  	s14 =	simm.s32 $0xE500;
	s12 =	simm.s32 $0x4;
	[tilespmem:s11+$0xFFFFFFD0] =	vst v43;
	v19 =	vld [tilespmem:s6+$0x70];
	v48 =	vsel vm0, v36, v2;
	v34 =	vmax.f32 v62, v31;
	v35 =	vmax.f32 v63, v27  }
.LBB2_17:
0x45d: {  	v32 =	vld [tilespmem:s14+$0x80];
	v36 =	vmax.f32 v33, v20;
	[tilespmem:s11+$0x10] =	vst v58;
	v58 =	vmovc v25;
	v59 =	vmovc v23;
	v40 =	vmov v21;
	v60 =	vmov v28  }
0x45e: {  	s12 =	sadd.s32 $0x4, s12;
	v41 =	vmovc v26;
	v42 =	vmov v29;
	v38 =	vmov v31;
	v33 =	vld [tilespmem:s14+$0x90];
	v21 =	vmax.f32 v34, v14;
	[tilespmem:s11+$0x20] =	vst v56  }
0x45f: {  	p0 =	slt.u32 s12, $0x3C;
	v34 =	vld [tilespmem:s14+$0xA0];
	v23 =	vmax.f32 v35, v30;
	[tilespmem:s11+$0x30] =	vst v57  }
0x460: {  	v35 =	vld [tilespmem:s14+$0xB0];
	vm0 =	vle.f32 v23, $1.000000000e+00;
	vm1 =	veq.f32 v23, $1.000000000e+00;
	v23 =	vmax.f32 v36, v24;
	[tilespmem:s11+$0x40] =	vst v53  }
0x461: {  	v36 =	vld [tilespmem:s14+$0xC0];
	vm2 =	vle.f32 v23, $1.000000000e+00;
	vm3 =	veq.f32 v23, $1.000000000e+00;
	v21 =	vmax.f32 v21, v19;
	[tilespmem:s11+$0x50] =	vst v55  }
0x462: {  	v23 =	vmpcnt.ones.xlane vm0;
	v37 =	vld [tilespmem:s14+$0xD0];
	vm0 =	vle.f32 v21, $1.000000000e+00;
	vm4 =	veq.f32 v21, $1.000000000e+00;
	[tilespmem:s11+$0x60] =	vst v52  }
0x463: {  	v25 =	vmpcnt.ones.xlane vm1;
	v26 =	vmpcnt.ones.xlane vm2;
	v39 =	vld [tilespmem:s14+$0xE0];
	v21 =	vmax.f32 v32, v33;
	[tilespmem:s11+$0x70] =	vst v54;
	s11 =	smov.u32 s6;
	s6 =	smov.u32 s14  }
0x464: {  	v28 =	vmpcnt.ones.xlane vm3;
	v31 =	vmpcnt.ones.xlane vm0;
	v29 =	vld [tilespmem:s14+$0xF0];
	v21 =	vmax.f32 v21, v34;
	[tilespmem:s11+$0x80] =	vst v50  }
0x465: {  	vm0 =	veq.s32 v23, $0x10;
	v23 =	vmpcnt.ones.xlane vm4;
	v50 =	vld [tilespmem:s14+$0xFFFFFF10];
	v21 =	vmax.f32 v21, v35;
	[tilespmem:s11+$0x90] =	vst v51  }
0x466: {  	vm1 =	vgt.s32 v25, $0x0;
	vm2 =	veq.s32 v26, $0x10;
	v43 =	vld [tilespmem:s14+$0xFFFFFF80];
	v21 =	vmax.f32 v21, v36;
	[tilespmem:s11+$0xA0] =	vst v48  }
0x467: {  	vm4 =	vgt.s32 v28, $0x0;
	vm5 =	veq.s32 v31, $0x10;
	v44 =	vld [tilespmem:s14+$0xFFFFFF90];
	v21 =	vmax.f32 v21, v37;
	[tilespmem:s11+$0xB0] =	vst v49  }
0x468: {  	vm3 =	vmand vm0, vm1;
	vm0 =	vgt.s32 v23, $0x0;
	v61 =	vld [tilespmem:s14+$0x0];
	v21 =	vmax.f32 v21, v39;
	[tilespmem:s11+$0xC0] =	vst v46  }
0x469: {  	vm2 =	vmand vm2, vm4;
	vm0 =	vmand vm5, vm0;
	v62 =	vld [tilespmem:s14+$0x10];
	v21 =	vmax.f32 v21, v29;
	[tilespmem:s11+$0xD0] =	vst v47  }
0x46a: {  	vm1 =	vle.f32 v21, $1.000000000e+00;
	vm4 =	veq.f32 v21, $1.000000000e+00;
	v21 =	vsel vm3, v11, v0;
	v11 =	vld [tilespmem:s14+$0xFFFFFF00];
	[tilespmem:s11+$0xE0] =	vst v45  }
0x46b: {  	v25 =	vld [tilespmem:s14+$0xFFFFFF20];
	v26 =	vmpcnt.ones.xlane vm1;
	v28 =	vmpcnt.ones.xlane vm4;
	[tilespmem:s11+$0xFFFFFF00] =	vst v21;
	v21 =	vsel vm3, v8, v1;
	v8 =	vmovc v50  }
0x46c: {  	v46 =	vsel vm3, v13, v3;
	v45 =	vsel vm3, v58, v2;
	v23 =	vld [tilespmem:s14+$0xFFFFFFA0];
	v31 =	vmax.f32 v43, v44;
	[tilespmem:s11+$0xFFFFFF10] =	vst v21  }
0x46d: {  	v18 =	vsel vm3, v18, v4;
	v21 =	vld [tilespmem:s14+$0x20];
	vm1 =	veq.s32 v26, $0x10;
	vm4 =	vgt.s32 v28, $0x0;
	[tilespmem:s11+$0xFFFFFF20] =	vst v45  }
0x46e: {  	v22 =	vsel vm3, v22, v5;
	v13 =	vld [tilespmem:s14+$0xFFFFFF30];
	v45 =	vmax.f32 v61, v62;
	vm1 =	vmand vm1, vm4;
	[tilespmem:s11+$0xFFFFFF30] =	vst v46  }
0x46f: {  	v27 =	vsel vm3, v27, v6;
	v26 =	vmax.f32 v11, v8;
	v28 =	vld [tilespmem:s14+$0xFFFFFFB0];
	v29 =	vsel vm1, v29, v7;
	[tilespmem:s11+$0xFFFFFF40] =	vst v18  }
0x470: {  	v30 =	vsel vm3, v30, v7;
	v17 =	vsel vm2, v17, v0;
	v46 =	vmax.f32 v26, v25;
	v26 =	vld [tilespmem:s14+$0x30];
	[tilespmem:s14+$0xF0] =	vst v29  }
0x471: {  	v16 =	vsel vm2, v16, v1;
	v47 =	vsel vm2, v59, v2;
	v18 =	vld [tilespmem:s14+$0xFFFFFF40];
	v31 =	vmax.f32 v31, v23;
	[tilespmem:s11+$0xFFFFFF50] =	vst v22  }
0x472: {  	v48 =	vsel vm2, v60, v3;
	v49 =	vsel vm2, v12, v4;
	v45 =	vmax.f32 v45, v21;
	[tilespmem:s11+$0xFFFFFF60] =	vst v27;
	v12 =	vld [tilespmem:s14+$0xFFFFFFC0]  }
0x473: {  	v59 =	vsel vm2, v20, v6;
	v27 =	vmax.f32 v46, v13;
	v29 =	vld [tilespmem:s14+$0x40];
	[tilespmem:s11+$0xFFFFFF70] =	vst v30;
	v30 =	vsel vm2, v15, v5  }
0x474: {  	v10 =	vsel vm0, v10, v0;
	v22 =	vld [tilespmem:s14+$0xFFFFFF50];
	v20 =	vmax.f32 v31, v28;
	[tilespmem:s11+$0xFFFFFF80] =	vst v17;
	v17 =	vsel vm2, v24, v7  }
0x475: {  	v56 =	vsel vm0, v40, v2;
	v58 =	vsel vm0, v9, v1;
	v15 =	vld [tilespmem:s14+$0xFFFFFFD0];
	v24 =	vmax.f32 v45, v26;
	[tilespmem:s11+$0xFFFFFF90] =	vst v16  }
0x476: {  	v57 =	vsel vm0, v41, v3;
	v53 =	vsel vm0, v42, v4;
	v9 =	vmax.f32 v27, v18;
	v31 =	vld [tilespmem:s14+$0x50];
	[tilespmem:s11+$0xFFFFFFA0] =	vst v47  }
0x477: {  	v55 =	vsel vm0, v38, v5;
	v52 =	vsel vm0, v14, v6;
	v27 =	vld [tilespmem:s14+$0xFFFFFF60];
	v16 =	vmax.f32 v20, v12;
	[tilespmem:s11+$0xFFFFFFB0] =	vst v48  }
.Ltmp7:
0x478: {  	v54 =	vsel vm0, v19, v7;
	v50 =	vsel vm1, v32, v0;
	v20 =	vld [tilespmem:s14+$0xFFFFFFE0];
	v38 =	vmax.f32 v24, v29;
	[tilespmem:s11+$0xFFFFFFC0] =	vst v49;
	(pc) =	sbr.rel @p0 .LBB2_17-.Ltmp7, $4  }
0x479: {  	v51 =	vsel vm1, v33, v1;
	v48 =	vsel vm1, v34, v2;
	v9 =	vmax.f32 v9, v22;
	v14 =	vld [tilespmem:s14+$0x60];
	[tilespmem:s11+$0xFFFFFFD0] =	vst v30  }
0x47a: {  	v46 =	vsel vm1, v36, v4;
	v49 =	vsel vm1, v35, v3;
	v30 =	vld [tilespmem:s14+$0xFFFFFF70];
	v33 =	vmax.f32 v16, v15;
	[tilespmem:s11+$0xFFFFFFE0] =	vst v59  }
0x47b: {  	v45 =	vsel vm1, v39, v6;
	v47 =	vsel vm1, v37, v5;
	v24 =	vld [tilespmem:s14+$0xFFFFFFF0];
	v34 =	vmax.f32 v38, v31;
	[tilespmem:s11+$0xFFFFFFF0] =	vst v17  }
0x47c: {  	v16 =	vmovc v44;
	s14 =	sadd.s32 $0x200, s14;
	v17 =	vmovc v43;
	v35 =	vmax.f32 v9, v27;
	v19 =	vld [tilespmem:s6+$0x70];
	[tilespmem:s11+$0x0] =	vst v10;
	v10 =	vmov v61;
	v9 =	vmov v62  }
0x47d: {  	[tilespmem:s11+$0x10] =	vst v58  }
0x47e: {  	[tilespmem:s11+$0x20] =	vst v56  }
0x47f: {  	[tilespmem:s11+$0x30] =	vst v57  }
0x480: {  	[tilespmem:s11+$0x40] =	vst v53  }
0x481: {  	[tilespmem:s11+$0x50] =	vst v55  }
0x482: {  	[tilespmem:s11+$0x60] =	vst v52  }
0x483: {  	[tilespmem:s11+$0x70] =	vst v54  }
0x484: {  	[tilespmem:s6+$0x80] =	vst v50;
	v32 =	vmax.f32 v35, v30  }
0x485: {  	[tilespmem:s6+$0x90] =	vst v51;
	vm0 =	vle.f32 v32, $1.000000000e+00;
	vm1 =	veq.f32 v32, $1.000000000e+00  }
0x486: {  	[tilespmem:s6+$0xA0] =	vst v48;
	v43 =	vmpcnt.ones.xlane vm0;
	v44 =	vmpcnt.ones.xlane vm1  }
0x487: {  	[tilespmem:s6+$0xB0] =	vst v49  }
0x488: {  	[tilespmem:s6+$0xC0] =	vst v46;
	vm0 =	veq.s32 v43, $0x10;
	vm1 =	vgt.s32 v44, $0x0  }
0x489: {  	[tilespmem:s6+$0xD0] =	vst v47;
	vm0 =	vmand vm0, vm1  }
0x48a: {  	[tilespmem:s6+$0xE0] =	vst v45;
	v11 =	vsel vm0, v11, v0  }
0x48b: {  	v49 =	vmax.f32 v33, v20;
	v8 =	vsel vm0, v8, v1;
	[tilespmem:s6+$0xFFFFFF00] =	vst v11  }
0x48c: {  	v50 =	vmax.f32 v49, v24;
	v51 =	vsel vm0, v13, v3;
	[tilespmem:s6+$0xFFFFFF10] =	vst v8  }
0x48d: {  	vm13 =	vle.f32 v50, $1.000000000e+00;
	vm2 =	veq.f32 v50, $1.000000000e+00;
	v8 =	vsel vm0, v25, v2;
	[tilespmem:s6+$0xFFFFFF30] =	vst v51  }
0x48e: {  	v52 =	vmpcnt.ones.xlane vm2;
	v18 =	vsel vm0, v18, v4;
	[tilespmem:s6+$0xFFFFFF20] =	vst v8;
	v8 =	vmpcnt.ones.xlane vm13  }
0x48f: {  	v53 =	vsel vm0, v22, v5;
	[tilespmem:s6+$0xFFFFFF40] =	vst v18  }
0x490: {  	vm2 =	vgt.s32 v52, $0x0;
	v54 =	vsel vm0, v30, v7;
	[tilespmem:s6+$0xFFFFFF50] =	vst v53;
	vm1 =	veq.s32 v8, $0x10  }
0x491: {  	[tilespmem:s6+$0xFFFFFF70] =	vst v54;
	v8 =	vsel vm0, v27, v6;
	vm1 =	vmand vm1, vm2  }
0x492: {  	[tilespmem:s6+$0xFFFFFF60] =	vst v8;
	v8 =	vsel vm1, v17, v0  }
0x493: {  	v55 =	vmax.f32 v34, v14;
	v56 =	vsel vm1, v16, v1;
	[tilespmem:s6+$0xFFFFFF80] =	vst v8  }
0x494: {  	v57 =	vsel vm1, v23, v2;
	v8 =	vmax.f32 v55, v19;
	[tilespmem:s6+$0xFFFFFF90] =	vst v56  }
0x495: {  	v12 =	vsel vm1, v12, v4;
	[tilespmem:s6+$0xFFFFFFA0] =	vst v57;
	vm14 =	vle.f32 v8, $1.000000000e+00;
	vm15 =	veq.f32 v8, $1.000000000e+00  }
0x496: {  	v60 =	vsel vm1, v20, v6;
	[tilespmem:s6+$0xFFFFFFC0] =	vst v12;
	v58 =	vmpcnt.ones.xlane vm14;
	v59 =	vmpcnt.ones.xlane vm15  }
0x497: {  	[tilespmem:s6+$0xFFFFFFE0] =	vst v60;
	v8 =	vsel vm1, v28, v3  }
0x498: {  	[tilespmem:s6+$0xFFFFFFB0] =	vst v8;
	v8 =	vsel vm1, v15, v5;
	vm0 =	veq.s32 v58, $0x10;
	vm2 =	vgt.s32 v59, $0x0  }
0x499: {  	[tilespmem:s6+$0xFFFFFFD0] =	vst v8;
	v8 =	vsel vm1, v24, v7;
	vm0 =	vmand vm0, vm2  }
0x49a: {  	[tilespmem:s6+$0xFFFFFFF0] =	vst v8;
	v10 =	vsel vm0, v10, v0  }
0x49b: {  	v8 =	vsel vm0, v9, v1;
	[tilespmem:s6+$0x0] =	vst v10  }
0x49c: {  	v61 =	vsel vm0, v21, v2;
	[tilespmem:s6+$0x10] =	vst v8  }
0x49d: {  	s24 =	sadd.s32 $0x1, s24;
	v62 =	vsel vm0, v29, v4;
	[tilespmem:s6+$0x20] =	vst v61  }
0x49e: {  	p0 =	sne.s32 s24, $0x10;
	v63 =	vsel vm0, v14, v6;
	[tilespmem:s6+$0x40] =	vst v62  }
.Ltmp8:
0x49f: {  	v8 =	vsel vm0, v26, v3;
	[tilespmem:s6+$0x60] =	vst v63;
	(pc) =	sbr.rel @p0 .LBB2_2-.Ltmp8, $4  }
0x4a0: {  	[tilespmem:s6+$0x30] =	vst v8;
	v8 =	vsel vm0, v31, v5  }
0x4a1: {  	[tilespmem:s6+$0x50] =	vst v8;
	v8 =	vsel vm0, v19, v7  }
0x4a2: {  	s25 =	sadd.s32 s4, s13;
	[tilespmem:s6+$0x70] =	vst v8  }
0x4a3: {  	[hbm4b:s25+s5] =	stream.linear.scatter [tilespmem:s1], [sflag:$0x10], $0x2000, $0x38;
	[tilespmem:$0x10080] =	vst v63  }
0x4a4: {  	s6 =	simm.s32 $0xD  }
0x4a5: {  	_ =	swait.ge [sflag:s6], $0x2000  }
0x4a6: {  	[sflag:s6] =	ssyncset.done $0x0  }
0x4a7: {  	s18 =	simm.s32 $0xE;
	[sflag:s6] =	ssyncadd.s32 $0xFFFFE000  }
0x4a8: {  	_ =	swait.ge [sflag:s18], $0x2000  }
0x4a9: {  	[sflag:s18] =	ssyncset.done $0x0  }
0x4aa: {  	s24 =	simm.s32 $0xF;
	[sflag:s18] =	ssyncadd.s32 $0xFFFFE000  }
0x4ab: {  	_ =	swait.ge [sflag:s24], $0x2000  }
0x4ac: {  	[sflag:s24] =	ssyncset.done $0x0  }
0x4ad: {  	s11 =	simm.s32 $0x10;
	[sflag:s24] =	ssyncadd.s32 $0xFFFFE000  }
0x4ae: {  	_ =	swait.ge [sflag:s11], $0x2000  }
0x4af: {  	s12 =	rddreg [dreg:$0x12]  }
0x4b0: {  	s25 =	rddreg [dreg:$0x11];
	s12 =	sadd.s32 $0x1, s12  }
0x4b1: {  	p0 =	sne.s32 s12, s25  }
.Ltmp9:
0x4b2: {  	_ = 	snop;
	(pc) =	sbr.rel @p0 .LBB2_1-.Ltmp9, $3  }
0x4b3: {  	_ =	sdelay $0x1  }
0x4b4: {  	[sflag:s11] =	ssyncset.done $0x0  }
0x4b5: {  	[sflag:s11] =	ssyncadd.s32 $0xFFFFE000  }
0x4b6: {  	_ =	sfence.sel $0x180000  }
0x4b7: {  	[bflag:$0x0] =	sbarrier.arrive $0xFFFF  }
0x4b8: {  	_ =	strace $0x90000047  }
0x4b9: {  	s0 =	stileid.u32;
	[bflag:$0x2] =	sbarrier.arrive $0xFFFF  }
0x4ba: {  	p0 =	sne.s32 s0, $0x0;
	s0 =	rddreg [dreg:$0x3]  }
0x4bb: {  	s0 =	sadd.s32 @!p0 $0x100000, s0  }
0x4bc: {  	[sflag:s0] =	ssyncadd.tile.s32 @!p0 $0x1;
	_ =	shalt  }
.Lfunc_end2:
_tile_overlayer_lowered:
.L_overlay_start_2:
0x4bd: {  	(tag) =	ssettag $0x2  }
0x4be: {  	s0 =	rddreg [dreg:$0x0];
	s2 =	stileid.u32  }
0x4bf: {  	s1 =	rddreg [dreg:$0x1];
	p0 =	sne.s32 s2, $0x0  }
0x4c0: {  	s3 =	rddreg [dreg:$0x2];
	[bflag:$0x3] =	sbarrier.arrive $0xFFFF;
	s2 =	simm.s32 @!p0 $0x1C11  }
0x4c1: {  	[timem:s3], [sflag:s2] =	dma.local @!p0 [hbm:s0], s1  }
0x4c2: {  	s0 =	simm.s32 @!p0 $0x11  }
0x4c3: {  	_ =	swait.ge @!p0 [sflag:s0], s1  }
0x4c4: {  	s1 =	ssub.s32 @!p0 $0x0, s1;
	[sflag:s0] =	ssyncset.done @!p0 $0x0  }
0x4c5: {  	[sflag:s0] =	ssyncadd.s32 @!p0 s1  }
0x4c6: {  	[bflag:$0x3] =	sbarrier.arrive $0xFFFF  }
0x4c7: {  	_ =	shalt  }

</sc_bundles>
